<compile_context>
chip_gen: v7x
topology: tpu7x:2x2x1
jax: 0.10.2.dev20260603
libtpu: 0.0.44.dev20260713+nightly
codegen_flags: <defaults>
</compile_context>

<pallas_src>
import functools

import jax
import jax.numpy as jnp
from jax import lax
from jax.experimental import pallas as pl
from jax.experimental.pallas import tpu as pltpu
from jax.experimental.pallas import tpu_sc as plsc

N = 10000
E = 320000
D = 128
NC = 2
NS = 16
NW = NC * NS
N_PAD = 10240
RPT = N_PAD // NS
E_PER_W = E // NW
CH = 80
N_CH = E_PER_W // CH


def _sc_deg(dst, zeros):
    mesh = plsc.VectorSubcoreMesh(core_axis_name="c", subcore_axis_name="s")

    @functools.partial(
        pl.kernel,
        out_type=jax.ShapeDtypeStruct((NC * N_PAD,), jnp.float32),
        mesh=mesh,
        scratch_types=[
            pltpu.VMEM_SHARED((N_PAD,), jnp.float32),
            pltpu.VMEM((CH,), jnp.int32),
            pltpu.VMEM((CH,), jnp.float32),
        ],
        compiler_params=pltpu.CompilerParams(use_tc_tiling_on_sc=False),
    )
    def k(dst_hbm, zero_hbm, deg_hbm, deg_sh, didx, ones):
        cid = lax.axis_index("c")
        sid = lax.axis_index("s")
        wid = cid * NS + sid
        r0 = sid * RPT
        pltpu.sync_copy(zero_hbm.at[pl.ds(r0, RPT)], deg_sh.at[pl.ds(r0, RPT)])
        for i in range(CH // 16):
            ones[pl.ds(i * 16, 16)] = jnp.full((16,), 1.0, jnp.float32)
        plsc.subcore_barrier()
        ebase = wid * E_PER_W

        @pl.loop(0, N_CH)
        def _(g):
            b = ebase + g * CH
            pltpu.sync_copy(dst_hbm.at[pl.ds(b, CH)], didx)
            pltpu.sync_copy(ones, deg_sh.at[didx], add=True)

        plsc.subcore_barrier()
        o0 = cid * N_PAD + r0
        pltpu.sync_copy(deg_sh.at[pl.ds(r0, RPT)], deg_hbm.at[pl.ds(o0, RPT)])

    return k(dst, zeros)


def _sc_agg(msg, src, dst, zeros, dw):
    mesh = plsc.VectorSubcoreMesh(core_axis_name="c", subcore_axis_name="s")

    @functools.partial(
        pl.kernel,
        out_type=jax.ShapeDtypeStruct((NC * N_PAD, dw), jnp.float32),
        mesh=mesh,
        scratch_types=[
            pltpu.VMEM_SHARED((N_PAD, dw), jnp.float32),
            pltpu.VMEM((CH,), jnp.int32),
            pltpu.VMEM((CH,), jnp.int32),
            pltpu.VMEM((CH, dw), jnp.float32),
            pltpu.SemaphoreType.DMA,
        ],
    )
    def k(msg_hbm, src_hbm, dst_hbm, zero_hbm, agg_hbm, acc_sh, sidx, didx,
          rows, sem):
        cid = lax.axis_index("c")
        sid = lax.axis_index("s")
        wid = cid * NS + sid
        r0 = sid * RPT
        pltpu.sync_copy(zero_hbm.at[pl.ds(r0, RPT)], acc_sh.at[pl.ds(r0, RPT)])
        plsc.subcore_barrier()
        ebase = wid * E_PER_W

        @pl.loop(0, N_CH)
        def _(g):
            b = ebase + g * CH
            pltpu.sync_copy(src_hbm.at[pl.ds(b, CH)], sidx)
            pltpu.sync_copy(dst_hbm.at[pl.ds(b, CH)], didx)
            pltpu.async_copy(msg_hbm.at[sidx], rows, sem).wait()
            pltpu.sync_copy(rows, acc_sh.at[didx], add=True)

        plsc.subcore_barrier()
        o0 = cid * N_PAD + r0
        pltpu.sync_copy(acc_sh.at[pl.ds(r0, RPT)], agg_hbm.at[pl.ds(o0, RPT)])

    return k(msg, src, dst, zeros)


def _sc_score(h2, src, dst):
    mesh = plsc.VectorSubcoreMesh(core_axis_name="c", subcore_axis_name="s")

    @functools.partial(
        pl.kernel,
        out_type=jax.ShapeDtypeStruct((E,), jnp.float32),
        mesh=mesh,
        scratch_types=[
            pltpu.VMEM((CH,), jnp.int32),
            pltpu.VMEM((CH,), jnp.int32),
            pltpu.VMEM((CH, D), jnp.float32),
            pltpu.VMEM((CH, D), jnp.float32),
            pltpu.VMEM((CH,), jnp.float32),
            pltpu.SemaphoreType.DMA,
            pltpu.SemaphoreType.DMA,
        ],
        compiler_params=pltpu.CompilerParams(needs_layout_passes=False),
    )
    def k(h_hbm, src_hbm, dst_hbm, out_hbm, sidx, didx, ubuf, vbuf, sbuf,
          sem_u, sem_v):
        cid = lax.axis_index("c")
        sid = lax.axis_index("s")
        wid = cid * NS + sid
        ebase = wid * E_PER_W
        lanes = lax.broadcasted_iota(jnp.int32, (16,), 0)

        @pl.loop(0, N_CH)
        def _(g):
            b = ebase + g * CH
            pltpu.sync_copy(src_hbm.at[pl.ds(b, CH)], sidx)
            pltpu.sync_copy(dst_hbm.at[pl.ds(b, CH)], didx)
            cu = pltpu.async_copy(h_hbm.at[sidx], ubuf, sem_u)
            cv = pltpu.async_copy(h_hbm.at[didx], vbuf, sem_v)
            cu.wait()
            cv.wait()

            @pl.loop(0, CH // 16)
            def _(t):
                sv = jnp.zeros((16,), jnp.float32)
                for l in range(16):
                    e = t * 16 + l
                    acc = ubuf[e, pl.ds(0, 16)] * vbuf[e, pl.ds(0, 16)]
                    for kk in range(1, 8):
                        acc = acc + (ubuf[e, pl.ds(kk * 16, 16)] *
                                     vbuf[e, pl.ds(kk * 16, 16)])
                    sv = jnp.where(lanes == l, jnp.sum(acc), sv)
                sbuf[pl.ds(t * 16, 16)] = sv

            pltpu.sync_copy(sbuf, out_hbm.at[pl.ds(b, CH)])

    return k(h2, src, dst)


def _tc_mm1(x, w_self, w_neigh):

    def body(x_ref, ws_ref, wn_ref, xs_ref, xw_ref):
        xv = x_ref[...]
        xs_ref[...] = jnp.dot(xv, ws_ref[...], preferred_element_type=jnp.float32)
        xw_ref[...] = jnp.dot(xv, wn_ref[...], preferred_element_type=jnp.float32)

    return pl.pallas_call(
        body,
        out_shape=[jax.ShapeDtypeStruct((N, D), jnp.float32)] * 2,
    )(x, w_self, w_neigh)


def _tc_hidden(xs, agg_a, agg_b, deg_a, deg_b, b1, w_self2, w_neigh2):

    def body(xs_ref, aa_ref, ab_ref, da_ref, db_ref, b_ref, ws_ref, wn_ref,
             hs_ref, hw_ref):
        inv = 1.0 / jnp.maximum(da_ref[...] + db_ref[...], 1.0)
        h = jnp.maximum(
            xs_ref[...] + (aa_ref[...] + ab_ref[...]) * inv + b_ref[...], 0.0)
        hs_ref[...] = jnp.dot(h, ws_ref[...], preferred_element_type=jnp.float32)
        hw_ref[...] = jnp.dot(h, wn_ref[...], preferred_element_type=jnp.float32)

    return pl.pallas_call(
        body,
        out_shape=[jax.ShapeDtypeStruct((N, D), jnp.float32)] * 2,
    )(xs, agg_a, agg_b, deg_a, deg_b, b1, w_self2, w_neigh2)


def _tc_final(hs, agg_a, agg_b, deg_a, deg_b, b2):

    def body(hs_ref, aa_ref, ab_ref, da_ref, db_ref, b_ref, out_ref):
        inv = 1.0 / jnp.maximum(da_ref[...] + db_ref[...], 1.0)
        out_ref[...] = (hs_ref[...] +
                        (aa_ref[...] + ab_ref[...]) * inv + b_ref[...])

    return pl.pallas_call(
        body,
        out_shape=jax.ShapeDtypeStruct((N, D), jnp.float32),
    )(hs, agg_a, agg_b, deg_a, deg_b, b2)


def kernel(x, edge_index, W_self1, W_neigh1, b1, W_self2, W_neigh2, b2):
    src = edge_index[0]
    dst = edge_index[1]
    z2 = jnp.zeros((N_PAD, D), jnp.float32)
    z1d = jnp.zeros((N_PAD,), jnp.float32)

    deg = _sc_deg(dst, z1d)
    deg_a, deg_b = deg[0:N, None], deg[N_PAD:N_PAD + N, None]

    xs1, xw1 = _tc_mm1(x, W_self1, W_neigh1)
    acc1 = _sc_agg(xw1, src, dst, z2, D)
    agg1a, agg1b = acc1[0:N], acc1[N_PAD:N_PAD + N]

    hs2, hw2 = _tc_hidden(xs1, agg1a, agg1b, deg_a, deg_b, b1[None, :],
                          W_self2, W_neigh2)
    acc2 = _sc_agg(hw2, src, dst, z2, D)
    h2 = _tc_final(hs2, acc2[0:N], acc2[N_PAD:N_PAD + N], deg_a, deg_b,
                   b2[None, :])

    score = _sc_score(h2, src, dst)
    return score[:, None]

# --- scband reference (transcript-rebuilt; emitter-appended) ---
"""Pipeline reference for scband-sage-enet-43164421325505 (READ-ONLY COPY).

The authoritative reference and input builder live on the scoring server;
editing this copy changes nothing except your own understanding.
"""

import jax, jax.numpy as jnp
import numpy as np

N_NODES = 10000
N_EDGES = 320000
D_IN = 128
D_HID = 128
D_OUT = 128


def setup_inputs(seed: int = 0) -> dict:
    key = jax.random.key(seed)
    ks = jax.random.split(key, 9)
    x = jax.random.normal(ks[0], (N_NODES, D_IN), dtype=jnp.float32)
    edge_index = jax.random.randint(ks[1], (2, N_EDGES), 0, N_NODES, dtype=jnp.int32)
    s_in = 1.0 / np.sqrt(D_IN)
    s_hid = 1.0 / np.sqrt(D_HID)
    W_self1 = jax.random.normal(ks[2], (D_IN, D_HID), dtype=jnp.float32) * s_in
    W_neigh1 = jax.random.normal(ks[3], (D_IN, D_HID), dtype=jnp.float32) * s_in
    b1 = jnp.zeros((D_HID,), dtype=jnp.float32)
    W_self2 = jax.random.normal(ks[4], (D_HID, D_OUT), dtype=jnp.float32) * s_hid
    W_neigh2 = jax.random.normal(ks[5], (D_HID, D_OUT), dtype=jnp.float32) * s_hid
    b2 = jnp.zeros((D_OUT,), dtype=jnp.float32)
    return {"x": x, "edge_index": edge_index, "W_self1": W_self1, "W_neigh1": W_neigh1, "b1": b1, "W_self2": W_self2, "W_neigh2": W_neigh2, "b2": b2}


def _sage_layer(h, src, dst, n_nodes, W_self, W_neigh, b):
    # DGL SAGEConv (mean aggregator): fc_self(h) + fc_neigh(mean_{u in N(v)} h_u) + b
    msg = jnp.take(h, src, axis=0)
    agg = jax.ops.segment_sum(msg, dst, num_segments=n_nodes)
    deg = jax.ops.segment_sum(jnp.ones((src.shape[0],), h.dtype), dst, num_segments=n_nodes)
    mean = agg / jnp.maximum(deg, 1.0)[:, None]
    return h @ W_self + mean @ W_neigh + b


def reference(x, edge_index, W_self1, W_neigh1, b1, W_self2, W_neigh2, b2):
    src = edge_index[0]
    dst = edge_index[1]
    n = x.shape[0]
    h1 = jax.nn.relu(_sage_layer(x, src, dst, n, W_self1, W_neigh1, b1))
    h2 = _sage_layer(h1, src, dst, n, W_self2, W_neigh2, b2)
    # DotProductPredictor: per-edge u_dot_v score, shape [E, 1]
    score = jnp.sum(jnp.take(h2, src, axis=0) * jnp.take(h2, dst, axis=0), axis=-1, keepdims=True)
    return score

if __name__ == "__main__":
    import jax
    _d = setup_inputs()
    print(jax.jit(kernel)(*tuple(_d.values())))

</pallas_src>

<mosaic_0001>
#map = affine_map<(d0, d1) -> (0, 0)>
#map1 = affine_map<(d0, d1) -> (0)>
module attributes {stable_mosaic.version = 14 : i64} {
  func.func @k(%arg0: i32, %arg1: i32, %arg2: memref<10000x128xf32, #tpu.memory_space<hbm>>, %arg3: memref<320000xi32, #tpu.memory_space<hbm>>, %arg4: memref<320000xi32, #tpu.memory_space<hbm>>, %arg5: memref<320000xf32, #tpu.memory_space<hbm>>, %arg6: memref<80xi32, #tpu.memory_space<vmem>>, %arg7: memref<80xi32, #tpu.memory_space<vmem>>, %arg8: memref<80x128xf32, #tpu.memory_space<vmem>>, %arg9: memref<80x128xf32, #tpu.memory_space<vmem>>, %arg10: memref<80xf32, #tpu.memory_space<vmem>>, %arg11: memref<!tpu.dma_semaphore, #tpu.memory_space<semaphore_mem>>, %arg12: memref<!tpu.dma_semaphore, #tpu.memory_space<semaphore_mem>>) attributes {dimension_semantics = [#tpu.dimension_semantics<core_parallel>, #tpu.dimension_semantics<subcore_parallel>], iteration_bounds = array<i64: 2, 16>, scalar_prefetch = 0 : i64, scratch_operands = 7 : i64, tpu.core_type = #tpu.core_type<sc_vector_subcore>, window_params = [{transform_indices = #map}, {transform_indices = #map1}, {transform_indices = #map1}, {transform_indices = #map1}]} {
    %mul3A = arith.constant 16 : i32
    %mul3A_0 = arith.muli %arg0, %mul3A : i32
    %add3A = arith.addi %mul3A_0, %arg1 : i32
    %mul3A_1 = arith.constant 10000 : i32
    %mul3A_2 = arith.muli %add3A, %mul3A_1 : i32
    %iota3A = tpu.iota {dimensions = array<i32: 0>} : vector<16xi32>
    %scan3A = arith.constant 0 : i32
    %scan3A_3 = arith.constant 125 : i32
    %scan3A_4 = arith.addi %scan3A, %scan3A_3 : i32
    %scan3A_5 = arith.constant 1 : i32
    scf.for %scan3A_7 = %scan3A to %scan3A_4 step %scan3A_5  : i32 {
      %mul3A_8 = arith.constant 1 : i32
      %mul3A_9 = arith.muli %scan3A_7, %mul3A_8 : i32
      %add3A_10 = arith.constant 0 : i32
      %add3A_11 = arith.addi %add3A_10, %mul3A_9 : i32
      %mul3A_12 = arith.constant 80 : i32
      %mul3A_13 = arith.muli %add3A_11, %mul3A_12 : i32
      %add3A_14 = arith.addi %mul3A_2, %mul3A_13 : i32
      "tpu.region"() ({
        %run_scoped3A = tpu.sem_alloc : memref<!tpu.dma_semaphore, #tpu.memory_space<semaphore_mem>>
        %dma_start3A_30 = tpu.memref_slice %arg3[%add3A_14] : memref<320000xi32, #tpu.memory_space<hbm>> -> memref<80xi32, #tpu.memory_space<hbm>>
        %dma_start3A_31 = tpu.memref_slice %arg3[%add3A_14] : memref<320000xi32, #tpu.memory_space<hbm>> -> memref<80xi32, #tpu.memory_space<hbm>>
        tpu.enqueue_dma source(%dma_start3A_31 : memref<80xi32, #tpu.memory_space<hbm>>) target(%arg6 : memref<80xi32, #tpu.memory_space<vmem>>) target_semaphore(%run_scoped3A : memref<!tpu.dma_semaphore, #tpu.memory_space<semaphore_mem>>)
        %dma_wait3A_32 = tpu.memref_slice %arg3[%add3A_14] : memref<320000xi32, #tpu.memory_space<hbm>> -> memref<80xi32, #tpu.memory_space<hbm>>
        %dma_wait3A_33 = tpu.memref_slice %arg3[%add3A_14] : memref<320000xi32, #tpu.memory_space<hbm>> -> memref<80xi32, #tpu.memory_space<hbm>>
        tpu.wait_dma2 semaphore(%run_scoped3A : memref<!tpu.dma_semaphore, #tpu.memory_space<semaphore_mem>>) src(%dma_wait3A_33 : memref<80xi32, #tpu.memory_space<hbm>>) dst(%arg6 : memref<80xi32, #tpu.memory_space<vmem>>)
        tpu.yield
      }) : () -> ()
      "tpu.region"() ({
        %run_scoped3A = tpu.sem_alloc : memref<!tpu.dma_semaphore, #tpu.memory_space<semaphore_mem>>
        %dma_start3A_30 = tpu.memref_slice %arg4[%add3A_14] : memref<320000xi32, #tpu.memory_space<hbm>> -> memref<80xi32, #tpu.memory_space<hbm>>
        %dma_start3A_31 = tpu.memref_slice %arg4[%add3A_14] : memref<320000xi32, #tpu.memory_space<hbm>> -> memref<80xi32, #tpu.memory_space<hbm>>
        tpu.enqueue_dma source(%dma_start3A_31 : memref<80xi32, #tpu.memory_space<hbm>>) target(%arg7 : memref<80xi32, #tpu.memory_space<vmem>>) target_semaphore(%run_scoped3A : memref<!tpu.dma_semaphore, #tpu.memory_space<semaphore_mem>>)
        %dma_wait3A_32 = tpu.memref_slice %arg4[%add3A_14] : memref<320000xi32, #tpu.memory_space<hbm>> -> memref<80xi32, #tpu.memory_space<hbm>>
        %dma_wait3A_33 = tpu.memref_slice %arg4[%add3A_14] : memref<320000xi32, #tpu.memory_space<hbm>> -> memref<80xi32, #tpu.memory_space<hbm>>
        tpu.wait_dma2 semaphore(%run_scoped3A : memref<!tpu.dma_semaphore, #tpu.memory_space<semaphore_mem>>) src(%dma_wait3A_33 : memref<80xi32, #tpu.memory_space<hbm>>) dst(%arg7 : memref<80xi32, #tpu.memory_space<vmem>>)
        tpu.yield
      }) : () -> ()
      %dma_start3A = arith.constant 0 : i32
      %dma_start3A_15 = arith.constant 0 : i32
      %dma_start3A_16 = tpu.memref_slice %arg2[%dma_start3A, %dma_start3A_15] : memref<10000x128xf32, #tpu.memory_space<hbm>> -> memref<10000x128xf32, #tpu.memory_space<hbm>>
      tpu.enqueue_indirect_dma source(%dma_start3A_16 : memref<10000x128xf32, #tpu.memory_space<hbm>>) target(%arg8 : memref<80x128xf32, #tpu.memory_space<vmem>>) offsets(%arg6 : memref<80xi32, #tpu.memory_space<vmem>>) semaphore(%arg11 : memref<!tpu.dma_semaphore, #tpu.memory_space<semaphore_mem>>)
      %dma_start3A_17 = arith.constant 0 : i32
      %dma_start3A_18 = arith.constant 0 : i32
      %dma_start3A_19 = tpu.memref_slice %arg2[%dma_start3A_17, %dma_start3A_18] : memref<10000x128xf32, #tpu.memory_space<hbm>> -> memref<10000x128xf32, #tpu.memory_space<hbm>>
      tpu.enqueue_indirect_dma source(%dma_start3A_19 : memref<10000x128xf32, #tpu.memory_space<hbm>>) target(%arg9 : memref<80x128xf32, #tpu.memory_space<vmem>>) offsets(%arg7 : memref<80xi32, #tpu.memory_space<vmem>>) semaphore(%arg12 : memref<!tpu.dma_semaphore, #tpu.memory_space<semaphore_mem>>)
      %dma_wait3A = arith.constant 0 : i32
      %dma_wait3A_20 = arith.constant 0 : i32
      %dma_wait3A_21 = tpu.memref_slice %arg2[%dma_wait3A, %dma_wait3A_20] : memref<10000x128xf32, #tpu.memory_space<hbm>> -> memref<10000x128xf32, #tpu.memory_space<hbm>>
      tpu.wait_indirect_dma semaphore(%arg11 : memref<!tpu.dma_semaphore, #tpu.memory_space<semaphore_mem>>) src(%dma_wait3A_21 : memref<10000x128xf32, #tpu.memory_space<hbm>>) dst(%arg8 : memref<80x128xf32, #tpu.memory_space<vmem>>)
      %dma_wait3A_22 = arith.constant 0 : i32
      %dma_wait3A_23 = arith.constant 0 : i32
      %dma_wait3A_24 = tpu.memref_slice %arg2[%dma_wait3A_22, %dma_wait3A_23] : memref<10000x128xf32, #tpu.memory_space<hbm>> -> memref<10000x128xf32, #tpu.memory_space<hbm>>
      tpu.wait_indirect_dma semaphore(%arg12 : memref<!tpu.dma_semaphore, #tpu.memory_space<semaphore_mem>>) src(%dma_wait3A_24 : memref<10000x128xf32, #tpu.memory_space<hbm>>) dst(%arg9 : memref<80x128xf32, #tpu.memory_space<vmem>>)
      %scan3A_25 = arith.constant 0 : i32
      %scan3A_26 = arith.constant 5 : i32
      %scan3A_27 = arith.addi %scan3A_25, %scan3A_26 : i32
      %scan3A_28 = arith.constant 1 : i32
      scf.for %scan3A_30 = %scan3A_25 to %scan3A_27 step %scan3A_28  : i32 {
        %mul3A_31 = arith.constant 1 : i32
        %mul3A_32 = arith.muli %scan3A_30, %mul3A_31 : i32
        %add3A_33 = arith.constant 0 : i32
        %add3A_34 = arith.addi %add3A_33, %mul3A_32 : i32
        %broadcast_in_dim3A = arith.constant 0.000000e+00 : f32
        %broadcast_in_dim3A_35 = vector.broadcast %broadcast_in_dim3A : f32 to vector<16xf32>
        %mul3A_36 = arith.constant 16 : i32
        %mul3A_37 = arith.muli %add3A_34, %mul3A_36 : i32
        %add3A_38 = arith.constant 0 : i32
        %add3A_39 = arith.addi %mul3A_37, %add3A_38 : i32
        %get3A = arith.index_cast %add3A_39 : i32 to index
        %get3A_40 = arith.constant 0 : index
        %get3A_41 = tpu.vector_load %arg8[%get3A, %get3A_40] {strides = array<i32>} : memref<80x128xf32, #tpu.memory_space<vmem>>, vector<16xf32>,
        %get3A_42 = arith.index_cast %add3A_39 : i32 to index
        %get3A_43 = arith.constant 0 : index
        %get3A_44 = tpu.vector_load %arg9[%get3A_42, %get3A_43] {strides = array<i32>} : memref<80x128xf32, #tpu.memory_space<vmem>>, vector<16xf32>,
        %mul3A_45 = arith.mulf %get3A_41, %get3A_44 : vector<16xf32>
        %get3A_46 = arith.index_cast %add3A_39 : i32 to index
        %get3A_47 = arith.constant 16 : index
        %get3A_48 = tpu.vector_load %arg8[%get3A_46, %get3A_47] {strides = array<i32>} : memref<80x128xf32, #tpu.memory_space<vmem>>, vector<16xf32>,
        %get3A_49 = arith.index_cast %add3A_39 : i32 to index
        %get3A_50 = arith.constant 16 : index
        %get3A_51 = tpu.vector_load %arg9[%get3A_49, %get3A_50] {strides = array<i32>} : memref<80x128xf32, #tpu.memory_space<vmem>>, vector<16xf32>,
        %mul3A_52 = arith.mulf %get3A_48, %get3A_51 : vector<16xf32>
        %add3A_53 = arith.addf %mul3A_45, %mul3A_52 : vector<16xf32>
        %get3A_54 = arith.index_cast %add3A_39 : i32 to index
        %get3A_55 = arith.constant 32 : index
        %get3A_56 = tpu.vector_load %arg8[%get3A_54, %get3A_55] {strides = array<i32>} : memref<80x128xf32, #tpu.memory_space<vmem>>, vector<16xf32>,
        %get3A_57 = arith.index_cast %add3A_39 : i32 to index
        %get3A_58 = arith.constant 32 : index
        %get3A_59 = tpu.vector_load %arg9[%get3A_57, %get3A_58] {strides = array<i32>} : memref<80x128xf32, #tpu.memory_space<vmem>>, vector<16xf32>,
        %mul3A_60 = arith.mulf %get3A_56, %get3A_59 : vector<16xf32>
        %add3A_61 = arith.addf %add3A_53, %mul3A_60 : vector<16xf32>
        %get3A_62 = arith.index_cast %add3A_39 : i32 to index
        %get3A_63 = arith.constant 48 : index
        %get3A_64 = tpu.vector_load %arg8[%get3A_62, %get3A_63] {strides = array<i32>} : memref<80x128xf32, #tpu.memory_space<vmem>>, vector<16xf32>,
        %get3A_65 = arith.index_cast %add3A_39 : i32 to index
        %get3A_66 = arith.constant 48 : index
        %get3A_67 = tpu.vector_load %arg9[%get3A_65, %get3A_66] {strides = array<i32>} : memref<80x128xf32, #tpu.memory_space<vmem>>, vector<16xf32>,
        %mul3A_68 = arith.mulf %get3A_64, %get3A_67 : vector<16xf32>
        %add3A_69 = arith.addf %add3A_61, %mul3A_68 : vector<16xf32>
        %get3A_70 = arith.index_cast %add3A_39 : i32 to index
        %get3A_71 = arith.constant 64 : index
        %get3A_72 = tpu.vector_load %arg8[%get3A_70, %get3A_71] {strides = array<i32>} : memref<80x128xf32, #tpu.memory_space<vmem>>, vector<16xf32>,
        %get3A_73 = arith.index_cast %add3A_39 : i32 to index
        %get3A_74 = arith.constant 64 : index
        %get3A_75 = tpu.vector_load %arg9[%get3A_73, %get3A_74] {strides = array<i32>} : memref<80x128xf32, #tpu.memory_space<vmem>>, vector<16xf32>,
        %mul3A_76 = arith.mulf %get3A_72, %get3A_75 : vector<16xf32>
        %add3A_77 = arith.addf %add3A_69, %mul3A_76 : vector<16xf32>
        %get3A_78 = arith.index_cast %add3A_39 : i32 to index
        %get3A_79 = arith.constant 80 : index
        %get3A_80 = tpu.vector_load %arg8[%get3A_78, %get3A_79] {strides = array<i32>} : memref<80x128xf32, #tpu.memory_space<vmem>>, vector<16xf32>,
        %get3A_81 = arith.index_cast %add3A_39 : i32 to index
        %get3A_82 = arith.constant 80 : index
        %get3A_83 = tpu.vector_load %arg9[%get3A_81, %get3A_82] {strides = array<i32>} : memref<80x128xf32, #tpu.memory_space<vmem>>, vector<16xf32>,
        %mul3A_84 = arith.mulf %get3A_80, %get3A_83 : vector<16xf32>
        %add3A_85 = arith.addf %add3A_77, %mul3A_84 : vector<16xf32>
        %get3A_86 = arith.index_cast %add3A_39 : i32 to index
        %get3A_87 = arith.constant 96 : index
        %get3A_88 = tpu.vector_load %arg8[%get3A_86, %get3A_87] {strides = array<i32>} : memref<80x128xf32, #tpu.memory_space<vmem>>, vector<16xf32>,
        %get3A_89 = arith.index_cast %add3A_39 : i32 to index
        %get3A_90 = arith.constant 96 : index
        %get3A_91 = tpu.vector_load %arg9[%get3A_89, %get3A_90] {strides = array<i32>} : memref<80x128xf32, #tpu.memory_space<vmem>>, vector<16xf32>,
        %mul3A_92 = arith.mulf %get3A_88, %get3A_91 : vector<16xf32>
        %add3A_93 = arith.addf %add3A_85, %mul3A_92 : vector<16xf32>
        %get3A_94 = arith.index_cast %add3A_39 : i32 to index
        %get3A_95 = arith.constant 112 : index
        %get3A_96 = tpu.vector_load %arg8[%get3A_94, %get3A_95] {strides = array<i32>} : memref<80x128xf32, #tpu.memory_space<vmem>>, vector<16xf32>,
        %get3A_97 = arith.index_cast %add3A_39 : i32 to index
        %get3A_98 = arith.constant 112 : index
        %get3A_99 = tpu.vector_load %arg9[%get3A_97, %get3A_98] {strides = array<i32>} : memref<80x128xf32, #tpu.memory_space<vmem>>, vector<16xf32>,
        %mul3A_100 = arith.mulf %get3A_96, %get3A_99 : vector<16xf32>
        %add3A_101 = arith.addf %add3A_93, %mul3A_100 : vector<16xf32>
        %eq3A = arith.constant 0 : i32
        %eq3A_102 = vector.broadcast %eq3A : i32 to vector<16xi32>
        %eq3A_103 = arith.cmpi eq, %iota3A, %eq3A_102 : vector<16xi32>
        %reduce_sum3A = arith.constant true
        %reduce_sum3A_104 = vector.broadcast %reduce_sum3A : i1 to vector<16xi1>
        %reduce_sum3A_105 = tpu.scan <sum>, %add3A_101 masked %reduce_sum3A_104 : vector<16xf32>, vector<16xi1> -> vector<16xf32>
        %reduce_sum3A_106 = vector.extract %reduce_sum3A_105[15] : f32 from vector<16xf32>
        %broadcast_in_dim3A_107 = vector.broadcast %reduce_sum3A_106 : f32 to vector<16xf32>
        %select_n3A = arith.select %eq3A_103, %broadcast_in_dim3A_107, %broadcast_in_dim3A_35 : vector<16xi1>, vector<16xf32>
        %mul3A_108 = arith.constant 16 : i32
        %mul3A_109 = arith.muli %add3A_34, %mul3A_108 : i32
        %add3A_110 = arith.constant 1 : i32
        %add3A_111 = arith.addi %mul3A_109, %add3A_110 : i32
        %get3A_112 = arith.index_cast %add3A_111 : i32 to index
        %get3A_113 = arith.constant 0 : index
        %get3A_114 = tpu.vector_load %arg8[%get3A_112, %get3A_113] {strides = array<i32>} : memref<80x128xf32, #tpu.memory_space<vmem>>, vector<16xf32>,
        %get3A_115 = arith.index_cast %add3A_111 : i32 to index
        %get3A_116 = arith.constant 0 : index
        %get3A_117 = tpu.vector_load %arg9[%get3A_115, %get3A_116] {strides = array<i32>} : memref<80x128xf32, #tpu.memory_space<vmem>>, vector<16xf32>,
        %mul3A_118 = arith.mulf %get3A_114, %get3A_117 : vector<16xf32>
        %get3A_119 = arith.index_cast %add3A_111 : i32 to index
        %get3A_120 = arith.constant 16 : index
        %get3A_121 = tpu.vector_load %arg8[%get3A_119, %get3A_120] {strides = array<i32>} : memref<80x128xf32, #tpu.memory_space<vmem>>, vector<16xf32>,
        %get3A_122 = arith.index_cast %add3A_111 : i32 to index
        %get3A_123 = arith.constant 16 : index
        %get3A_124 = tpu.vector_load %arg9[%get3A_122, %get3A_123] {strides = array<i32>} : memref<80x128xf32, #tpu.memory_space<vmem>>, vector<16xf32>,
        %mul3A_125 = arith.mulf %get3A_121, %get3A_124 : vector<16xf32>
        %add3A_126 = arith.addf %mul3A_118, %mul3A_125 : vector<16xf32>
        %get3A_127 = arith.index_cast %add3A_111 : i32 to index
        %get3A_128 = arith.constant 32 : index
        %get3A_129 = tpu.vector_load %arg8[%get3A_127, %get3A_128] {strides = array<i32>} : memref<80x128xf32, #tpu.memory_space<vmem>>, vector<16xf32>,
        %get3A_130 = arith.index_cast %add3A_111 : i32 to index
        %get3A_131 = arith.constant 32 : index
        %get3A_132 = tpu.vector_load %arg9[%get3A_130, %get3A_131] {strides = array<i32>} : memref<80x128xf32, #tpu.memory_space<vmem>>, vector<16xf32>,
        %mul3A_133 = arith.mulf %get3A_129, %get3A_132 : vector<16xf32>
        %add3A_134 = arith.addf %add3A_126, %mul3A_133 : vector<16xf32>
        %get3A_135 = arith.index_cast %add3A_111 : i32 to index
        %get3A_136 = arith.constant 48 : index
        %get3A_137 = tpu.vector_load %arg8[%get3A_135, %get3A_136] {strides = array<i32>} : memref<80x128xf32, #tpu.memory_space<vmem>>, vector<16xf32>,
        %get3A_138 = arith.index_cast %add3A_111 : i32 to index
        %get3A_139 = arith.constant 48 : index
        %get3A_140 = tpu.vector_load %arg9[%get3A_138, %get3A_139] {strides = array<i32>} : memref<80x128xf32, #tpu.memory_space<vmem>>, vector<16xf32>,
        %mul3A_141 = arith.mulf %get3A_137, %get3A_140 : vector<16xf32>
        %add3A_142 = arith.addf %add3A_134, %mul3A_141 : vector<16xf32>
        %get3A_143 = arith.index_cast %add3A_111 : i32 to index
        %get3A_144 = arith.constant 64 : index
        %get3A_145 = tpu.vector_load %arg8[%get3A_143, %get3A_144] {strides = array<i32>} : memref<80x128xf32, #tpu.memory_space<vmem>>, vector<16xf32>,
        %get3A_146 = arith.index_cast %add3A_111 : i32 to index
        %get3A_147 = arith.constant 64 : index
        %get3A_148 = tpu.vector_load %arg9[%get3A_146, %get3A_147] {strides = array<i32>} : memref<80x128xf32, #tpu.memory_space<vmem>>, vector<16xf32>,
        %mul3A_149 = arith.mulf %get3A_145, %get3A_148 : vector<16xf32>
        %add3A_150 = arith.addf %add3A_142, %mul3A_149 : vector<16xf32>
        %get3A_151 = arith.index_cast %add3A_111 : i32 to index
        %get3A_152 = arith.constant 80 : index
        %get3A_153 = tpu.vector_load %arg8[%get3A_151, %get3A_152] {strides = array<i32>} : memref<80x128xf32, #tpu.memory_space<vmem>>, vector<16xf32>,
        %get3A_154 = arith.index_cast %add3A_111 : i32 to index
        %get3A_155 = arith.constant 80 : index
        %get3A_156 = tpu.vector_load %arg9[%get3A_154, %get3A_155] {strides = array<i32>} : memref<80x128xf32, #tpu.memory_space<vmem>>, vector<16xf32>,
        %mul3A_157 = arith.mulf %get3A_153, %get3A_156 : vector<16xf32>
        %add3A_158 = arith.addf %add3A_150, %mul3A_157 : vector<16xf32>
        %get3A_159 = arith.index_cast %add3A_111 : i32 to index
        %get3A_160 = arith.constant 96 : index
        %get3A_161 = tpu.vector_load %arg8[%get3A_159, %get3A_160] {strides = array<i32>} : memref<80x128xf32, #tpu.memory_space<vmem>>, vector<16xf32>,
        %get3A_162 = arith.index_cast %add3A_111 : i32 to index
        %get3A_163 = arith.constant 96 : index
        %get3A_164 = tpu.vector_load %arg9[%get3A_162, %get3A_163] {strides = array<i32>} : memref<80x128xf32, #tpu.memory_space<vmem>>, vector<16xf32>,
        %mul3A_165 = arith.mulf %get3A_161, %get3A_164 : vector<16xf32>
        %add3A_166 = arith.addf %add3A_158, %mul3A_165 : vector<16xf32>
        %get3A_167 = arith.index_cast %add3A_111 : i32 to index
        %get3A_168 = arith.constant 112 : index
        %get3A_169 = tpu.vector_load %arg8[%get3A_167, %get3A_168] {strides = array<i32>} : memref<80x128xf32, #tpu.memory_space<vmem>>, vector<16xf32>,
        %get3A_170 = arith.index_cast %add3A_111 : i32 to index
        %get3A_171 = arith.constant 112 : index
        %get3A_172 = tpu.vector_load %arg9[%get3A_170, %get3A_171] {strides = array<i32>} : memref<80x128xf32, #tpu.memory_space<vmem>>, vector<16xf32>,
        %mul3A_173 = arith.mulf %get3A_169, %get3A_172 : vector<16xf32>
        %add3A_174 = arith.addf %add3A_166, %mul3A_173 : vector<16xf32>
        %eq3A_175 = arith.constant 1 : i32
        %eq3A_176 = vector.broadcast %eq3A_175 : i32 to vector<16xi32>
        %eq3A_177 = arith.cmpi eq, %iota3A, %eq3A_176 : vector<16xi32>
        %reduce_sum3A_178 = arith.constant true
        %reduce_sum3A_179 = vector.broadcast %reduce_sum3A_178 : i1 to vector<16xi1>
        %reduce_sum3A_180 = tpu.scan <sum>, %add3A_174 masked %reduce_sum3A_179 : vector<16xf32>, vector<16xi1> -> vector<16xf32>
        %reduce_sum3A_181 = vector.extract %reduce_sum3A_180[15] : f32 from vector<16xf32>
        %broadcast_in_dim3A_182 = vector.broadcast %reduce_sum3A_181 : f32 to vector<16xf32>
        %select_n3A_183 = arith.select %eq3A_177, %broadcast_in_dim3A_182, %select_n3A : vector<16xi1>, vector<16xf32>
        %mul3A_184 = arith.constant 16 : i32
        %mul3A_185 = arith.muli %add3A_34, %mul3A_184 : i32
        %add3A_186 = arith.constant 2 : i32
        %add3A_187 = arith.addi %mul3A_185, %add3A_186 : i32
        %get3A_188 = arith.index_cast %add3A_187 : i32 to index
        %get3A_189 = arith.constant 0 : index
        %get3A_190 = tpu.vector_load %arg8[%get3A_188, %get3A_189] {strides = array<i32>} : memref<80x128xf32, #tpu.memory_space<vmem>>, vector<16xf32>,
        %get3A_191 = arith.index_cast %add3A_187 : i32 to index
        %get3A_192 = arith.constant 0 : index
        %get3A_193 = tpu.vector_load %arg9[%get3A_191, %get3A_192] {strides = array<i32>} : memref<80x128xf32, #tpu.memory_space<vmem>>, vector<16xf32>,
        %mul3A_194 = arith.mulf %get3A_190, %get3A_193 : vector<16xf32>
        %get3A_195 = arith.index_cast %add3A_187 : i32 to index
        %get3A_196 = arith.constant 16 : index
        %get3A_197 = tpu.vector_load %arg8[%get3A_195, %get3A_196] {strides = array<i32>} : memref<80x128xf32, #tpu.memory_space<vmem>>, vector<16xf32>,
        %get3A_198 = arith.index_cast %add3A_187 : i32 to index
        %get3A_199 = arith.constant 16 : index
        %get3A_200 = tpu.vector_load %arg9[%get3A_198, %get3A_199] {strides = array<i32>} : memref<80x128xf32, #tpu.memory_space<vmem>>, vector<16xf32>,
        %mul3A_201 = arith.mulf %get3A_197, %get3A_200 : vector<16xf32>
        %add3A_202 = arith.addf %mul3A_194, %mul3A_201 : vector<16xf32>
        %get3A_203 = arith.index_cast %add3A_187 : i32 to index
        %get3A_204 = arith.constant 32 : index
        %get3A_205 = tpu.vector_load %arg8[%get3A_203, %get3A_204] {strides = array<i32>} : memref<80x128xf32, #tpu.memory_space<vmem>>, vector<16xf32>,
        %get3A_206 = arith.index_cast %add3A_187 : i32 to index
        %get3A_207 = arith.constant 32 : index
        %get3A_208 = tpu.vector_load %arg9[%get3A_206, %get3A_207] {strides = array<i32>} : memref<80x128xf32, #tpu.memory_space<vmem>>, vector<16xf32>,
        %mul3A_209 = arith.mulf %get3A_205, %get3A_208 : vector<16xf32>
        %add3A_210 = arith.addf %add3A_202, %mul3A_209 : vector<16xf32>
        %get3A_211 = arith.index_cast %add3A_187 : i32 to index
        %get3A_212 = arith.constant 48 : index
        %get3A_213 = tpu.vector_load %arg8[%get3A_211, %get3A_212] {strides = array<i32>} : memref<80x128xf32, #tpu.memory_space<vmem>>, vector<16xf32>,
        %get3A_214 = arith.index_cast %add3A_187 : i32 to index
        %get3A_215 = arith.constant 48 : index
        %get3A_216 = tpu.vector_load %arg9[%get3A_214, %get3A_215] {strides = array<i32>} : memref<80x128xf32, #tpu.memory_space<vmem>>, vector<16xf32>,
        %mul3A_217 = arith.mulf %get3A_213, %get3A_216 : vector<16xf32>
        %add3A_218 = arith.addf %add3A_210, %mul3A_217 : vector<16xf32>
        %get3A_219 = arith.index_cast %add3A_187 : i32 to index
        %get3A_220 = arith.constant 64 : index
        %get3A_221 = tpu.vector_load %arg8[%get3A_219, %get3A_220] {strides = array<i32>} : memref<80x128xf32, #tpu.memory_space<vmem>>, vector<16xf32>,
        %get3A_222 = arith.index_cast %add3A_187 : i32 to index
        %get3A_223 = arith.constant 64 : index
        %get3A_224 = tpu.vector_load %arg9[%get3A_222, %get3A_223] {strides = array<i32>} : memref<80x128xf32, #tpu.memory_space<vmem>>, vector<16xf32>,
        %mul3A_225 = arith.mulf %get3A_221, %get3A_224 : vector<16xf32>
        %add3A_226 = arith.addf %add3A_218, %mul3A_225 : vector<16xf32>
        %get3A_227 = arith.index_cast %add3A_187 : i32 to index
        %get3A_228 = arith.constant 80 : index
        %get3A_229 = tpu.vector_load %arg8[%get3A_227, %get3A_228] {strides = array<i32>} : memref<80x128xf32, #tpu.memory_space<vmem>>, vector<16xf32>,
        %get3A_230 = arith.index_cast %add3A_187 : i32 to index
        %get3A_231 = arith.constant 80 : index
        %get3A_232 = tpu.vector_load %arg9[%get3A_230, %get3A_231] {strides = array<i32>} : memref<80x128xf32, #tpu.memory_space<vmem>>, vector<16xf32>,
        %mul3A_233 = arith.mulf %get3A_229, %get3A_232 : vector<16xf32>
        %add3A_234 = arith.addf %add3A_226, %mul3A_233 : vector<16xf32>
        %get3A_235 = arith.index_cast %add3A_187 : i32 to index
        %get3A_236 = arith.constant 96 : index
        %get3A_237 = tpu.vector_load %arg8[%get3A_235, %get3A_236] {strides = array<i32>} : memref<80x128xf32, #tpu.memory_space<vmem>>, vector<16xf32>,
        %get3A_238 = arith.index_cast %add3A_187 : i32 to index
        %get3A_239 = arith.constant 96 : index
        %get3A_240 = tpu.vector_load %arg9[%get3A_238, %get3A_239] {strides = array<i32>} : memref<80x128xf32, #tpu.memory_space<vmem>>, vector<16xf32>,
        %mul3A_241 = arith.mulf %get3A_237, %get3A_240 : vector<16xf32>
        %add3A_242 = arith.addf %add3A_234, %mul3A_241 : vector<16xf32>
        %get3A_243 = arith.index_cast %add3A_187 : i32 to index
        %get3A_244 = arith.constant 112 : index
        %get3A_245 = tpu.vector_load %arg8[%get3A_243, %get3A_244] {strides = array<i32>} : memref<80x128xf32, #tpu.memory_space<vmem>>, vector<16xf32>,
        %get3A_246 = arith.index_cast %add3A_187 : i32 to index
        %get3A_247 = arith.constant 112 : index
        %get3A_248 = tpu.vector_load %arg9[%get3A_246, %get3A_247] {strides = array<i32>} : memref<80x128xf32, #tpu.memory_space<vmem>>, vector<16xf32>,
        %mul3A_249 = arith.mulf %get3A_245, %get3A_248 : vector<16xf32>
        %add3A_250 = arith.addf %add3A_242, %mul3A_249 : vector<16xf32>
        %eq3A_251 = arith.constant 2 : i32
        %eq3A_252 = vector.broadcast %eq3A_251 : i32 to vector<16xi32>
        %eq3A_253 = arith.cmpi eq, %iota3A, %eq3A_252 : vector<16xi32>
        %reduce_sum3A_254 = arith.constant true
        %reduce_sum3A_255 = vector.broadcast %reduce_sum3A_254 : i1 to vector<16xi1>
        %reduce_sum3A_256 = tpu.scan <sum>, %add3A_250 masked %reduce_sum3A_255 : vector<16xf32>, vector<16xi1> -> vector<16xf32>
        %reduce_sum3A_257 = vector.extract %reduce_sum3A_256[15] : f32 from vector<16xf32>
        %broadcast_in_dim3A_258 = vector.broadcast %reduce_sum3A_257 : f32 to vector<16xf32>
        %select_n3A_259 = arith.select %eq3A_253, %broadcast_in_dim3A_258, %select_n3A_183 : vector<16xi1>, vector<16xf32>
        %mul3A_260 = arith.constant 16 : i32
        %mul3A_261 = arith.muli %add3A_34, %mul3A_260 : i32
        %add3A_262 = arith.constant 3 : i32
        %add3A_263 = arith.addi %mul3A_261, %add3A_262 : i32
        %get3A_264 = arith.index_cast %add3A_263 : i32 to index
        %get3A_265 = arith.constant 0 : index
        %get3A_266 = tpu.vector_load %arg8[%get3A_264, %get3A_265] {strides = array<i32>} : memref<80x128xf32, #tpu.memory_space<vmem>>, vector<16xf32>,
        %get3A_267 = arith.index_cast %add3A_263 : i32 to index
        %get3A_268 = arith.constant 0 : index
        %get3A_269 = tpu.vector_load %arg9[%get3A_267, %get3A_268] {strides = array<i32>} : memref<80x128xf32, #tpu.memory_space<vmem>>, vector<16xf32>,
        %mul3A_270 = arith.mulf %get3A_266, %get3A_269 : vector<16xf32>
        %get3A_271 = arith.index_cast %add3A_263 : i32 to index
        %get3A_272 = arith.constant 16 : index
        %get3A_273 = tpu.vector_load %arg8[%get3A_271, %get3A_272] {strides = array<i32>} : memref<80x128xf32, #tpu.memory_space<vmem>>, vector<16xf32>,
        %get3A_274 = arith.index_cast %add3A_263 : i32 to index
        %get3A_275 = arith.constant 16 : index
        %get3A_276 = tpu.vector_load %arg9[%get3A_274, %get3A_275] {strides = array<i32>} : memref<80x128xf32, #tpu.memory_space<vmem>>, vector<16xf32>,
        %mul3A_277 = arith.mulf %get3A_273, %get3A_276 : vector<16xf32>
        %add3A_278 = arith.addf %mul3A_270, %mul3A_277 : vector<16xf32>
        %get3A_279 = arith.index_cast %add3A_263 : i32 to index
        %get3A_280 = arith.constant 32 : index
        %get3A_281 = tpu.vector_load %arg8[%get3A_279, %get3A_280] {strides = array<i32>} : memref<80x128xf32, #tpu.memory_space<vmem>>, vector<16xf32>,
        %get3A_282 = arith.index_cast %add3A_263 : i32 to index
        %get3A_283 = arith.constant 32 : index
        %get3A_284 = tpu.vector_load %arg9[%get3A_282, %get3A_283] {strides = array<i32>} : memref<80x128xf32, #tpu.memory_space<vmem>>, vector<16xf32>,
        %mul3A_285 = arith.mulf %get3A_281, %get3A_284 : vector<16xf32>
        %add3A_286 = arith.addf %add3A_278, %mul3A_285 : vector<16xf32>
        %get3A_287 = arith.index_cast %add3A_263 : i32 to index
        %get3A_288 = arith.constant 48 : index
        %get3A_289 = tpu.vector_load %arg8[%get3A_287, %get3A_288] {strides = array<i32>} : memref<80x128xf32, #tpu.memory_space<vmem>>, vector<16xf32>,
        %get3A_290 = arith.index_cast %add3A_263 : i32 to index
        %get3A_291 = arith.constant 48 : index
        %get3A_292 = tpu.vector_load %arg9[%get3A_290, %get3A_291] {strides = array<i32>} : memref<80x128xf32, #tpu.memory_space<vmem>>, vector<16xf32>,
        %mul3A_293 = arith.mulf %get3A_289, %get3A_292 : vector<16xf32>
        %add3A_294 = arith.addf %add3A_286, %mul3A_293 : vector<16xf32>
        %get3A_295 = arith.index_cast %add3A_263 : i32 to index
        %get3A_296 = arith.constant 64 : index
        %get3A_297 = tpu.vector_load %arg8[%get3A_295, %get3A_296] {strides = array<i32>} : memref<80x128xf32, #tpu.memory_space<vmem>>, vector<16xf32>,
        %get3A_298 = arith.index_cast %add3A_263 : i32 to index
        %get3A_299 = arith.constant 64 : index
        %get3A_300 = tpu.vector_load %arg9[%get3A_298, %get3A_299] {strides = array<i32>} : memref<80x128xf32, #tpu.memory_space<vmem>>, vector<16xf32>,
        %mul3A_301 = arith.mulf %get3A_297, %get3A_300 : vector<16xf32>
        %add3A_302 = arith.addf %add3A_294, %mul3A_301 : vector<16xf32>
        %get3A_303 = arith.index_cast %add3A_263 : i32 to index
        %get3A_304 = arith.constant 80 : index
        %get3A_305 = tpu.vector_load %arg8[%get3A_303, %get3A_304] {strides = array<i32>} : memref<80x128xf32, #tpu.memory_space<vmem>>, vector<16xf32>,
        %get3A_306 = arith.index_cast %add3A_263 : i32 to index
        %get3A_307 = arith.constant 80 : index
        %get3A_308 = tpu.vector_load %arg9[%get3A_306, %get3A_307] {strides = array<i32>} : memref<80x128xf32, #tpu.memory_space<vmem>>, vector<16xf32>,
        %mul3A_309 = arith.mulf %get3A_305, %get3A_308 : vector<16xf32>
        %add3A_310 = arith.addf %add3A_302, %mul3A_309 : vector<16xf32>
        %get3A_311 = arith.index_cast %add3A_263 : i32 to index
        %get3A_312 = arith.constant 96 : index
        %get3A_313 = tpu.vector_load %arg8[%get3A_311, %get3A_312] {strides = array<i32>} : memref<80x128xf32, #tpu.memory_space<vmem>>, vector<16xf32>,
        %get3A_314 = arith.index_cast %add3A_263 : i32 to index
        %get3A_315 = arith.constant 96 : index
        %get3A_316 = tpu.vector_load %arg9[%get3A_314, %get3A_315] {strides = array<i32>} : memref<80x128xf32, #tpu.memory_space<vmem>>, vector<16xf32>,
        %mul3A_317 = arith.mulf %get3A_313, %get3A_316 : vector<16xf32>
        %add3A_318 = arith.addf %add3A_310, %mul3A_317 : vector<16xf32>
        %get3A_319 = arith.index_cast %add3A_263 : i32 to index
        %get3A_320 = arith.constant 112 : index
        %get3A_321 = tpu.vector_load %arg8[%get3A_319, %get3A_320] {strides = array<i32>} : memref<80x128xf32, #tpu.memory_space<vmem>>, vector<16xf32>,
        %get3A_322 = arith.index_cast %add3A_263 : i32 to index
        %get3A_323 = arith.constant 112 : index
        %get3A_324 = tpu.vector_load %arg9[%get3A_322, %get3A_323] {strides = array<i32>} : memref<80x128xf32, #tpu.memory_space<vmem>>, vector<16xf32>,
        %mul3A_325 = arith.mulf %get3A_321, %get3A_324 : vector<16xf32>
        %add3A_326 = arith.addf %add3A_318, %mul3A_325 : vector<16xf32>
        %eq3A_327 = arith.constant 3 : i32
        %eq3A_328 = vector.broadcast %eq3A_327 : i32 to vector<16xi32>
        %eq3A_329 = arith.cmpi eq, %iota3A, %eq3A_328 : vector<16xi32>
        %reduce_sum3A_330 = arith.constant true
        %reduce_sum3A_331 = vector.broadcast %reduce_sum3A_330 : i1 to vector<16xi1>
        %reduce_sum3A_332 = tpu.scan <sum>, %add3A_326 masked %reduce_sum3A_331 : vector<16xf32>, vector<16xi1> -> vector<16xf32>
        %reduce_sum3A_333 = vector.extract %reduce_sum3A_332[15] : f32 from vector<16xf32>
        %broadcast_in_dim3A_334 = vector.broadcast %reduce_sum3A_333 : f32 to vector<16xf32>
        %select_n3A_335 = arith.select %eq3A_329, %broadcast_in_dim3A_334, %select_n3A_259 : vector<16xi1>, vector<16xf32>
        %mul3A_336 = arith.constant 16 : i32
        %mul3A_337 = arith.muli %add3A_34, %mul3A_336 : i32
        %add3A_338 = arith.constant 4 : i32
        %add3A_339 = arith.addi %mul3A_337, %add3A_338 : i32
        %get3A_340 = arith.index_cast %add3A_339 : i32 to index
        %get3A_341 = arith.constant 0 : index
        %get3A_342 = tpu.vector_load %arg8[%get3A_340, %get3A_341] {strides = array<i32>} : memref<80x128xf32, #tpu.memory_space<vmem>>, vector<16xf32>,
        %get3A_343 = arith.index_cast %add3A_339 : i32 to index
        %get3A_344 = arith.constant 0 : index
        %get3A_345 = tpu.vector_load %arg9[%get3A_343, %get3A_344] {strides = array<i32>} : memref<80x128xf32, #tpu.memory_space<vmem>>, vector<16xf32>,
        %mul3A_346 = arith.mulf %get3A_342, %get3A_345 : vector<16xf32>
        %get3A_347 = arith.index_cast %add3A_339 : i32 to index
        %get3A_348 = arith.constant 16 : index
        %get3A_349 = tpu.vector_load %arg8[%get3A_347, %get3A_348] {strides = array<i32>} : memref<80x128xf32, #tpu.memory_space<vmem>>, vector<16xf32>,
        %get3A_350 = arith.index_cast %add3A_339 : i32 to index
        %get3A_351 = arith.constant 16 : index
        %get3A_352 = tpu.vector_load %arg9[%get3A_350, %get3A_351] {strides = array<i32>} : memref<80x128xf32, #tpu.memory_space<vmem>>, vector<16xf32>,
        %mul3A_353 = arith.mulf %get3A_349, %get3A_352 : vector<16xf32>
        %add3A_354 = arith.addf %mul3A_346, %mul3A_353 : vector<16xf32>
        %get3A_355 = arith.index_cast %add3A_339 : i32 to index
        %get3A_356 = arith.constant 32 : index
        %get3A_357 = tpu.vector_load %arg8[%get3A_355, %get3A_356] {strides = array<i32>} : memref<80x128xf32, #tpu.memory_space<vmem>>, vector<16xf32>,
        %get3A_358 = arith.index_cast %add3A_339 : i32 to index
        %get3A_359 = arith.constant 32 : index
        %get3A_360 = tpu.vector_load %arg9[%get3A_358, %get3A_359] {strides = array<i32>} : memref<80x128xf32, #tpu.memory_space<vmem>>, vector<16xf32>,
        %mul3A_361 = arith.mulf %get3A_357, %get3A_360 : vector<16xf32>
        %add3A_362 = arith.addf %add3A_354, %mul3A_361 : vector<16xf32>
        %get3A_363 = arith.index_cast %add3A_339 : i32 to index
        %get3A_364 = arith.constant 48 : index
        %get3A_365 = tpu.vector_load %arg8[%get3A_363, %get3A_364] {strides = array<i32>} : memref<80x128xf32, #tpu.memory_space<vmem>>, vector<16xf32>,
        %get3A_366 = arith.index_cast %add3A_339 : i32 to index
        %get3A_367 = arith.constant 48 : index
        %get3A_368 = tpu.vector_load %arg9[%get3A_366, %get3A_367] {strides = array<i32>} : memref<80x128xf32, #tpu.memory_space<vmem>>, vector<16xf32>,
        %mul3A_369 = arith.mulf %get3A_365, %get3A_368 : vector<16xf32>
        %add3A_370 = arith.addf %add3A_362, %mul3A_369 : vector<16xf32>
        %get3A_371 = arith.index_cast %add3A_339 : i32 to index
        %get3A_372 = arith.constant 64 : index
        %get3A_373 = tpu.vector_load %arg8[%get3A_371, %get3A_372] {strides = array<i32>} : memref<80x128xf32, #tpu.memory_space<vmem>>, vector<16xf32>,
        %get3A_374 = arith.index_cast %add3A_339 : i32 to index
        %get3A_375 = arith.constant 64 : index
        %get3A_376 = tpu.vector_load %arg9[%get3A_374, %get3A_375] {strides = array<i32>} : memref<80x128xf32, #tpu.memory_space<vmem>>, vector<16xf32>,
        %mul3A_377 = arith.mulf %get3A_373, %get3A_376 : vector<16xf32>
        %add3A_378 = arith.addf %add3A_370, %mul3A_377 : vector<16xf32>
        %get3A_379 = arith.index_cast %add3A_339 : i32 to index
        %get3A_380 = arith.constant 80 : index
        %get3A_381 = tpu.vector_load %arg8[%get3A_379, %get3A_380] {strides = array<i32>} : memref<80x128xf32, #tpu.memory_space<vmem>>, vector<16xf32>,
        %get3A_382 = arith.index_cast %add3A_339 : i32 to index
        %get3A_383 = arith.constant 80 : index
        %get3A_384 = tpu.vector_load %arg9[%get3A_382, %get3A_383] {strides = array<i32>} : memref<80x128xf32, #tpu.memory_space<vmem>>, vector<16xf32>,
        %mul3A_385 = arith.mulf %get3A_381, %get3A_384 : vector<16xf32>
        %add3A_386 = arith.addf %add3A_378, %mul3A_385 : vector<16xf32>
        %get3A_387 = arith.index_cast %add3A_339 : i32 to index
        %get3A_388 = arith.constant 96 : index
        %get3A_389 = tpu.vector_load %arg8[%get3A_387, %get3A_388] {strides = array<i32>} : memref<80x128xf32, #tpu.memory_space<vmem>>, vector<16xf32>,
        %get3A_390 = arith.index_cast %add3A_339 : i32 to index
        %get3A_391 = arith.constant 96 : index
        %get3A_392 = tpu.vector_load %arg9[%get3A_390, %get3A_391] {strides = array<i32>} : memref<80x128xf32, #tpu.memory_space<vmem>>, vector<16xf32>,
        %mul3A_393 = arith.mulf %get3A_389, %get3A_392 : vector<16xf32>
        %add3A_394 = arith.addf %add3A_386, %mul3A_393 : vector<16xf32>
        %get3A_395 = arith.index_cast %add3A_339 : i32 to index
        %get3A_396 = arith.constant 112 : index
        %get3A_397 = tpu.vector_load %arg8[%get3A_395, %get3A_396] {strides = array<i32>} : memref<80x128xf32, #tpu.memory_space<vmem>>, vector<16xf32>,
        %get3A_398 = arith.index_cast %add3A_339 : i32 to index
        %get3A_399 = arith.constant 112 : index
        %get3A_400 = tpu.vector_load %arg9[%get3A_398, %get3A_399] {strides = array<i32>} : memref<80x128xf32, #tpu.memory_space<vmem>>, vector<16xf32>,
        %mul3A_401 = arith.mulf %get3A_397, %get3A_400 : vector<16xf32>
        %add3A_402 = arith.addf %add3A_394, %mul3A_401 : vector<16xf32>
        %eq3A_403 = arith.constant 4 : i32
        %eq3A_404 = vector.broadcast %eq3A_403 : i32 to vector<16xi32>
        %eq3A_405 = arith.cmpi eq, %iota3A, %eq3A_404 : vector<16xi32>
        %reduce_sum3A_406 = arith.constant true
        %reduce_sum3A_407 = vector.broadcast %reduce_sum3A_406 : i1 to vector<16xi1>
        %reduce_sum3A_408 = tpu.scan <sum>, %add3A_402 masked %reduce_sum3A_407 : vector<16xf32>, vector<16xi1> -> vector<16xf32>
        %reduce_sum3A_409 = vector.extract %reduce_sum3A_408[15] : f32 from vector<16xf32>
        %broadcast_in_dim3A_410 = vector.broadcast %reduce_sum3A_409 : f32 to vector<16xf32>
        %select_n3A_411 = arith.select %eq3A_405, %broadcast_in_dim3A_410, %select_n3A_335 : vector<16xi1>, vector<16xf32>
        %mul3A_412 = arith.constant 16 : i32
        %mul3A_413 = arith.muli %add3A_34, %mul3A_412 : i32
        %add3A_414 = arith.constant 5 : i32
        %add3A_415 = arith.addi %mul3A_413, %add3A_414 : i32
        %get3A_416 = arith.index_cast %add3A_415 : i32 to index
        %get3A_417 = arith.constant 0 : index
        %get3A_418 = tpu.vector_load %arg8[%get3A_416, %get3A_417] {strides = array<i32>} : memref<80x128xf32, #tpu.memory_space<vmem>>, vector<16xf32>,
        %get3A_419 = arith.index_cast %add3A_415 : i32 to index
        %get3A_420 = arith.constant 0 : index
        %get3A_421 = tpu.vector_load %arg9[%get3A_419, %get3A_420] {strides = array<i32>} : memref<80x128xf32, #tpu.memory_space<vmem>>, vector<16xf32>,
        %mul3A_422 = arith.mulf %get3A_418, %get3A_421 : vector<16xf32>
        %get3A_423 = arith.index_cast %add3A_415 : i32 to index
        %get3A_424 = arith.constant 16 : index
        %get3A_425 = tpu.vector_load %arg8[%get3A_423, %get3A_424] {strides = array<i32>} : memref<80x128xf32, #tpu.memory_space<vmem>>, vector<16xf32>,
        %get3A_426 = arith.index_cast %add3A_415 : i32 to index
        %get3A_427 = arith.constant 16 : index
        %get3A_428 = tpu.vector_load %arg9[%get3A_426, %get3A_427] {strides = array<i32>} : memref<80x128xf32, #tpu.memory_space<vmem>>, vector<16xf32>,
        %mul3A_429 = arith.mulf %get3A_425, %get3A_428 : vector<16xf32>
        %add3A_430 = arith.addf %mul3A_422, %mul3A_429 : vector<16xf32>
        %get3A_431 = arith.index_cast %add3A_415 : i32 to index
        %get3A_432 = arith.constant 32 : index
        %get3A_433 = tpu.vector_load %arg8[%get3A_431, %get3A_432] {strides = array<i32>} : memref<80x128xf32, #tpu.memory_space<vmem>>, vector<16xf32>,
        %get3A_434 = arith.index_cast %add3A_415 : i32 to index
        %get3A_435 = arith.constant 32 : index
        %get3A_436 = tpu.vector_load %arg9[%get3A_434, %get3A_435] {strides = array<i32>} : memref<80x128xf32, #tpu.memory_space<vmem>>, vector<16xf32>,
        %mul3A_437 = arith.mulf %get3A_433, %get3A_436 : vector<16xf32>
        %add3A_438 = arith.addf %add3A_430, %mul3A_437 : vector<16xf32>
        %get3A_439 = arith.index_cast %add3A_415 : i32 to index
        %get3A_440 = arith.constant 48 : index
        %get3A_441 = tpu.vector_load %arg8[%get3A_439, %get3A_440] {strides = array<i32>} : memref<80x128xf32, #tpu.memory_space<vmem>>, vector<16xf32>,
        %get3A_442 = arith.index_cast %add3A_415 : i32 to index
        %get3A_443 = arith.constant 48 : index
        %get3A_444 = tpu.vector_load %arg9[%get3A_442, %get3A_443] {strides = array<i32>} : memref<80x128xf32, #tpu.memory_space<vmem>>, vector<16xf32>,
        %mul3A_445 = arith.mulf %get3A_441, %get3A_444 : vector<16xf32>
        %add3A_446 = arith.addf %add3A_438, %mul3A_445 : vector<16xf32>
        %get3A_447 = arith.index_cast %add3A_415 : i32 to index
        %get3A_448 = arith.constant 64 : index
        %get3A_449 = tpu.vector_load %arg8[%get3A_447, %get3A_448] {strides = array<i32>} : memref<80x128xf32, #tpu.memory_space<vmem>>, vector<16xf32>,
        %get3A_450 = arith.index_cast %add3A_415 : i32 to index
        %get3A_451 = arith.constant 64 : index
        %get3A_452 = tpu.vector_load %arg9[%get3A_450, %get3A_451] {strides = array<i32>} : memref<80x128xf32, #tpu.memory_space<vmem>>, vector<16xf32>,
        %mul3A_453 = arith.mulf %get3A_449, %get3A_452 : vector<16xf32>
        %add3A_454 = arith.addf %add3A_446, %mul3A_453 : vector<16xf32>
        %get3A_455 = arith.index_cast %add3A_415 : i32 to index
        %get3A_456 = arith.constant 80 : index
        %get3A_457 = tpu.vector_load %arg8[%get3A_455, %get3A_456] {strides = array<i32>} : memref<80x128xf32, #tpu.memory_space<vmem>>, vector<16xf32>,
        %get3A_458 = arith.index_cast %add3A_415 : i32 to index
        %get3A_459 = arith.constant 80 : index
        %get3A_460 = tpu.vector_load %arg9[%get3A_458, %get3A_459] {strides = array<i32>} : memref<80x128xf32, #tpu.memory_space<vmem>>, vector<16xf32>,
        %mul3A_461 = arith.mulf %get3A_457, %get3A_460 : vector<16xf32>
        %add3A_462 = arith.addf %add3A_454, %mul3A_461 : vector<16xf32>
        %get3A_463 = arith.index_cast %add3A_415 : i32 to index
        %get3A_464 = arith.constant 96 : index
        %get3A_465 = tpu.vector_load %arg8[%get3A_463, %get3A_464] {strides = array<i32>} : memref<80x128xf32, #tpu.memory_space<vmem>>, vector<16xf32>,
        %get3A_466 = arith.index_cast %add3A_415 : i32 to index
        %get3A_467 = arith.constant 96 : index
        %get3A_468 = tpu.vector_load %arg9[%get3A_466, %get3A_467] {strides = array<i32>} : memref<80x128xf32, #tpu.memory_space<vmem>>, vector<16xf32>,
        %mul3A_469 = arith.mulf %get3A_465, %get3A_468 : vector<16xf32>
        %add3A_470 = arith.addf %add3A_462, %mul3A_469 : vector<16xf32>
        %get3A_471 = arith.index_cast %add3A_415 : i32 to index
        %get3A_472 = arith.constant 112 : index
        %get3A_473 = tpu.vector_load %arg8[%get3A_471, %get3A_472] {strides = array<i32>} : memref<80x128xf32, #tpu.memory_space<vmem>>, vector<16xf32>,
        %get3A_474 = arith.index_cast %add3A_415 : i32 to index
        %get3A_475 = arith.constant 112 : index
        %get3A_476 = tpu.vector_load %arg9[%get3A_474, %get3A_475] {strides = array<i32>} : memref<80x128xf32, #tpu.memory_space<vmem>>, vector<16xf32>,
        %mul3A_477 = arith.mulf %get3A_473, %get3A_476 : vector<16xf32>
        %add3A_478 = arith.addf %add3A_470, %mul3A_477 : vector<16xf32>
        %eq3A_479 = arith.constant 5 : i32
        %eq3A_480 = vector.broadcast %eq3A_479 : i32 to vector<16xi32>
        %eq3A_481 = arith.cmpi eq, %iota3A, %eq3A_480 : vector<16xi32>
        %reduce_sum3A_482 = arith.constant true
        %reduce_sum3A_483 = vector.broadcast %reduce_sum3A_482 : i1 to vector<16xi1>
        %reduce_sum3A_484 = tpu.scan <sum>, %add3A_478 masked %reduce_sum3A_483 : vector<16xf32>, vector<16xi1> -> vector<16xf32>
        %reduce_sum3A_485 = vector.extract %reduce_sum3A_484[15] : f32 from vector<16xf32>
        %broadcast_in_dim3A_486 = vector.broadcast %reduce_sum3A_485 : f32 to vector<16xf32>
        %select_n3A_487 = arith.select %eq3A_481, %broadcast_in_dim3A_486, %select_n3A_411 : vector<16xi1>, vector<16xf32>
        %mul3A_488 = arith.constant 16 : i32
        %mul3A_489 = arith.muli %add3A_34, %mul3A_488 : i32
        %add3A_490 = arith.constant 6 : i32
        %add3A_491 = arith.addi %mul3A_489, %add3A_490 : i32
        %get3A_492 = arith.index_cast %add3A_491 : i32 to index
        %get3A_493 = arith.constant 0 : index
        %get3A_494 = tpu.vector_load %arg8[%get3A_492, %get3A_493] {strides = array<i32>} : memref<80x128xf32, #tpu.memory_space<vmem>>, vector<16xf32>,
        %get3A_495 = arith.index_cast %add3A_491 : i32 to index
        %get3A_496 = arith.constant 0 : index
        %get3A_497 = tpu.vector_load %arg9[%get3A_495, %get3A_496] {strides = array<i32>} : memref<80x128xf32, #tpu.memory_space<vmem>>, vector<16xf32>,
        %mul3A_498 = arith.mulf %get3A_494, %get3A_497 : vector<16xf32>
        %get3A_499 = arith.index_cast %add3A_491 : i32 to index
        %get3A_500 = arith.constant 16 : index
        %get3A_501 = tpu.vector_load %arg8[%get3A_499, %get3A_500] {strides = array<i32>} : memref<80x128xf32, #tpu.memory_space<vmem>>, vector<16xf32>,
        %get3A_502 = arith.index_cast %add3A_491 : i32 to index
        %get3A_503 = arith.constant 16 : index
        %get3A_504 = tpu.vector_load %arg9[%get3A_502, %get3A_503] {strides = array<i32>} : memref<80x128xf32, #tpu.memory_space<vmem>>, vector<16xf32>,
        %mul3A_505 = arith.mulf %get3A_501, %get3A_504 : vector<16xf32>
        %add3A_506 = arith.addf %mul3A_498, %mul3A_505 : vector<16xf32>
        %get3A_507 = arith.index_cast %add3A_491 : i32 to index
        %get3A_508 = arith.constant 32 : index
        %get3A_509 = tpu.vector_load %arg8[%get3A_507, %get3A_508] {strides = array<i32>} : memref<80x128xf32, #tpu.memory_space<vmem>>, vector<16xf32>,
        %get3A_510 = arith.index_cast %add3A_491 : i32 to index
        %get3A_511 = arith.constant 32 : index
        %get3A_512 = tpu.vector_load %arg9[%get3A_510, %get3A_511] {strides = array<i32>} : memref<80x128xf32, #tpu.memory_space<vmem>>, vector<16xf32>,
        %mul3A_513 = arith.mulf %get3A_509, %get3A_512 : vector<16xf32>
        %add3A_514 = arith.addf %add3A_506, %mul3A_513 : vector<16xf32>
        %get3A_515 = arith.index_cast %add3A_491 : i32 to index
        %get3A_516 = arith.constant 48 : index
        %get3A_517 = tpu.vector_load %arg8[%get3A_515, %get3A_516] {strides = array<i32>} : memref<80x128xf32, #tpu.memory_space<vmem>>, vector<16xf32>,
        %get3A_518 = arith.index_cast %add3A_491 : i32 to index
        %get3A_519 = arith.constant 48 : index
        %get3A_520 = tpu.vector_load %arg9[%get3A_518, %get3A_519] {strides = array<i32>} : memref<80x128xf32, #tpu.memory_space<vmem>>, vector<16xf32>,
        %mul3A_521 = arith.mulf %get3A_517, %get3A_520 : vector<16xf32>
        %add3A_522 = arith.addf %add3A_514, %mul3A_521 : vector<16xf32>
        %get3A_523 = arith.index_cast %add3A_491 : i32 to index
        %get3A_524 = arith.constant 64 : index
        %get3A_525 = tpu.vector_load %arg8[%get3A_523, %get3A_524] {strides = array<i32>} : memref<80x128xf32, #tpu.memory_space<vmem>>, vector<16xf32>,
        %get3A_526 = arith.index_cast %add3A_491 : i32 to index
        %get3A_527 = arith.constant 64 : index
        %get3A_528 = tpu.vector_load %arg9[%get3A_526, %get3A_527] {strides = array<i32>} : memref<80x128xf32, #tpu.memory_space<vmem>>, vector<16xf32>,
        %mul3A_529 = arith.mulf %get3A_525, %get3A_528 : vector<16xf32>
        %add3A_530 = arith.addf %add3A_522, %mul3A_529 : vector<16xf32>
        %get3A_531 = arith.index_cast %add3A_491 : i32 to index
        %get3A_532 = arith.constant 80 : index
        %get3A_533 = tpu.vector_load %arg8[%get3A_531, %get3A_532] {strides = array<i32>} : memref<80x128xf32, #tpu.memory_space<vmem>>, vector<16xf32>,
        %get3A_534 = arith.index_cast %add3A_491 : i32 to index
        %get3A_535 = arith.constant 80 : index
        %get3A_536 = tpu.vector_load %arg9[%get3A_534, %get3A_535] {strides = array<i32>} : memref<80x128xf32, #tpu.memory_space<vmem>>, vector<16xf32>,
        %mul3A_537 = arith.mulf %get3A_533, %get3A_536 : vector<16xf32>
        %add3A_538 = arith.addf %add3A_530, %mul3A_537 : vector<16xf32>
        %get3A_539 = arith.index_cast %add3A_491 : i32 to index
        %get3A_540 = arith.constant 96 : index
        %get3A_541 = tpu.vector_load %arg8[%get3A_539, %get3A_540] {strides = array<i32>} : memref<80x128xf32, #tpu.memory_space<vmem>>, vector<16xf32>,
        %get3A_542 = arith.index_cast %add3A_491 : i32 to index
        %get3A_543 = arith.constant 96 : index
        %get3A_544 = tpu.vector_load %arg9[%get3A_542, %get3A_543] {strides = array<i32>} : memref<80x128xf32, #tpu.memory_space<vmem>>, vector<16xf32>,
        %mul3A_545 = arith.mulf %get3A_541, %get3A_544 : vector<16xf32>
        %add3A_546 = arith.addf %add3A_538, %mul3A_545 : vector<16xf32>
        %get3A_547 = arith.index_cast %add3A_491 : i32 to index
        %get3A_548 = arith.constant 112 : index
        %get3A_549 = tpu.vector_load %arg8[%get3A_547, %get3A_548] {strides = array<i32>} : memref<80x128xf32, #tpu.memory_space<vmem>>, vector<16xf32>,
        %get3A_550 = arith.index_cast %add3A_491 : i32 to index
        %get3A_551 = arith.constant 112 : index
        %get3A_552 = tpu.vector_load %arg9[%get3A_550, %get3A_551] {strides = array<i32>} : memref<80x128xf32, #tpu.memory_space<vmem>>, vector<16xf32>,
        %mul3A_553 = arith.mulf %get3A_549, %get3A_552 : vector<16xf32>
        %add3A_554 = arith.addf %add3A_546, %mul3A_553 : vector<16xf32>
        %eq3A_555 = arith.constant 6 : i32
        %eq3A_556 = vector.broadcast %eq3A_555 : i32 to vector<16xi32>
        %eq3A_557 = arith.cmpi eq, %iota3A, %eq3A_556 : vector<16xi32>
        %reduce_sum3A_558 = arith.constant true
        %reduce_sum3A_559 = vector.broadcast %reduce_sum3A_558 : i1 to vector<16xi1>
        %reduce_sum3A_560 = tpu.scan <sum>, %add3A_554 masked %reduce_sum3A_559 : vector<16xf32>, vector<16xi1> -> vector<16xf32>
        %reduce_sum3A_561 = vector.extract %reduce_sum3A_560[15] : f32 from vector<16xf32>
        %broadcast_in_dim3A_562 = vector.broadcast %reduce_sum3A_561 : f32 to vector<16xf32>
        %select_n3A_563 = arith.select %eq3A_557, %broadcast_in_dim3A_562, %select_n3A_487 : vector<16xi1>, vector<16xf32>
        %mul3A_564 = arith.constant 16 : i32
        %mul3A_565 = arith.muli %add3A_34, %mul3A_564 : i32
        %add3A_566 = arith.constant 7 : i32
        %add3A_567 = arith.addi %mul3A_565, %add3A_566 : i32
        %get3A_568 = arith.index_cast %add3A_567 : i32 to index
        %get3A_569 = arith.constant 0 : index
        %get3A_570 = tpu.vector_load %arg8[%get3A_568, %get3A_569] {strides = array<i32>} : memref<80x128xf32, #tpu.memory_space<vmem>>, vector<16xf32>,
        %get3A_571 = arith.index_cast %add3A_567 : i32 to index
        %get3A_572 = arith.constant 0 : index
        %get3A_573 = tpu.vector_load %arg9[%get3A_571, %get3A_572] {strides = array<i32>} : memref<80x128xf32, #tpu.memory_space<vmem>>, vector<16xf32>,
        %mul3A_574 = arith.mulf %get3A_570, %get3A_573 : vector<16xf32>
        %get3A_575 = arith.index_cast %add3A_567 : i32 to index
        %get3A_576 = arith.constant 16 : index
        %get3A_577 = tpu.vector_load %arg8[%get3A_575, %get3A_576] {strides = array<i32>} : memref<80x128xf32, #tpu.memory_space<vmem>>, vector<16xf32>,
        %get3A_578 = arith.index_cast %add3A_567 : i32 to index
        %get3A_579 = arith.constant 16 : index
        %get3A_580 = tpu.vector_load %arg9[%get3A_578, %get3A_579] {strides = array<i32>} : memref<80x128xf32, #tpu.memory_space<vmem>>, vector<16xf32>,
        %mul3A_581 = arith.mulf %get3A_577, %get3A_580 : vector<16xf32>
        %add3A_582 = arith.addf %mul3A_574, %mul3A_581 : vector<16xf32>
        %get3A_583 = arith.index_cast %add3A_567 : i32 to index
        %get3A_584 = arith.constant 32 : index
        %get3A_585 = tpu.vector_load %arg8[%get3A_583, %get3A_584] {strides = array<i32>} : memref<80x128xf32, #tpu.memory_space<vmem>>, vector<16xf32>,
        %get3A_586 = arith.index_cast %add3A_567 : i32 to index
        %get3A_587 = arith.constant 32 : index
        %get3A_588 = tpu.vector_load %arg9[%get3A_586, %get3A_587] {strides = array<i32>} : memref<80x128xf32, #tpu.memory_space<vmem>>, vector<16xf32>,
        %mul3A_589 = arith.mulf %get3A_585, %get3A_588 : vector<16xf32>
        %add3A_590 = arith.addf %add3A_582, %mul3A_589 : vector<16xf32>
        %get3A_591 = arith.index_cast %add3A_567 : i32 to index
        %get3A_592 = arith.constant 48 : index
        %get3A_593 = tpu.vector_load %arg8[%get3A_591, %get3A_592] {strides = array<i32>} : memref<80x128xf32, #tpu.memory_space<vmem>>, vector<16xf32>,
        %get3A_594 = arith.index_cast %add3A_567 : i32 to index
        %get3A_595 = arith.constant 48 : index
        %get3A_596 = tpu.vector_load %arg9[%get3A_594, %get3A_595] {strides = array<i32>} : memref<80x128xf32, #tpu.memory_space<vmem>>, vector<16xf32>,
        %mul3A_597 = arith.mulf %get3A_593, %get3A_596 : vector<16xf32>
        %add3A_598 = arith.addf %add3A_590, %mul3A_597 : vector<16xf32>
        %get3A_599 = arith.index_cast %add3A_567 : i32 to index
        %get3A_600 = arith.constant 64 : index
        %get3A_601 = tpu.vector_load %arg8[%get3A_599, %get3A_600] {strides = array<i32>} : memref<80x128xf32, #tpu.memory_space<vmem>>, vector<16xf32>,
        %get3A_602 = arith.index_cast %add3A_567 : i32 to index
        %get3A_603 = arith.constant 64 : index
        %get3A_604 = tpu.vector_load %arg9[%get3A_602, %get3A_603] {strides = array<i32>} : memref<80x128xf32, #tpu.memory_space<vmem>>, vector<16xf32>,
        %mul3A_605 = arith.mulf %get3A_601, %get3A_604 : vector<16xf32>
        %add3A_606 = arith.addf %add3A_598, %mul3A_605 : vector<16xf32>
        %get3A_607 = arith.index_cast %add3A_567 : i32 to index
        %get3A_608 = arith.constant 80 : index
        %get3A_609 = tpu.vector_load %arg8[%get3A_607, %get3A_608] {strides = array<i32>} : memref<80x128xf32, #tpu.memory_space<vmem>>, vector<16xf32>,
        %get3A_610 = arith.index_cast %add3A_567 : i32 to index
        %get3A_611 = arith.constant 80 : index
        %get3A_612 = tpu.vector_load %arg9[%get3A_610, %get3A_611] {strides = array<i32>} : memref<80x128xf32, #tpu.memory_space<vmem>>, vector<16xf32>,
        %mul3A_613 = arith.mulf %get3A_609, %get3A_612 : vector<16xf32>
        %add3A_614 = arith.addf %add3A_606, %mul3A_613 : vector<16xf32>
        %get3A_615 = arith.index_cast %add3A_567 : i32 to index
        %get3A_616 = arith.constant 96 : index
        %get3A_617 = tpu.vector_load %arg8[%get3A_615, %get3A_616] {strides = array<i32>} : memref<80x128xf32, #tpu.memory_space<vmem>>, vector<16xf32>,
        %get3A_618 = arith.index_cast %add3A_567 : i32 to index
        %get3A_619 = arith.constant 96 : index
        %get3A_620 = tpu.vector_load %arg9[%get3A_618, %get3A_619] {strides = array<i32>} : memref<80x128xf32, #tpu.memory_space<vmem>>, vector<16xf32>,
        %mul3A_621 = arith.mulf %get3A_617, %get3A_620 : vector<16xf32>
        %add3A_622 = arith.addf %add3A_614, %mul3A_621 : vector<16xf32>
        %get3A_623 = arith.index_cast %add3A_567 : i32 to index
        %get3A_624 = arith.constant 112 : index
        %get3A_625 = tpu.vector_load %arg8[%get3A_623, %get3A_624] {strides = array<i32>} : memref<80x128xf32, #tpu.memory_space<vmem>>, vector<16xf32>,
        %get3A_626 = arith.index_cast %add3A_567 : i32 to index
        %get3A_627 = arith.constant 112 : index
        %get3A_628 = tpu.vector_load %arg9[%get3A_626, %get3A_627] {strides = array<i32>} : memref<80x128xf32, #tpu.memory_space<vmem>>, vector<16xf32>,
        %mul3A_629 = arith.mulf %get3A_625, %get3A_628 : vector<16xf32>
        %add3A_630 = arith.addf %add3A_622, %mul3A_629 : vector<16xf32>
        %eq3A_631 = arith.constant 7 : i32
        %eq3A_632 = vector.broadcast %eq3A_631 : i32 to vector<16xi32>
        %eq3A_633 = arith.cmpi eq, %iota3A, %eq3A_632 : vector<16xi32>
        %reduce_sum3A_634 = arith.constant true
        %reduce_sum3A_635 = vector.broadcast %reduce_sum3A_634 : i1 to vector<16xi1>
        %reduce_sum3A_636 = tpu.scan <sum>, %add3A_630 masked %reduce_sum3A_635 : vector<16xf32>, vector<16xi1> -> vector<16xf32>
        %reduce_sum3A_637 = vector.extract %reduce_sum3A_636[15] : f32 from vector<16xf32>
        %broadcast_in_dim3A_638 = vector.broadcast %reduce_sum3A_637 : f32 to vector<16xf32>
        %select_n3A_639 = arith.select %eq3A_633, %broadcast_in_dim3A_638, %select_n3A_563 : vector<16xi1>, vector<16xf32>
        %mul3A_640 = arith.constant 16 : i32
        %mul3A_641 = arith.muli %add3A_34, %mul3A_640 : i32
        %add3A_642 = arith.constant 8 : i32
        %add3A_643 = arith.addi %mul3A_641, %add3A_642 : i32
        %get3A_644 = arith.index_cast %add3A_643 : i32 to index
        %get3A_645 = arith.constant 0 : index
        %get3A_646 = tpu.vector_load %arg8[%get3A_644, %get3A_645] {strides = array<i32>} : memref<80x128xf32, #tpu.memory_space<vmem>>, vector<16xf32>,
        %get3A_647 = arith.index_cast %add3A_643 : i32 to index
        %get3A_648 = arith.constant 0 : index
        %get3A_649 = tpu.vector_load %arg9[%get3A_647, %get3A_648] {strides = array<i32>} : memref<80x128xf32, #tpu.memory_space<vmem>>, vector<16xf32>,
        %mul3A_650 = arith.mulf %get3A_646, %get3A_649 : vector<16xf32>
        %get3A_651 = arith.index_cast %add3A_643 : i32 to index
        %get3A_652 = arith.constant 16 : index
        %get3A_653 = tpu.vector_load %arg8[%get3A_651, %get3A_652] {strides = array<i32>} : memref<80x128xf32, #tpu.memory_space<vmem>>, vector<16xf32>,
        %get3A_654 = arith.index_cast %add3A_643 : i32 to index
        %get3A_655 = arith.constant 16 : index
        %get3A_656 = tpu.vector_load %arg9[%get3A_654, %get3A_655] {strides = array<i32>} : memref<80x128xf32, #tpu.memory_space<vmem>>, vector<16xf32>,
        %mul3A_657 = arith.mulf %get3A_653, %get3A_656 : vector<16xf32>
        %add3A_658 = arith.addf %mul3A_650, %mul3A_657 : vector<16xf32>
        %get3A_659 = arith.index_cast %add3A_643 : i32 to index
        %get3A_660 = arith.constant 32 : index
        %get3A_661 = tpu.vector_load %arg8[%get3A_659, %get3A_660] {strides = array<i32>} : memref<80x128xf32, #tpu.memory_space<vmem>>, vector<16xf32>,
        %get3A_662 = arith.index_cast %add3A_643 : i32 to index
        %get3A_663 = arith.constant 32 : index
        %get3A_664 = tpu.vector_load %arg9[%get3A_662, %get3A_663] {strides = array<i32>} : memref<80x128xf32, #tpu.memory_space<vmem>>, vector<16xf32>,
        %mul3A_665 = arith.mulf %get3A_661, %get3A_664 : vector<16xf32>
        %add3A_666 = arith.addf %add3A_658, %mul3A_665 : vector<16xf32>
        %get3A_667 = arith.index_cast %add3A_643 : i32 to index
        %get3A_668 = arith.constant 48 : index
        %get3A_669 = tpu.vector_load %arg8[%get3A_667, %get3A_668] {strides = array<i32>} : memref<80x128xf32, #tpu.memory_space<vmem>>, vector<16xf32>,
        %get3A_670 = arith.index_cast %add3A_643 : i32 to index
        %get3A_671 = arith.constant 48 : index
        %get3A_672 = tpu.vector_load %arg9[%get3A_670, %get3A_671] {strides = array<i32>} : memref<80x128xf32, #tpu.memory_space<vmem>>, vector<16xf32>,
        %mul3A_673 = arith.mulf %get3A_669, %get3A_672 : vector<16xf32>
        %add3A_674 = arith.addf %add3A_666, %mul3A_673 : vector<16xf32>
        %get3A_675 = arith.index_cast %add3A_643 : i32 to index
        %get3A_676 = arith.constant 64 : index
        %get3A_677 = tpu.vector_load %arg8[%get3A_675, %get3A_676] {strides = array<i32>} : memref<80x128xf32, #tpu.memory_space<vmem>>, vector<16xf32>,
        %get3A_678 = arith.index_cast %add3A_643 : i32 to index
        %get3A_679 = arith.constant 64 : index
        %get3A_680 = tpu.vector_load %arg9[%get3A_678, %get3A_679] {strides = array<i32>} : memref<80x128xf32, #tpu.memory_space<vmem>>, vector<16xf32>,
        %mul3A_681 = arith.mulf %get3A_677, %get3A_680 : vector<16xf32>
        %add3A_682 = arith.addf %add3A_674, %mul3A_681 : vector<16xf32>
        %get3A_683 = arith.index_cast %add3A_643 : i32 to index
        %get3A_684 = arith.constant 80 : index
        %get3A_685 = tpu.vector_load %arg8[%get3A_683, %get3A_684] {strides = array<i32>} : memref<80x128xf32, #tpu.memory_space<vmem>>, vector<16xf32>,
        %get3A_686 = arith.index_cast %add3A_643 : i32 to index
        %get3A_687 = arith.constant 80 : index
        %get3A_688 = tpu.vector_load %arg9[%get3A_686, %get3A_687] {strides = array<i32>} : memref<80x128xf32, #tpu.memory_space<vmem>>, vector<16xf32>,
        %mul3A_689 = arith.mulf %get3A_685, %get3A_688 : vector<16xf32>
        %add3A_690 = arith.addf %add3A_682, %mul3A_689 : vector<16xf32>
        %get3A_691 = arith.index_cast %add3A_643 : i32 to index
        %get3A_692 = arith.constant 96 : index
        %get3A_693 = tpu.vector_load %arg8[%get3A_691, %get3A_692] {strides = array<i32>} : memref<80x128xf32, #tpu.memory_space<vmem>>, vector<16xf32>,
        %get3A_694 = arith.index_cast %add3A_643 : i32 to index
        %get3A_695 = arith.constant 96 : index
        %get3A_696 = tpu.vector_load %arg9[%get3A_694, %get3A_695] {strides = array<i32>} : memref<80x128xf32, #tpu.memory_space<vmem>>, vector<16xf32>,
        %mul3A_697 = arith.mulf %get3A_693, %get3A_696 : vector<16xf32>
        %add3A_698 = arith.addf %add3A_690, %mul3A_697 : vector<16xf32>
        %get3A_699 = arith.index_cast %add3A_643 : i32 to index
        %get3A_700 = arith.constant 112 : index
        %get3A_701 = tpu.vector_load %arg8[%get3A_699, %get3A_700] {strides = array<i32>} : memref<80x128xf32, #tpu.memory_space<vmem>>, vector<16xf32>,
        %get3A_702 = arith.index_cast %add3A_643 : i32 to index
        %get3A_703 = arith.constant 112 : index
        %get3A_704 = tpu.vector_load %arg9[%get3A_702, %get3A_703] {strides = array<i32>} : memref<80x128xf32, #tpu.memory_space<vmem>>, vector<16xf32>,
        %mul3A_705 = arith.mulf %get3A_701, %get3A_704 : vector<16xf32>
        %add3A_706 = arith.addf %add3A_698, %mul3A_705 : vector<16xf32>
        %eq3A_707 = arith.constant 8 : i32
        %eq3A_708 = vector.broadcast %eq3A_707 : i32 to vector<16xi32>
        %eq3A_709 = arith.cmpi eq, %iota3A, %eq3A_708 : vector<16xi32>
        %reduce_sum3A_710 = arith.constant true
        %reduce_sum3A_711 = vector.broadcast %reduce_sum3A_710 : i1 to vector<16xi1>
        %reduce_sum3A_712 = tpu.scan <sum>, %add3A_706 masked %reduce_sum3A_711 : vector<16xf32>, vector<16xi1> -> vector<16xf32>
        %reduce_sum3A_713 = vector.extract %reduce_sum3A_712[15] : f32 from vector<16xf32>
        %broadcast_in_dim3A_714 = vector.broadcast %reduce_sum3A_713 : f32 to vector<16xf32>
        %select_n3A_715 = arith.select %eq3A_709, %broadcast_in_dim3A_714, %select_n3A_639 : vector<16xi1>, vector<16xf32>
        %mul3A_716 = arith.constant 16 : i32
        %mul3A_717 = arith.muli %add3A_34, %mul3A_716 : i32
        %add3A_718 = arith.constant 9 : i32
        %add3A_719 = arith.addi %mul3A_717, %add3A_718 : i32
        %get3A_720 = arith.index_cast %add3A_719 : i32 to index
        %get3A_721 = arith.constant 0 : index
        %get3A_722 = tpu.vector_load %arg8[%get3A_720, %get3A_721] {strides = array<i32>} : memref<80x128xf32, #tpu.memory_space<vmem>>, vector<16xf32>,
        %get3A_723 = arith.index_cast %add3A_719 : i32 to index
        %get3A_724 = arith.constant 0 : index
        %get3A_725 = tpu.vector_load %arg9[%get3A_723, %get3A_724] {strides = array<i32>} : memref<80x128xf32, #tpu.memory_space<vmem>>, vector<16xf32>,
        %mul3A_726 = arith.mulf %get3A_722, %get3A_725 : vector<16xf32>
        %get3A_727 = arith.index_cast %add3A_719 : i32 to index
        %get3A_728 = arith.constant 16 : index
        %get3A_729 = tpu.vector_load %arg8[%get3A_727, %get3A_728] {strides = array<i32>} : memref<80x128xf32, #tpu.memory_space<vmem>>, vector<16xf32>,
        %get3A_730 = arith.index_cast %add3A_719 : i32 to index
        %get3A_731 = arith.constant 16 : index
        %get3A_732 = tpu.vector_load %arg9[%get3A_730, %get3A_731] {strides = array<i32>} : memref<80x128xf32, #tpu.memory_space<vmem>>, vector<16xf32>,
        %mul3A_733 = arith.mulf %get3A_729, %get3A_732 : vector<16xf32>
        %add3A_734 = arith.addf %mul3A_726, %mul3A_733 : vector<16xf32>
        %get3A_735 = arith.index_cast %add3A_719 : i32 to index
        %get3A_736 = arith.constant 32 : index
        %get3A_737 = tpu.vector_load %arg8[%get3A_735, %get3A_736] {strides = array<i32>} : memref<80x128xf32, #tpu.memory_space<vmem>>, vector<16xf32>,
        %get3A_738 = arith.index_cast %add3A_719 : i32 to index
        %get3A_739 = arith.constant 32 : index
        %get3A_740 = tpu.vector_load %arg9[%get3A_738, %get3A_739] {strides = array<i32>} : memref<80x128xf32, #tpu.memory_space<vmem>>, vector<16xf32>,
        %mul3A_741 = arith.mulf %get3A_737, %get3A_740 : vector<16xf32>
        %add3A_742 = arith.addf %add3A_734, %mul3A_741 : vector<16xf32>
        %get3A_743 = arith.index_cast %add3A_719 : i32 to index
        %get3A_744 = arith.constant 48 : index
        %get3A_745 = tpu.vector_load %arg8[%get3A_743, %get3A_744] {strides = array<i32>} : memref<80x128xf32, #tpu.memory_space<vmem>>, vector<16xf32>,
        %get3A_746 = arith.index_cast %add3A_719 : i32 to index
        %get3A_747 = arith.constant 48 : index
        %get3A_748 = tpu.vector_load %arg9[%get3A_746, %get3A_747] {strides = array<i32>} : memref<80x128xf32, #tpu.memory_space<vmem>>, vector<16xf32>,
        %mul3A_749 = arith.mulf %get3A_745, %get3A_748 : vector<16xf32>
        %add3A_750 = arith.addf %add3A_742, %mul3A_749 : vector<16xf32>
        %get3A_751 = arith.index_cast %add3A_719 : i32 to index
        %get3A_752 = arith.constant 64 : index
        %get3A_753 = tpu.vector_load %arg8[%get3A_751, %get3A_752] {strides = array<i32>} : memref<80x128xf32, #tpu.memory_space<vmem>>, vector<16xf32>,
        %get3A_754 = arith.index_cast %add3A_719 : i32 to index
        %get3A_755 = arith.constant 64 : index
        %get3A_756 = tpu.vector_load %arg9[%get3A_754, %get3A_755] {strides = array<i32>} : memref<80x128xf32, #tpu.memory_space<vmem>>, vector<16xf32>,
        %mul3A_757 = arith.mulf %get3A_753, %get3A_756 : vector<16xf32>
        %add3A_758 = arith.addf %add3A_750, %mul3A_757 : vector<16xf32>
        %get3A_759 = arith.index_cast %add3A_719 : i32 to index
        %get3A_760 = arith.constant 80 : index
        %get3A_761 = tpu.vector_load %arg8[%get3A_759, %get3A_760] {strides = array<i32>} : memref<80x128xf32, #tpu.memory_space<vmem>>, vector<16xf32>,
        %get3A_762 = arith.index_cast %add3A_719 : i32 to index
        %get3A_763 = arith.constant 80 : index
        %get3A_764 = tpu.vector_load %arg9[%get3A_762, %get3A_763] {strides = array<i32>} : memref<80x128xf32, #tpu.memory_space<vmem>>, vector<16xf32>,
        %mul3A_765 = arith.mulf %get3A_761, %get3A_764 : vector<16xf32>
        %add3A_766 = arith.addf %add3A_758, %mul3A_765 : vector<16xf32>
        %get3A_767 = arith.index_cast %add3A_719 : i32 to index
        %get3A_768 = arith.constant 96 : index
        %get3A_769 = tpu.vector_load %arg8[%get3A_767, %get3A_768] {strides = array<i32>} : memref<80x128xf32, #tpu.memory_space<vmem>>, vector<16xf32>,
        %get3A_770 = arith.index_cast %add3A_719 : i32 to index
        %get3A_771 = arith.constant 96 : index
        %get3A_772 = tpu.vector_load %arg9[%get3A_770, %get3A_771] {strides = array<i32>} : memref<80x128xf32, #tpu.memory_space<vmem>>, vector<16xf32>,
        %mul3A_773 = arith.mulf %get3A_769, %get3A_772 : vector<16xf32>
        %add3A_774 = arith.addf %add3A_766, %mul3A_773 : vector<16xf32>
        %get3A_775 = arith.index_cast %add3A_719 : i32 to index
        %get3A_776 = arith.constant 112 : index
        %get3A_777 = tpu.vector_load %arg8[%get3A_775, %get3A_776] {strides = array<i32>} : memref<80x128xf32, #tpu.memory_space<vmem>>, vector<16xf32>,
        %get3A_778 = arith.index_cast %add3A_719 : i32 to index
        %get3A_779 = arith.constant 112 : index
        %get3A_780 = tpu.vector_load %arg9[%get3A_778, %get3A_779] {strides = array<i32>} : memref<80x128xf32, #tpu.memory_space<vmem>>, vector<16xf32>,
        %mul3A_781 = arith.mulf %get3A_777, %get3A_780 : vector<16xf32>
        %add3A_782 = arith.addf %add3A_774, %mul3A_781 : vector<16xf32>
        %eq3A_783 = arith.constant 9 : i32
        %eq3A_784 = vector.broadcast %eq3A_783 : i32 to vector<16xi32>
        %eq3A_785 = arith.cmpi eq, %iota3A, %eq3A_784 : vector<16xi32>
        %reduce_sum3A_786 = arith.constant true
        %reduce_sum3A_787 = vector.broadcast %reduce_sum3A_786 : i1 to vector<16xi1>
        %reduce_sum3A_788 = tpu.scan <sum>, %add3A_782 masked %reduce_sum3A_787 : vector<16xf32>, vector<16xi1> -> vector<16xf32>
        %reduce_sum3A_789 = vector.extract %reduce_sum3A_788[15] : f32 from vector<16xf32>
        %broadcast_in_dim3A_790 = vector.broadcast %reduce_sum3A_789 : f32 to vector<16xf32>
        %select_n3A_791 = arith.select %eq3A_785, %broadcast_in_dim3A_790, %select_n3A_715 : vector<16xi1>, vector<16xf32>
        %mul3A_792 = arith.constant 16 : i32
        %mul3A_793 = arith.muli %add3A_34, %mul3A_792 : i32
        %add3A_794 = arith.constant 10 : i32
        %add3A_795 = arith.addi %mul3A_793, %add3A_794 : i32
        %get3A_796 = arith.index_cast %add3A_795 : i32 to index
        %get3A_797 = arith.constant 0 : index
        %get3A_798 = tpu.vector_load %arg8[%get3A_796, %get3A_797] {strides = array<i32>} : memref<80x128xf32, #tpu.memory_space<vmem>>, vector<16xf32>,
        %get3A_799 = arith.index_cast %add3A_795 : i32 to index
        %get3A_800 = arith.constant 0 : index
        %get3A_801 = tpu.vector_load %arg9[%get3A_799, %get3A_800] {strides = array<i32>} : memref<80x128xf32, #tpu.memory_space<vmem>>, vector<16xf32>,
        %mul3A_802 = arith.mulf %get3A_798, %get3A_801 : vector<16xf32>
        %get3A_803 = arith.index_cast %add3A_795 : i32 to index
        %get3A_804 = arith.constant 16 : index
        %get3A_805 = tpu.vector_load %arg8[%get3A_803, %get3A_804] {strides = array<i32>} : memref<80x128xf32, #tpu.memory_space<vmem>>, vector<16xf32>,
        %get3A_806 = arith.index_cast %add3A_795 : i32 to index
        %get3A_807 = arith.constant 16 : index
        %get3A_808 = tpu.vector_load %arg9[%get3A_806, %get3A_807] {strides = array<i32>} : memref<80x128xf32, #tpu.memory_space<vmem>>, vector<16xf32>,
        %mul3A_809 = arith.mulf %get3A_805, %get3A_808 : vector<16xf32>
        %add3A_810 = arith.addf %mul3A_802, %mul3A_809 : vector<16xf32>
        %get3A_811 = arith.index_cast %add3A_795 : i32 to index
        %get3A_812 = arith.constant 32 : index
        %get3A_813 = tpu.vector_load %arg8[%get3A_811, %get3A_812] {strides = array<i32>} : memref<80x128xf32, #tpu.memory_space<vmem>>, vector<16xf32>,
        %get3A_814 = arith.index_cast %add3A_795 : i32 to index
        %get3A_815 = arith.constant 32 : index
        %get3A_816 = tpu.vector_load %arg9[%get3A_814, %get3A_815] {strides = array<i32>} : memref<80x128xf32, #tpu.memory_space<vmem>>, vector<16xf32>,
        %mul3A_817 = arith.mulf %get3A_813, %get3A_816 : vector<16xf32>
        %add3A_818 = arith.addf %add3A_810, %mul3A_817 : vector<16xf32>
        %get3A_819 = arith.index_cast %add3A_795 : i32 to index
        %get3A_820 = arith.constant 48 : index
        %get3A_821 = tpu.vector_load %arg8[%get3A_819, %get3A_820] {strides = array<i32>} : memref<80x128xf32, #tpu.memory_space<vmem>>, vector<16xf32>,
        %get3A_822 = arith.index_cast %add3A_795 : i32 to index
        %get3A_823 = arith.constant 48 : index
        %get3A_824 = tpu.vector_load %arg9[%get3A_822, %get3A_823] {strides = array<i32>} : memref<80x128xf32, #tpu.memory_space<vmem>>, vector<16xf32>,
        %mul3A_825 = arith.mulf %get3A_821, %get3A_824 : vector<16xf32>
        %add3A_826 = arith.addf %add3A_818, %mul3A_825 : vector<16xf32>
        %get3A_827 = arith.index_cast %add3A_795 : i32 to index
        %get3A_828 = arith.constant 64 : index
        %get3A_829 = tpu.vector_load %arg8[%get3A_827, %get3A_828] {strides = array<i32>} : memref<80x128xf32, #tpu.memory_space<vmem>>, vector<16xf32>,
        %get3A_830 = arith.index_cast %add3A_795 : i32 to index
        %get3A_831 = arith.constant 64 : index
        %get3A_832 = tpu.vector_load %arg9[%get3A_830, %get3A_831] {strides = array<i32>} : memref<80x128xf32, #tpu.memory_space<vmem>>, vector<16xf32>,
        %mul3A_833 = arith.mulf %get3A_829, %get3A_832 : vector<16xf32>
        %add3A_834 = arith.addf %add3A_826, %mul3A_833 : vector<16xf32>
        %get3A_835 = arith.index_cast %add3A_795 : i32 to index
        %get3A_836 = arith.constant 80 : index
        %get3A_837 = tpu.vector_load %arg8[%get3A_835, %get3A_836] {strides = array<i32>} : memref<80x128xf32, #tpu.memory_space<vmem>>, vector<16xf32>,
        %get3A_838 = arith.index_cast %add3A_795 : i32 to index
        %get3A_839 = arith.constant 80 : index
        %get3A_840 = tpu.vector_load %arg9[%get3A_838, %get3A_839] {strides = array<i32>} : memref<80x128xf32, #tpu.memory_space<vmem>>, vector<16xf32>,
        %mul3A_841 = arith.mulf %get3A_837, %get3A_840 : vector<16xf32>
        %add3A_842 = arith.addf %add3A_834, %mul3A_841 : vector<16xf32>
        %get3A_843 = arith.index_cast %add3A_795 : i32 to index
        %get3A_844 = arith.constant 96 : index
        %get3A_845 = tpu.vector_load %arg8[%get3A_843, %get3A_844] {strides = array<i32>} : memref<80x128xf32, #tpu.memory_space<vmem>>, vector<16xf32>,
        %get3A_846 = arith.index_cast %add3A_795 : i32 to index
        %get3A_847 = arith.constant 96 : index
        %get3A_848 = tpu.vector_load %arg9[%get3A_846, %get3A_847] {strides = array<i32>} : memref<80x128xf32, #tpu.memory_space<vmem>>, vector<16xf32>,
        %mul3A_849 = arith.mulf %get3A_845, %get3A_848 : vector<16xf32>
        %add3A_850 = arith.addf %add3A_842, %mul3A_849 : vector<16xf32>
        %get3A_851 = arith.index_cast %add3A_795 : i32 to index
        %get3A_852 = arith.constant 112 : index
        %get3A_853 = tpu.vector_load %arg8[%get3A_851, %get3A_852] {strides = array<i32>} : memref<80x128xf32, #tpu.memory_space<vmem>>, vector<16xf32>,
        %get3A_854 = arith.index_cast %add3A_795 : i32 to index
        %get3A_855 = arith.constant 112 : index
        %get3A_856 = tpu.vector_load %arg9[%get3A_854, %get3A_855] {strides = array<i32>} : memref<80x128xf32, #tpu.memory_space<vmem>>, vector<16xf32>,
        %mul3A_857 = arith.mulf %get3A_853, %get3A_856 : vector<16xf32>
        %add3A_858 = arith.addf %add3A_850, %mul3A_857 : vector<16xf32>
        %eq3A_859 = arith.constant 10 : i32
        %eq3A_860 = vector.broadcast %eq3A_859 : i32 to vector<16xi32>
        %eq3A_861 = arith.cmpi eq, %iota3A, %eq3A_860 : vector<16xi32>
        %reduce_sum3A_862 = arith.constant true
        %reduce_sum3A_863 = vector.broadcast %reduce_sum3A_862 : i1 to vector<16xi1>
        %reduce_sum3A_864 = tpu.scan <sum>, %add3A_858 masked %reduce_sum3A_863 : vector<16xf32>, vector<16xi1> -> vector<16xf32>
        %reduce_sum3A_865 = vector.extract %reduce_sum3A_864[15] : f32 from vector<16xf32>
        %broadcast_in_dim3A_866 = vector.broadcast %reduce_sum3A_865 : f32 to vector<16xf32>
        %select_n3A_867 = arith.select %eq3A_861, %broadcast_in_dim3A_866, %select_n3A_791 : vector<16xi1>, vector<16xf32>
        %mul3A_868 = arith.constant 16 : i32
        %mul3A_869 = arith.muli %add3A_34, %mul3A_868 : i32
        %add3A_870 = arith.constant 11 : i32
        %add3A_871 = arith.addi %mul3A_869, %add3A_870 : i32
        %get3A_872 = arith.index_cast %add3A_871 : i32 to index
        %get3A_873 = arith.constant 0 : index
        %get3A_874 = tpu.vector_load %arg8[%get3A_872, %get3A_873] {strides = array<i32>} : memref<80x128xf32, #tpu.memory_space<vmem>>, vector<16xf32>,
        %get3A_875 = arith.index_cast %add3A_871 : i32 to index
        %get3A_876 = arith.constant 0 : index
        %get3A_877 = tpu.vector_load %arg9[%get3A_875, %get3A_876] {strides = array<i32>} : memref<80x128xf32, #tpu.memory_space<vmem>>, vector<16xf32>,
        %mul3A_878 = arith.mulf %get3A_874, %get3A_877 : vector<16xf32>
        %get3A_879 = arith.index_cast %add3A_871 : i32 to index
        %get3A_880 = arith.constant 16 : index
        %get3A_881 = tpu.vector_load %arg8[%get3A_879, %get3A_880] {strides = array<i32>} : memref<80x128xf32, #tpu.memory_space<vmem>>, vector<16xf32>,
        %get3A_882 = arith.index_cast %add3A_871 : i32 to index
        %get3A_883 = arith.constant 16 : index
        %get3A_884 = tpu.vector_load %arg9[%get3A_882, %get3A_883] {strides = array<i32>} : memref<80x128xf32, #tpu.memory_space<vmem>>, vector<16xf32>,
        %mul3A_885 = arith.mulf %get3A_881, %get3A_884 : vector<16xf32>
        %add3A_886 = arith.addf %mul3A_878, %mul3A_885 : vector<16xf32>
        %get3A_887 = arith.index_cast %add3A_871 : i32 to index
        %get3A_888 = arith.constant 32 : index
        %get3A_889 = tpu.vector_load %arg8[%get3A_887, %get3A_888] {strides = array<i32>} : memref<80x128xf32, #tpu.memory_space<vmem>>, vector<16xf32>,
        %get3A_890 = arith.index_cast %add3A_871 : i32 to index
        %get3A_891 = arith.constant 32 : index
        %get3A_892 = tpu.vector_load %arg9[%get3A_890, %get3A_891] {strides = array<i32>} : memref<80x128xf32, #tpu.memory_space<vmem>>, vector<16xf32>,
        %mul3A_893 = arith.mulf %get3A_889, %get3A_892 : vector<16xf32>
        %add3A_894 = arith.addf %add3A_886, %mul3A_893 : vector<16xf32>
        %get3A_895 = arith.index_cast %add3A_871 : i32 to index
        %get3A_896 = arith.constant 48 : index
        %get3A_897 = tpu.vector_load %arg8[%get3A_895, %get3A_896] {strides = array<i32>} : memref<80x128xf32, #tpu.memory_space<vmem>>, vector<16xf32>,
        %get3A_898 = arith.index_cast %add3A_871 : i32 to index
        %get3A_899 = arith.constant 48 : index
        %get3A_900 = tpu.vector_load %arg9[%get3A_898, %get3A_899] {strides = array<i32>} : memref<80x128xf32, #tpu.memory_space<vmem>>, vector<16xf32>,
        %mul3A_901 = arith.mulf %get3A_897, %get3A_900 : vector<16xf32>
        %add3A_902 = arith.addf %add3A_894, %mul3A_901 : vector<16xf32>
        %get3A_903 = arith.index_cast %add3A_871 : i32 to index
        %get3A_904 = arith.constant 64 : index
        %get3A_905 = tpu.vector_load %arg8[%get3A_903, %get3A_904] {strides = array<i32>} : memref<80x128xf32, #tpu.memory_space<vmem>>, vector<16xf32>,
        %get3A_906 = arith.index_cast %add3A_871 : i32 to index
        %get3A_907 = arith.constant 64 : index
        %get3A_908 = tpu.vector_load %arg9[%get3A_906, %get3A_907] {strides = array<i32>} : memref<80x128xf32, #tpu.memory_space<vmem>>, vector<16xf32>,
        %mul3A_909 = arith.mulf %get3A_905, %get3A_908 : vector<16xf32>
        %add3A_910 = arith.addf %add3A_902, %mul3A_909 : vector<16xf32>
        %get3A_911 = arith.index_cast %add3A_871 : i32 to index
        %get3A_912 = arith.constant 80 : index
        %get3A_913 = tpu.vector_load %arg8[%get3A_911, %get3A_912] {strides = array<i32>} : memref<80x128xf32, #tpu.memory_space<vmem>>, vector<16xf32>,
        %get3A_914 = arith.index_cast %add3A_871 : i32 to index
        %get3A_915 = arith.constant 80 : index
        %get3A_916 = tpu.vector_load %arg9[%get3A_914, %get3A_915] {strides = array<i32>} : memref<80x128xf32, #tpu.memory_space<vmem>>, vector<16xf32>,
        %mul3A_917 = arith.mulf %get3A_913, %get3A_916 : vector<16xf32>
        %add3A_918 = arith.addf %add3A_910, %mul3A_917 : vector<16xf32>
        %get3A_919 = arith.index_cast %add3A_871 : i32 to index
        %get3A_920 = arith.constant 96 : index
        %get3A_921 = tpu.vector_load %arg8[%get3A_919, %get3A_920] {strides = array<i32>} : memref<80x128xf32, #tpu.memory_space<vmem>>, vector<16xf32>,
        %get3A_922 = arith.index_cast %add3A_871 : i32 to index
        %get3A_923 = arith.constant 96 : index
        %get3A_924 = tpu.vector_load %arg9[%get3A_922, %get3A_923] {strides = array<i32>} : memref<80x128xf32, #tpu.memory_space<vmem>>, vector<16xf32>,
        %mul3A_925 = arith.mulf %get3A_921, %get3A_924 : vector<16xf32>
        %add3A_926 = arith.addf %add3A_918, %mul3A_925 : vector<16xf32>
        %get3A_927 = arith.index_cast %add3A_871 : i32 to index
        %get3A_928 = arith.constant 112 : index
        %get3A_929 = tpu.vector_load %arg8[%get3A_927, %get3A_928] {strides = array<i32>} : memref<80x128xf32, #tpu.memory_space<vmem>>, vector<16xf32>,
        %get3A_930 = arith.index_cast %add3A_871 : i32 to index
        %get3A_931 = arith.constant 112 : index
        %get3A_932 = tpu.vector_load %arg9[%get3A_930, %get3A_931] {strides = array<i32>} : memref<80x128xf32, #tpu.memory_space<vmem>>, vector<16xf32>,
        %mul3A_933 = arith.mulf %get3A_929, %get3A_932 : vector<16xf32>
        %add3A_934 = arith.addf %add3A_926, %mul3A_933 : vector<16xf32>
        %eq3A_935 = arith.constant 11 : i32
        %eq3A_936 = vector.broadcast %eq3A_935 : i32 to vector<16xi32>
        %eq3A_937 = arith.cmpi eq, %iota3A, %eq3A_936 : vector<16xi32>
        %reduce_sum3A_938 = arith.constant true
        %reduce_sum3A_939 = vector.broadcast %reduce_sum3A_938 : i1 to vector<16xi1>
        %reduce_sum3A_940 = tpu.scan <sum>, %add3A_934 masked %reduce_sum3A_939 : vector<16xf32>, vector<16xi1> -> vector<16xf32>
        %reduce_sum3A_941 = vector.extract %reduce_sum3A_940[15] : f32 from vector<16xf32>
        %broadcast_in_dim3A_942 = vector.broadcast %reduce_sum3A_941 : f32 to vector<16xf32>
        %select_n3A_943 = arith.select %eq3A_937, %broadcast_in_dim3A_942, %select_n3A_867 : vector<16xi1>, vector<16xf32>
        %mul3A_944 = arith.constant 16 : i32
        %mul3A_945 = arith.muli %add3A_34, %mul3A_944 : i32
        %add3A_946 = arith.constant 12 : i32
        %add3A_947 = arith.addi %mul3A_945, %add3A_946 : i32
        %get3A_948 = arith.index_cast %add3A_947 : i32 to index
        %get3A_949 = arith.constant 0 : index
        %get3A_950 = tpu.vector_load %arg8[%get3A_948, %get3A_949] {strides = array<i32>} : memref<80x128xf32, #tpu.memory_space<vmem>>, vector<16xf32>,
        %get3A_951 = arith.index_cast %add3A_947 : i32 to index
        %get3A_952 = arith.constant 0 : index
        %get3A_953 = tpu.vector_load %arg9[%get3A_951, %get3A_952] {strides = array<i32>} : memref<80x128xf32, #tpu.memory_space<vmem>>, vector<16xf32>,
        %mul3A_954 = arith.mulf %get3A_950, %get3A_953 : vector<16xf32>
        %get3A_955 = arith.index_cast %add3A_947 : i32 to index
        %get3A_956 = arith.constant 16 : index
        %get3A_957 = tpu.vector_load %arg8[%get3A_955, %get3A_956] {strides = array<i32>} : memref<80x128xf32, #tpu.memory_space<vmem>>, vector<16xf32>,
        %get3A_958 = arith.index_cast %add3A_947 : i32 to index
        %get3A_959 = arith.constant 16 : index
        %get3A_960 = tpu.vector_load %arg9[%get3A_958, %get3A_959] {strides = array<i32>} : memref<80x128xf32, #tpu.memory_space<vmem>>, vector<16xf32>,
        %mul3A_961 = arith.mulf %get3A_957, %get3A_960 : vector<16xf32>
        %add3A_962 = arith.addf %mul3A_954, %mul3A_961 : vector<16xf32>
        %get3A_963 = arith.index_cast %add3A_947 : i32 to index
        %get3A_964 = arith.constant 32 : index
        %get3A_965 = tpu.vector_load %arg8[%get3A_963, %get3A_964] {strides = array<i32>} : memref<80x128xf32, #tpu.memory_space<vmem>>, vector<16xf32>,
        %get3A_966 = arith.index_cast %add3A_947 : i32 to index
        %get3A_967 = arith.constant 32 : index
        %get3A_968 = tpu.vector_load %arg9[%get3A_966, %get3A_967] {strides = array<i32>} : memref<80x128xf32, #tpu.memory_space<vmem>>, vector<16xf32>,
        %mul3A_969 = arith.mulf %get3A_965, %get3A_968 : vector<16xf32>
        %add3A_970 = arith.addf %add3A_962, %mul3A_969 : vector<16xf32>
        %get3A_971 = arith.index_cast %add3A_947 : i32 to index
        %get3A_972 = arith.constant 48 : index
        %get3A_973 = tpu.vector_load %arg8[%get3A_971, %get3A_972] {strides = array<i32>} : memref<80x128xf32, #tpu.memory_space<vmem>>, vector<16xf32>,
        %get3A_974 = arith.index_cast %add3A_947 : i32 to index
        %get3A_975 = arith.constant 48 : index
        %get3A_976 = tpu.vector_load %arg9[%get3A_974, %get3A_975] {strides = array<i32>} : memref<80x128xf32, #tpu.memory_space<vmem>>, vector<16xf32>,
        %mul3A_977 = arith.mulf %get3A_973, %get3A_976 : vector<16xf32>
        %add3A_978 = arith.addf %add3A_970, %mul3A_977 : vector<16xf32>
        %get3A_979 = arith.index_cast %add3A_947 : i32 to index
        %get3A_980 = arith.constant 64 : index
        %get3A_981 = tpu.vector_load %arg8[%get3A_979, %get3A_980] {strides = array<i32>} : memref<80x128xf32, #tpu.memory_space<vmem>>, vector<16xf32>,
        %get3A_982 = arith.index_cast %add3A_947 : i32 to index
        %get3A_983 = arith.constant 64 : index
        %get3A_984 = tpu.vector_load %arg9[%get3A_982, %get3A_983] {strides = array<i32>} : memref<80x128xf32, #tpu.memory_space<vmem>>, vector<16xf32>,
        %mul3A_985 = arith.mulf %get3A_981, %get3A_984 : vector<16xf32>
        %add3A_986 = arith.addf %add3A_978, %mul3A_985 : vector<16xf32>
        %get3A_987 = arith.index_cast %add3A_947 : i32 to index
        %get3A_988 = arith.constant 80 : index
        %get3A_989 = tpu.vector_load %arg8[%get3A_987, %get3A_988] {strides = array<i32>} : memref<80x128xf32, #tpu.memory_space<vmem>>, vector<16xf32>,
        %get3A_990 = arith.index_cast %add3A_947 : i32 to index
        %get3A_991 = arith.constant 80 : index
        %get3A_992 = tpu.vector_load %arg9[%get3A_990, %get3A_991] {strides = array<i32>} : memref<80x128xf32, #tpu.memory_space<vmem>>, vector<16xf32>,
        %mul3A_993 = arith.mulf %get3A_989, %get3A_992 : vector<16xf32>
        %add3A_994 = arith.addf %add3A_986, %mul3A_993 : vector<16xf32>
        %get3A_995 = arith.index_cast %add3A_947 : i32 to index
        %get3A_996 = arith.constant 96 : index
        %get3A_997 = tpu.vector_load %arg8[%get3A_995, %get3A_996] {strides = array<i32>} : memref<80x128xf32, #tpu.memory_space<vmem>>, vector<16xf32>,
        %get3A_998 = arith.index_cast %add3A_947 : i32 to index
        %get3A_999 = arith.constant 96 : index
        %get3A_1000 = tpu.vector_load %arg9[%get3A_998, %get3A_999] {strides = array<i32>} : memref<80x128xf32, #tpu.memory_space<vmem>>, vector<16xf32>,
        %mul3A_1001 = arith.mulf %get3A_997, %get3A_1000 : vector<16xf32>
        %add3A_1002 = arith.addf %add3A_994, %mul3A_1001 : vector<16xf32>
        %get3A_1003 = arith.index_cast %add3A_947 : i32 to index
        %get3A_1004 = arith.constant 112 : index
        %get3A_1005 = tpu.vector_load %arg8[%get3A_1003, %get3A_1004] {strides = array<i32>} : memref<80x128xf32, #tpu.memory_space<vmem>>, vector<16xf32>,
        %get3A_1006 = arith.index_cast %add3A_947 : i32 to index
        %get3A_1007 = arith.constant 112 : index
        %get3A_1008 = tpu.vector_load %arg9[%get3A_1006, %get3A_1007] {strides = array<i32>} : memref<80x128xf32, #tpu.memory_space<vmem>>, vector<16xf32>,
        %mul3A_1009 = arith.mulf %get3A_1005, %get3A_1008 : vector<16xf32>
        %add3A_1010 = arith.addf %add3A_1002, %mul3A_1009 : vector<16xf32>
        %eq3A_1011 = arith.constant 12 : i32
        %eq3A_1012 = vector.broadcast %eq3A_1011 : i32 to vector<16xi32>
        %eq3A_1013 = arith.cmpi eq, %iota3A, %eq3A_1012 : vector<16xi32>
        %reduce_sum3A_1014 = arith.constant true
        %reduce_sum3A_1015 = vector.broadcast %reduce_sum3A_1014 : i1 to vector<16xi1>
        %reduce_sum3A_1016 = tpu.scan <sum>, %add3A_1010 masked %reduce_sum3A_1015 : vector<16xf32>, vector<16xi1> -> vector<16xf32>
        %reduce_sum3A_1017 = vector.extract %reduce_sum3A_1016[15] : f32 from vector<16xf32>
        %broadcast_in_dim3A_1018 = vector.broadcast %reduce_sum3A_1017 : f32 to vector<16xf32>
        %select_n3A_1019 = arith.select %eq3A_1013, %broadcast_in_dim3A_1018, %select_n3A_943 : vector<16xi1>, vector<16xf32>
        %mul3A_1020 = arith.constant 16 : i32
        %mul3A_1021 = arith.muli %add3A_34, %mul3A_1020 : i32
        %add3A_1022 = arith.constant 13 : i32
        %add3A_1023 = arith.addi %mul3A_1021, %add3A_1022 : i32
        %get3A_1024 = arith.index_cast %add3A_1023 : i32 to index
        %get3A_1025 = arith.constant 0 : index
        %get3A_1026 = tpu.vector_load %arg8[%get3A_1024, %get3A_1025] {strides = array<i32>} : memref<80x128xf32, #tpu.memory_space<vmem>>, vector<16xf32>,
        %get3A_1027 = arith.index_cast %add3A_1023 : i32 to index
        %get3A_1028 = arith.constant 0 : index
        %get3A_1029 = tpu.vector_load %arg9[%get3A_1027, %get3A_1028] {strides = array<i32>} : memref<80x128xf32, #tpu.memory_space<vmem>>, vector<16xf32>,
        %mul3A_1030 = arith.mulf %get3A_1026, %get3A_1029 : vector<16xf32>
        %get3A_1031 = arith.index_cast %add3A_1023 : i32 to index
        %get3A_1032 = arith.constant 16 : index
        %get3A_1033 = tpu.vector_load %arg8[%get3A_1031, %get3A_1032] {strides = array<i32>} : memref<80x128xf32, #tpu.memory_space<vmem>>, vector<16xf32>,
        %get3A_1034 = arith.index_cast %add3A_1023 : i32 to index
        %get3A_1035 = arith.constant 16 : index
        %get3A_1036 = tpu.vector_load %arg9[%get3A_1034, %get3A_1035] {strides = array<i32>} : memref<80x128xf32, #tpu.memory_space<vmem>>, vector<16xf32>,
        %mul3A_1037 = arith.mulf %get3A_1033, %get3A_1036 : vector<16xf32>
        %add3A_1038 = arith.addf %mul3A_1030, %mul3A_1037 : vector<16xf32>
        %get3A_1039 = arith.index_cast %add3A_1023 : i32 to index
        %get3A_1040 = arith.constant 32 : index
        %get3A_1041 = tpu.vector_load %arg8[%get3A_1039, %get3A_1040] {strides = array<i32>} : memref<80x128xf32, #tpu.memory_space<vmem>>, vector<16xf32>,
        %get3A_1042 = arith.index_cast %add3A_1023 : i32 to index
        %get3A_1043 = arith.constant 32 : index
        %get3A_1044 = tpu.vector_load %arg9[%get3A_1042, %get3A_1043] {strides = array<i32>} : memref<80x128xf32, #tpu.memory_space<vmem>>, vector<16xf32>,
        %mul3A_1045 = arith.mulf %get3A_1041, %get3A_1044 : vector<16xf32>
        %add3A_1046 = arith.addf %add3A_1038, %mul3A_1045 : vector<16xf32>
        %get3A_1047 = arith.index_cast %add3A_1023 : i32 to index
        %get3A_1048 = arith.constant 48 : index
        %get3A_1049 = tpu.vector_load %arg8[%get3A_1047, %get3A_1048] {strides = array<i32>} : memref<80x128xf32, #tpu.memory_space<vmem>>, vector<16xf32>,
        %get3A_1050 = arith.index_cast %add3A_1023 : i32 to index
        %get3A_1051 = arith.constant 48 : index
        %get3A_1052 = tpu.vector_load %arg9[%get3A_1050, %get3A_1051] {strides = array<i32>} : memref<80x128xf32, #tpu.memory_space<vmem>>, vector<16xf32>,
        %mul3A_1053 = arith.mulf %get3A_1049, %get3A_1052 : vector<16xf32>
        %add3A_1054 = arith.addf %add3A_1046, %mul3A_1053 : vector<16xf32>
        %get3A_1055 = arith.index_cast %add3A_1023 : i32 to index
        %get3A_1056 = arith.constant 64 : index
        %get3A_1057 = tpu.vector_load %arg8[%get3A_1055, %get3A_1056] {strides = array<i32>} : memref<80x128xf32, #tpu.memory_space<vmem>>, vector<16xf32>,
        %get3A_1058 = arith.index_cast %add3A_1023 : i32 to index
        %get3A_1059 = arith.constant 64 : index
        %get3A_1060 = tpu.vector_load %arg9[%get3A_1058, %get3A_1059] {strides = array<i32>} : memref<80x128xf32, #tpu.memory_space<vmem>>, vector<16xf32>,
        %mul3A_1061 = arith.mulf %get3A_1057, %get3A_1060 : vector<16xf32>
        %add3A_1062 = arith.addf %add3A_1054, %mul3A_1061 : vector<16xf32>
        %get3A_1063 = arith.index_cast %add3A_1023 : i32 to index
        %get3A_1064 = arith.constant 80 : index
        %get3A_1065 = tpu.vector_load %arg8[%get3A_1063, %get3A_1064] {strides = array<i32>} : memref<80x128xf32, #tpu.memory_space<vmem>>, vector<16xf32>,
        %get3A_1066 = arith.index_cast %add3A_1023 : i32 to index
        %get3A_1067 = arith.constant 80 : index
        %get3A_1068 = tpu.vector_load %arg9[%get3A_1066, %get3A_1067] {strides = array<i32>} : memref<80x128xf32, #tpu.memory_space<vmem>>, vector<16xf32>,
        %mul3A_1069 = arith.mulf %get3A_1065, %get3A_1068 : vector<16xf32>
        %add3A_1070 = arith.addf %add3A_1062, %mul3A_1069 : vector<16xf32>
        %get3A_1071 = arith.index_cast %add3A_1023 : i32 to index
        %get3A_1072 = arith.constant 96 : index
        %get3A_1073 = tpu.vector_load %arg8[%get3A_1071, %get3A_1072] {strides = array<i32>} : memref<80x128xf32, #tpu.memory_space<vmem>>, vector<16xf32>,
        %get3A_1074 = arith.index_cast %add3A_1023 : i32 to index
        %get3A_1075 = arith.constant 96 : index
        %get3A_1076 = tpu.vector_load %arg9[%get3A_1074, %get3A_1075] {strides = array<i32>} : memref<80x128xf32, #tpu.memory_space<vmem>>, vector<16xf32>,
        %mul3A_1077 = arith.mulf %get3A_1073, %get3A_1076 : vector<16xf32>
        %add3A_1078 = arith.addf %add3A_1070, %mul3A_1077 : vector<16xf32>
        %get3A_1079 = arith.index_cast %add3A_1023 : i32 to index
        %get3A_1080 = arith.constant 112 : index
        %get3A_1081 = tpu.vector_load %arg8[%get3A_1079, %get3A_1080] {strides = array<i32>} : memref<80x128xf32, #tpu.memory_space<vmem>>, vector<16xf32>,
        %get3A_1082 = arith.index_cast %add3A_1023 : i32 to index
        %get3A_1083 = arith.constant 112 : index
        %get3A_1084 = tpu.vector_load %arg9[%get3A_1082, %get3A_1083] {strides = array<i32>} : memref<80x128xf32, #tpu.memory_space<vmem>>, vector<16xf32>,
        %mul3A_1085 = arith.mulf %get3A_1081, %get3A_1084 : vector<16xf32>
        %add3A_1086 = arith.addf %add3A_1078, %mul3A_1085 : vector<16xf32>
        %eq3A_1087 = arith.constant 13 : i32
        %eq3A_1088 = vector.broadcast %eq3A_1087 : i32 to vector<16xi32>
        %eq3A_1089 = arith.cmpi eq, %iota3A, %eq3A_1088 : vector<16xi32>
        %reduce_sum3A_1090 = arith.constant true
        %reduce_sum3A_1091 = vector.broadcast %reduce_sum3A_1090 : i1 to vector<16xi1>
        %reduce_sum3A_1092 = tpu.scan <sum>, %add3A_1086 masked %reduce_sum3A_1091 : vector<16xf32>, vector<16xi1> -> vector<16xf32>
        %reduce_sum3A_1093 = vector.extract %reduce_sum3A_1092[15] : f32 from vector<16xf32>
        %broadcast_in_dim3A_1094 = vector.broadcast %reduce_sum3A_1093 : f32 to vector<16xf32>
        %select_n3A_1095 = arith.select %eq3A_1089, %broadcast_in_dim3A_1094, %select_n3A_1019 : vector<16xi1>, vector<16xf32>
        %mul3A_1096 = arith.constant 16 : i32
        %mul3A_1097 = arith.muli %add3A_34, %mul3A_1096 : i32
        %add3A_1098 = arith.constant 14 : i32
        %add3A_1099 = arith.addi %mul3A_1097, %add3A_1098 : i32
        %get3A_1100 = arith.index_cast %add3A_1099 : i32 to index
        %get3A_1101 = arith.constant 0 : index
        %get3A_1102 = tpu.vector_load %arg8[%get3A_1100, %get3A_1101] {strides = array<i32>} : memref<80x128xf32, #tpu.memory_space<vmem>>, vector<16xf32>,
        %get3A_1103 = arith.index_cast %add3A_1099 : i32 to index
        %get3A_1104 = arith.constant 0 : index
        %get3A_1105 = tpu.vector_load %arg9[%get3A_1103, %get3A_1104] {strides = array<i32>} : memref<80x128xf32, #tpu.memory_space<vmem>>, vector<16xf32>,
        %mul3A_1106 = arith.mulf %get3A_1102, %get3A_1105 : vector<16xf32>
        %get3A_1107 = arith.index_cast %add3A_1099 : i32 to index
        %get3A_1108 = arith.constant 16 : index
        %get3A_1109 = tpu.vector_load %arg8[%get3A_1107, %get3A_1108] {strides = array<i32>} : memref<80x128xf32, #tpu.memory_space<vmem>>, vector<16xf32>,
        %get3A_1110 = arith.index_cast %add3A_1099 : i32 to index
        %get3A_1111 = arith.constant 16 : index
        %get3A_1112 = tpu.vector_load %arg9[%get3A_1110, %get3A_1111] {strides = array<i32>} : memref<80x128xf32, #tpu.memory_space<vmem>>, vector<16xf32>,
        %mul3A_1113 = arith.mulf %get3A_1109, %get3A_1112 : vector<16xf32>
        %add3A_1114 = arith.addf %mul3A_1106, %mul3A_1113 : vector<16xf32>
        %get3A_1115 = arith.index_cast %add3A_1099 : i32 to index
        %get3A_1116 = arith.constant 32 : index
        %get3A_1117 = tpu.vector_load %arg8[%get3A_1115, %get3A_1116] {strides = array<i32>} : memref<80x128xf32, #tpu.memory_space<vmem>>, vector<16xf32>,
        %get3A_1118 = arith.index_cast %add3A_1099 : i32 to index
        %get3A_1119 = arith.constant 32 : index
        %get3A_1120 = tpu.vector_load %arg9[%get3A_1118, %get3A_1119] {strides = array<i32>} : memref<80x128xf32, #tpu.memory_space<vmem>>, vector<16xf32>,
        %mul3A_1121 = arith.mulf %get3A_1117, %get3A_1120 : vector<16xf32>
        %add3A_1122 = arith.addf %add3A_1114, %mul3A_1121 : vector<16xf32>
        %get3A_1123 = arith.index_cast %add3A_1099 : i32 to index
        %get3A_1124 = arith.constant 48 : index
        %get3A_1125 = tpu.vector_load %arg8[%get3A_1123, %get3A_1124] {strides = array<i32>} : memref<80x128xf32, #tpu.memory_space<vmem>>, vector<16xf32>,
        %get3A_1126 = arith.index_cast %add3A_1099 : i32 to index
        %get3A_1127 = arith.constant 48 : index
        %get3A_1128 = tpu.vector_load %arg9[%get3A_1126, %get3A_1127] {strides = array<i32>} : memref<80x128xf32, #tpu.memory_space<vmem>>, vector<16xf32>,
        %mul3A_1129 = arith.mulf %get3A_1125, %get3A_1128 : vector<16xf32>
        %add3A_1130 = arith.addf %add3A_1122, %mul3A_1129 : vector<16xf32>
        %get3A_1131 = arith.index_cast %add3A_1099 : i32 to index
        %get3A_1132 = arith.constant 64 : index
        %get3A_1133 = tpu.vector_load %arg8[%get3A_1131, %get3A_1132] {strides = array<i32>} : memref<80x128xf32, #tpu.memory_space<vmem>>, vector<16xf32>,
        %get3A_1134 = arith.index_cast %add3A_1099 : i32 to index
        %get3A_1135 = arith.constant 64 : index
        %get3A_1136 = tpu.vector_load %arg9[%get3A_1134, %get3A_1135] {strides = array<i32>} : memref<80x128xf32, #tpu.memory_space<vmem>>, vector<16xf32>,
        %mul3A_1137 = arith.mulf %get3A_1133, %get3A_1136 : vector<16xf32>
        %add3A_1138 = arith.addf %add3A_1130, %mul3A_1137 : vector<16xf32>
        %get3A_1139 = arith.index_cast %add3A_1099 : i32 to index
        %get3A_1140 = arith.constant 80 : index
        %get3A_1141 = tpu.vector_load %arg8[%get3A_1139, %get3A_1140] {strides = array<i32>} : memref<80x128xf32, #tpu.memory_space<vmem>>, vector<16xf32>,
        %get3A_1142 = arith.index_cast %add3A_1099 : i32 to index
        %get3A_1143 = arith.constant 80 : index
        %get3A_1144 = tpu.vector_load %arg9[%get3A_1142, %get3A_1143] {strides = array<i32>} : memref<80x128xf32, #tpu.memory_space<vmem>>, vector<16xf32>,
        %mul3A_1145 = arith.mulf %get3A_1141, %get3A_1144 : vector<16xf32>
        %add3A_1146 = arith.addf %add3A_1138, %mul3A_1145 : vector<16xf32>
        %get3A_1147 = arith.index_cast %add3A_1099 : i32 to index
        %get3A_1148 = arith.constant 96 : index
        %get3A_1149 = tpu.vector_load %arg8[%get3A_1147, %get3A_1148] {strides = array<i32>} : memref<80x128xf32, #tpu.memory_space<vmem>>, vector<16xf32>,
        %get3A_1150 = arith.index_cast %add3A_1099 : i32 to index
        %get3A_1151 = arith.constant 96 : index
        %get3A_1152 = tpu.vector_load %arg9[%get3A_1150, %get3A_1151] {strides = array<i32>} : memref<80x128xf32, #tpu.memory_space<vmem>>, vector<16xf32>,
        %mul3A_1153 = arith.mulf %get3A_1149, %get3A_1152 : vector<16xf32>
        %add3A_1154 = arith.addf %add3A_1146, %mul3A_1153 : vector<16xf32>
        %get3A_1155 = arith.index_cast %add3A_1099 : i32 to index
        %get3A_1156 = arith.constant 112 : index
        %get3A_1157 = tpu.vector_load %arg8[%get3A_1155, %get3A_1156] {strides = array<i32>} : memref<80x128xf32, #tpu.memory_space<vmem>>, vector<16xf32>,
        %get3A_1158 = arith.index_cast %add3A_1099 : i32 to index
        %get3A_1159 = arith.constant 112 : index
        %get3A_1160 = tpu.vector_load %arg9[%get3A_1158, %get3A_1159] {strides = array<i32>} : memref<80x128xf32, #tpu.memory_space<vmem>>, vector<16xf32>,
        %mul3A_1161 = arith.mulf %get3A_1157, %get3A_1160 : vector<16xf32>
        %add3A_1162 = arith.addf %add3A_1154, %mul3A_1161 : vector<16xf32>
        %eq3A_1163 = arith.constant 14 : i32
        %eq3A_1164 = vector.broadcast %eq3A_1163 : i32 to vector<16xi32>
        %eq3A_1165 = arith.cmpi eq, %iota3A, %eq3A_1164 : vector<16xi32>
        %reduce_sum3A_1166 = arith.constant true
        %reduce_sum3A_1167 = vector.broadcast %reduce_sum3A_1166 : i1 to vector<16xi1>
        %reduce_sum3A_1168 = tpu.scan <sum>, %add3A_1162 masked %reduce_sum3A_1167 : vector<16xf32>, vector<16xi1> -> vector<16xf32>
        %reduce_sum3A_1169 = vector.extract %reduce_sum3A_1168[15] : f32 from vector<16xf32>
        %broadcast_in_dim3A_1170 = vector.broadcast %reduce_sum3A_1169 : f32 to vector<16xf32>
        %select_n3A_1171 = arith.select %eq3A_1165, %broadcast_in_dim3A_1170, %select_n3A_1095 : vector<16xi1>, vector<16xf32>
        %mul3A_1172 = arith.constant 16 : i32
        %mul3A_1173 = arith.muli %add3A_34, %mul3A_1172 : i32
        %add3A_1174 = arith.constant 15 : i32
        %add3A_1175 = arith.addi %mul3A_1173, %add3A_1174 : i32
        %get3A_1176 = arith.index_cast %add3A_1175 : i32 to index
        %get3A_1177 = arith.constant 0 : index
        %get3A_1178 = tpu.vector_load %arg8[%get3A_1176, %get3A_1177] {strides = array<i32>} : memref<80x128xf32, #tpu.memory_space<vmem>>, vector<16xf32>,
        %get3A_1179 = arith.index_cast %add3A_1175 : i32 to index
        %get3A_1180 = arith.constant 0 : index
        %get3A_1181 = tpu.vector_load %arg9[%get3A_1179, %get3A_1180] {strides = array<i32>} : memref<80x128xf32, #tpu.memory_space<vmem>>, vector<16xf32>,
        %mul3A_1182 = arith.mulf %get3A_1178, %get3A_1181 : vector<16xf32>
        %get3A_1183 = arith.index_cast %add3A_1175 : i32 to index
        %get3A_1184 = arith.constant 16 : index
        %get3A_1185 = tpu.vector_load %arg8[%get3A_1183, %get3A_1184] {strides = array<i32>} : memref<80x128xf32, #tpu.memory_space<vmem>>, vector<16xf32>,
        %get3A_1186 = arith.index_cast %add3A_1175 : i32 to index
        %get3A_1187 = arith.constant 16 : index
        %get3A_1188 = tpu.vector_load %arg9[%get3A_1186, %get3A_1187] {strides = array<i32>} : memref<80x128xf32, #tpu.memory_space<vmem>>, vector<16xf32>,
        %mul3A_1189 = arith.mulf %get3A_1185, %get3A_1188 : vector<16xf32>
        %add3A_1190 = arith.addf %mul3A_1182, %mul3A_1189 : vector<16xf32>
        %get3A_1191 = arith.index_cast %add3A_1175 : i32 to index
        %get3A_1192 = arith.constant 32 : index
        %get3A_1193 = tpu.vector_load %arg8[%get3A_1191, %get3A_1192] {strides = array<i32>} : memref<80x128xf32, #tpu.memory_space<vmem>>, vector<16xf32>,
        %get3A_1194 = arith.index_cast %add3A_1175 : i32 to index
        %get3A_1195 = arith.constant 32 : index
        %get3A_1196 = tpu.vector_load %arg9[%get3A_1194, %get3A_1195] {strides = array<i32>} : memref<80x128xf32, #tpu.memory_space<vmem>>, vector<16xf32>,
        %mul3A_1197 = arith.mulf %get3A_1193, %get3A_1196 : vector<16xf32>
        %add3A_1198 = arith.addf %add3A_1190, %mul3A_1197 : vector<16xf32>
        %get3A_1199 = arith.index_cast %add3A_1175 : i32 to index
        %get3A_1200 = arith.constant 48 : index
        %get3A_1201 = tpu.vector_load %arg8[%get3A_1199, %get3A_1200] {strides = array<i32>} : memref<80x128xf32, #tpu.memory_space<vmem>>, vector<16xf32>,
        %get3A_1202 = arith.index_cast %add3A_1175 : i32 to index
        %get3A_1203 = arith.constant 48 : index
        %get3A_1204 = tpu.vector_load %arg9[%get3A_1202, %get3A_1203] {strides = array<i32>} : memref<80x128xf32, #tpu.memory_space<vmem>>, vector<16xf32>,
        %mul3A_1205 = arith.mulf %get3A_1201, %get3A_1204 : vector<16xf32>
        %add3A_1206 = arith.addf %add3A_1198, %mul3A_1205 : vector<16xf32>
        %get3A_1207 = arith.index_cast %add3A_1175 : i32 to index
        %get3A_1208 = arith.constant 64 : index
        %get3A_1209 = tpu.vector_load %arg8[%get3A_1207, %get3A_1208] {strides = array<i32>} : memref<80x128xf32, #tpu.memory_space<vmem>>, vector<16xf32>,
        %get3A_1210 = arith.index_cast %add3A_1175 : i32 to index
        %get3A_1211 = arith.constant 64 : index
        %get3A_1212 = tpu.vector_load %arg9[%get3A_1210, %get3A_1211] {strides = array<i32>} : memref<80x128xf32, #tpu.memory_space<vmem>>, vector<16xf32>,
        %mul3A_1213 = arith.mulf %get3A_1209, %get3A_1212 : vector<16xf32>
        %add3A_1214 = arith.addf %add3A_1206, %mul3A_1213 : vector<16xf32>
        %get3A_1215 = arith.index_cast %add3A_1175 : i32 to index
        %get3A_1216 = arith.constant 80 : index
        %get3A_1217 = tpu.vector_load %arg8[%get3A_1215, %get3A_1216] {strides = array<i32>} : memref<80x128xf32, #tpu.memory_space<vmem>>, vector<16xf32>,
        %get3A_1218 = arith.index_cast %add3A_1175 : i32 to index
        %get3A_1219 = arith.constant 80 : index
        %get3A_1220 = tpu.vector_load %arg9[%get3A_1218, %get3A_1219] {strides = array<i32>} : memref<80x128xf32, #tpu.memory_space<vmem>>, vector<16xf32>,
        %mul3A_1221 = arith.mulf %get3A_1217, %get3A_1220 : vector<16xf32>
        %add3A_1222 = arith.addf %add3A_1214, %mul3A_1221 : vector<16xf32>
        %get3A_1223 = arith.index_cast %add3A_1175 : i32 to index
        %get3A_1224 = arith.constant 96 : index
        %get3A_1225 = tpu.vector_load %arg8[%get3A_1223, %get3A_1224] {strides = array<i32>} : memref<80x128xf32, #tpu.memory_space<vmem>>, vector<16xf32>,
        %get3A_1226 = arith.index_cast %add3A_1175 : i32 to index
        %get3A_1227 = arith.constant 96 : index
        %get3A_1228 = tpu.vector_load %arg9[%get3A_1226, %get3A_1227] {strides = array<i32>} : memref<80x128xf32, #tpu.memory_space<vmem>>, vector<16xf32>,
        %mul3A_1229 = arith.mulf %get3A_1225, %get3A_1228 : vector<16xf32>
        %add3A_1230 = arith.addf %add3A_1222, %mul3A_1229 : vector<16xf32>
        %get3A_1231 = arith.index_cast %add3A_1175 : i32 to index
        %get3A_1232 = arith.constant 112 : index
        %get3A_1233 = tpu.vector_load %arg8[%get3A_1231, %get3A_1232] {strides = array<i32>} : memref<80x128xf32, #tpu.memory_space<vmem>>, vector<16xf32>,
        %get3A_1234 = arith.index_cast %add3A_1175 : i32 to index
        %get3A_1235 = arith.constant 112 : index
        %get3A_1236 = tpu.vector_load %arg9[%get3A_1234, %get3A_1235] {strides = array<i32>} : memref<80x128xf32, #tpu.memory_space<vmem>>, vector<16xf32>,
        %mul3A_1237 = arith.mulf %get3A_1233, %get3A_1236 : vector<16xf32>
        %add3A_1238 = arith.addf %add3A_1230, %mul3A_1237 : vector<16xf32>
        %eq3A_1239 = arith.constant 15 : i32
        %eq3A_1240 = vector.broadcast %eq3A_1239 : i32 to vector<16xi32>
        %eq3A_1241 = arith.cmpi eq, %iota3A, %eq3A_1240 : vector<16xi32>
        %reduce_sum3A_1242 = arith.constant true
        %reduce_sum3A_1243 = vector.broadcast %reduce_sum3A_1242 : i1 to vector<16xi1>
        %reduce_sum3A_1244 = tpu.scan <sum>, %add3A_1238 masked %reduce_sum3A_1243 : vector<16xf32>, vector<16xi1> -> vector<16xf32>
        %reduce_sum3A_1245 = vector.extract %reduce_sum3A_1244[15] : f32 from vector<16xf32>
        %broadcast_in_dim3A_1246 = vector.broadcast %reduce_sum3A_1245 : f32 to vector<16xf32>
        %select_n3A_1247 = arith.select %eq3A_1241, %broadcast_in_dim3A_1246, %select_n3A_1171 : vector<16xi1>, vector<16xf32>
        %mul3A_1248 = arith.constant 16 : i32
        %mul3A_1249 = arith.muli %add3A_34, %mul3A_1248 : i32
        %swap3A = arith.index_cast %mul3A_1249 : i32 to index
        %swap3A_1250 = tpu.vector_load %arg10[%swap3A] {strides = array<i32>} : memref<80xf32, #tpu.memory_space<vmem>>, vector<16xf32>,
        tpu.vector_store %arg10[%swap3A], %select_n3A_1247 {strides = array<i32>} : memref<80xf32, #tpu.memory_space<vmem>>, vector<16xf32>,
      }
      %scan3A_29 = arith.constant 5 : i32
      "tpu.region"() ({
        %run_scoped3A = tpu.sem_alloc : memref<!tpu.dma_semaphore, #tpu.memory_space<semaphore_mem>>
        %dma_start3A_30 = tpu.memref_slice %arg5[%add3A_14] : memref<320000xf32, #tpu.memory_space<hbm>> -> memref<80xf32, #tpu.memory_space<hbm>>
        %dma_start3A_31 = tpu.memref_slice %arg5[%add3A_14] : memref<320000xf32, #tpu.memory_space<hbm>> -> memref<80xf32, #tpu.memory_space<hbm>>
        tpu.enqueue_dma source(%arg10 : memref<80xf32, #tpu.memory_space<vmem>>) target(%dma_start3A_31 : memref<80xf32, #tpu.memory_space<hbm>>) target_semaphore(%run_scoped3A : memref<!tpu.dma_semaphore, #tpu.memory_space<semaphore_mem>>)
        %dma_wait3A_32 = tpu.memref_slice %arg5[%add3A_14] : memref<320000xf32, #tpu.memory_space<hbm>> -> memref<80xf32, #tpu.memory_space<hbm>>
        %dma_wait3A_33 = tpu.memref_slice %arg5[%add3A_14] : memref<320000xf32, #tpu.memory_space<hbm>> -> memref<80xf32, #tpu.memory_space<hbm>>
        tpu.wait_dma2 semaphore(%run_scoped3A : memref<!tpu.dma_semaphore, #tpu.memory_space<semaphore_mem>>) src(%arg10 : memref<80xf32, #tpu.memory_space<vmem>>) dst(%dma_wait3A_33 : memref<80xf32, #tpu.memory_space<hbm>>)
        tpu.yield
      }) : () -> ()
    }
    %scan3A_6 = arith.constant 125 : i32
    return
  }
}

#map = affine_map<(d0, d1) -> (0)>
module attributes {stable_mosaic.version = 14 : i64} {
  func.func @k(%arg0: i32, %arg1: i32, %arg2: memref<320000xi32, #tpu.memory_space<hbm>>, %arg3: memref<10240xf32, #tpu.memory_space<hbm>>, %arg4: memref<20480xf32, #tpu.memory_space<hbm>>, %arg5: memref<10240xf32, #tpu.memory_space<vmem_shared>>, %arg6: memref<80xi32, #tpu.memory_space<vmem>>, %arg7: memref<80xf32, #tpu.memory_space<vmem>>) attributes {dimension_semantics = [#tpu.dimension_semantics<core_parallel>, #tpu.dimension_semantics<subcore_parallel>], iteration_bounds = array<i64: 2, 16>, scalar_prefetch = 0 : i64, scratch_operands = 3 : i64, tpu.core_type = #tpu.core_type<sc_vector_subcore>, window_params = [{transform_indices = #map}, {transform_indices = #map}, {transform_indices = #map}]} {
    %mul3A = arith.constant 16 : i32
    %mul3A_0 = arith.muli %arg0, %mul3A : i32
    %add3A = arith.addi %mul3A_0, %arg1 : i32
    %mul3A_1 = arith.constant 640 : i32
    %mul3A_2 = arith.muli %arg1, %mul3A_1 : i32
    "tpu.region"() ({
      %run_scoped3A = tpu.sem_alloc : memref<!tpu.dma_semaphore, #tpu.memory_space<semaphore_mem>>
      %dma_start3A = tpu.memref_slice %arg5[%mul3A_2] : memref<10240xf32, #tpu.memory_space<vmem_shared>> -> memref<640xf32, #tpu.memory_space<vmem_shared>>
      %dma_start3A_41 = tpu.memref_slice %arg3[%mul3A_2] : memref<10240xf32, #tpu.memory_space<hbm>> -> memref<640xf32, #tpu.memory_space<hbm>>
      tpu.enqueue_dma source(%dma_start3A_41 : memref<640xf32, #tpu.memory_space<hbm>>) target(%dma_start3A : memref<640xf32, #tpu.memory_space<vmem_shared>>) target_semaphore(%run_scoped3A : memref<!tpu.dma_semaphore, #tpu.memory_space<semaphore_mem>>)
      %dma_wait3A = tpu.memref_slice %arg5[%mul3A_2] : memref<10240xf32, #tpu.memory_space<vmem_shared>> -> memref<640xf32, #tpu.memory_space<vmem_shared>>
      %dma_wait3A_42 = tpu.memref_slice %arg3[%mul3A_2] : memref<10240xf32, #tpu.memory_space<hbm>> -> memref<640xf32, #tpu.memory_space<hbm>>
      tpu.wait_dma2 semaphore(%run_scoped3A : memref<!tpu.dma_semaphore, #tpu.memory_space<semaphore_mem>>) src(%dma_wait3A_42 : memref<640xf32, #tpu.memory_space<hbm>>) dst(%dma_wait3A : memref<640xf32, #tpu.memory_space<vmem_shared>>)
      tpu.yield
    }) : () -> ()
    %broadcast_in_dim3A = arith.constant 1.000000e+00 : f32
    %broadcast_in_dim3A_3 = vector.broadcast %broadcast_in_dim3A : f32 to vector<16xf32>
    %swap3A = arith.constant 0 : index
    %swap3A_4 = tpu.vector_load %arg7[%swap3A] {strides = array<i32>} : memref<80xf32, #tpu.memory_space<vmem>>, vector<16xf32>,
    %swap3A_5 = vector.shape_cast %swap3A_4 : vector<16xf32> to vector<16xf32>
    %swap3A_6 = vector.shape_cast %broadcast_in_dim3A_3 : vector<16xf32> to vector<16xf32>
    tpu.vector_store %arg7[%swap3A], %swap3A_6 {strides = array<i32>} : memref<80xf32, #tpu.memory_space<vmem>>, vector<16xf32>,
    %broadcast_in_dim3A_7 = arith.constant 1.000000e+00 : f32
    %broadcast_in_dim3A_8 = vector.broadcast %broadcast_in_dim3A_7 : f32 to vector<16xf32>
    %swap3A_9 = arith.constant 16 : index
    %swap3A_10 = tpu.vector_load %arg7[%swap3A_9] {strides = array<i32>} : memref<80xf32, #tpu.memory_space<vmem>>, vector<16xf32>,
    %swap3A_11 = vector.shape_cast %swap3A_10 : vector<16xf32> to vector<16xf32>
    %swap3A_12 = vector.shape_cast %broadcast_in_dim3A_8 : vector<16xf32> to vector<16xf32>
    tpu.vector_store %arg7[%swap3A_9], %swap3A_12 {strides = array<i32>} : memref<80xf32, #tpu.memory_space<vmem>>, vector<16xf32>,
    %broadcast_in_dim3A_13 = arith.constant 1.000000e+00 : f32
    %broadcast_in_dim3A_14 = vector.broadcast %broadcast_in_dim3A_13 : f32 to vector<16xf32>
    %swap3A_15 = arith.constant 32 : index
    %swap3A_16 = tpu.vector_load %arg7[%swap3A_15] {strides = array<i32>} : memref<80xf32, #tpu.memory_space<vmem>>, vector<16xf32>,
    %swap3A_17 = vector.shape_cast %swap3A_16 : vector<16xf32> to vector<16xf32>
    %swap3A_18 = vector.shape_cast %broadcast_in_dim3A_14 : vector<16xf32> to vector<16xf32>
    tpu.vector_store %arg7[%swap3A_15], %swap3A_18 {strides = array<i32>} : memref<80xf32, #tpu.memory_space<vmem>>, vector<16xf32>,
    %broadcast_in_dim3A_19 = arith.constant 1.000000e+00 : f32
    %broadcast_in_dim3A_20 = vector.broadcast %broadcast_in_dim3A_19 : f32 to vector<16xf32>
    %swap3A_21 = arith.constant 48 : index
    %swap3A_22 = tpu.vector_load %arg7[%swap3A_21] {strides = array<i32>} : memref<80xf32, #tpu.memory_space<vmem>>, vector<16xf32>,
    %swap3A_23 = vector.shape_cast %swap3A_22 : vector<16xf32> to vector<16xf32>
    %swap3A_24 = vector.shape_cast %broadcast_in_dim3A_20 : vector<16xf32> to vector<16xf32>
    tpu.vector_store %arg7[%swap3A_21], %swap3A_24 {strides = array<i32>} : memref<80xf32, #tpu.memory_space<vmem>>, vector<16xf32>,
    %broadcast_in_dim3A_25 = arith.constant 1.000000e+00 : f32
    %broadcast_in_dim3A_26 = vector.broadcast %broadcast_in_dim3A_25 : f32 to vector<16xf32>
    %swap3A_27 = arith.constant 64 : index
    %swap3A_28 = tpu.vector_load %arg7[%swap3A_27] {strides = array<i32>} : memref<80xf32, #tpu.memory_space<vmem>>, vector<16xf32>,
    %swap3A_29 = vector.shape_cast %swap3A_28 : vector<16xf32> to vector<16xf32>
    %swap3A_30 = vector.shape_cast %broadcast_in_dim3A_26 : vector<16xf32> to vector<16xf32>
    tpu.vector_store %arg7[%swap3A_27], %swap3A_30 {strides = array<i32>} : memref<80xf32, #tpu.memory_space<vmem>>, vector<16xf32>,
    %barrier3A = arith.constant 0 : index
    tpu.barrier barrier_id(%barrier3A)
    %mul3A_31 = arith.constant 10000 : i32
    %mul3A_32 = arith.muli %add3A, %mul3A_31 : i32
    %scan3A = arith.constant 0 : i32
    %scan3A_33 = arith.constant 125 : i32
    %scan3A_34 = arith.addi %scan3A, %scan3A_33 : i32
    %scan3A_35 = arith.constant 1 : i32
    scf.for %scan3A_41 = %scan3A to %scan3A_34 step %scan3A_35  : i32 {
      %mul3A_42 = arith.constant 1 : i32
      %mul3A_43 = arith.muli %scan3A_41, %mul3A_42 : i32
      %add3A_44 = arith.constant 0 : i32
      %add3A_45 = arith.addi %add3A_44, %mul3A_43 : i32
      %mul3A_46 = arith.constant 80 : i32
      %mul3A_47 = arith.muli %add3A_45, %mul3A_46 : i32
      %add3A_48 = arith.addi %mul3A_32, %mul3A_47 : i32
      "tpu.region"() ({
        %run_scoped3A = tpu.sem_alloc : memref<!tpu.dma_semaphore, #tpu.memory_space<semaphore_mem>>
        %dma_start3A = tpu.memref_slice %arg2[%add3A_48] : memref<320000xi32, #tpu.memory_space<hbm>> -> memref<80xi32, #tpu.memory_space<hbm>>
        %dma_start3A_49 = tpu.memref_slice %arg2[%add3A_48] : memref<320000xi32, #tpu.memory_space<hbm>> -> memref<80xi32, #tpu.memory_space<hbm>>
        tpu.enqueue_dma source(%dma_start3A_49 : memref<80xi32, #tpu.memory_space<hbm>>) target(%arg6 : memref<80xi32, #tpu.memory_space<vmem>>) target_semaphore(%run_scoped3A : memref<!tpu.dma_semaphore, #tpu.memory_space<semaphore_mem>>)
        %dma_wait3A = tpu.memref_slice %arg2[%add3A_48] : memref<320000xi32, #tpu.memory_space<hbm>> -> memref<80xi32, #tpu.memory_space<hbm>>
        %dma_wait3A_50 = tpu.memref_slice %arg2[%add3A_48] : memref<320000xi32, #tpu.memory_space<hbm>> -> memref<80xi32, #tpu.memory_space<hbm>>
        tpu.wait_dma2 semaphore(%run_scoped3A : memref<!tpu.dma_semaphore, #tpu.memory_space<semaphore_mem>>) src(%dma_wait3A_50 : memref<80xi32, #tpu.memory_space<hbm>>) dst(%arg6 : memref<80xi32, #tpu.memory_space<vmem>>)
        tpu.yield
      }) : () -> ()
      "tpu.region"() ({
        %run_scoped3A = tpu.sem_alloc : memref<!tpu.dma_semaphore, #tpu.memory_space<semaphore_mem>>
        %dma_start3A = arith.constant 0 : i32
        %dma_start3A_49 = tpu.memref_slice %arg5[%dma_start3A] : memref<10240xf32, #tpu.memory_space<vmem_shared>> -> memref<10240xf32, #tpu.memory_space<vmem_shared>>
        tpu.enqueue_indirect_dma source(%arg7 : memref<80xf32, #tpu.memory_space<vmem>>) target(%dma_start3A_49 : memref<10240xf32, #tpu.memory_space<vmem_shared>>) offsets(%arg6 : memref<80xi32, #tpu.memory_space<vmem>>) semaphore(%run_scoped3A : memref<!tpu.dma_semaphore, #tpu.memory_space<semaphore_mem>>) {add = true}
        %dma_wait3A = arith.constant 0 : i32
        %dma_wait3A_50 = tpu.memref_slice %arg5[%dma_wait3A] : memref<10240xf32, #tpu.memory_space<vmem_shared>> -> memref<10240xf32, #tpu.memory_space<vmem_shared>>
        tpu.wait_indirect_dma semaphore(%run_scoped3A : memref<!tpu.dma_semaphore, #tpu.memory_space<semaphore_mem>>) src(%arg7 : memref<80xf32, #tpu.memory_space<vmem>>) dst(%dma_wait3A_50 : memref<10240xf32, #tpu.memory_space<vmem_shared>>)
        tpu.yield
      }) : () -> ()
    }
    %scan3A_36 = arith.constant 125 : i32
    %barrier3A_37 = arith.constant 0 : index
    tpu.barrier barrier_id(%barrier3A_37)
    %mul3A_38 = arith.constant 10240 : i32
    %mul3A_39 = arith.muli %arg0, %mul3A_38 : i32
    %add3A_40 = arith.addi %mul3A_39, %mul3A_2 : i32
    "tpu.region"() ({
      %run_scoped3A = tpu.sem_alloc : memref<!tpu.dma_semaphore, #tpu.memory_space<semaphore_mem>>
      %dma_start3A = tpu.memref_slice %arg4[%add3A_40] : memref<20480xf32, #tpu.memory_space<hbm>> -> memref<640xf32, #tpu.memory_space<hbm>>
      %dma_start3A_41 = tpu.memref_slice %arg5[%mul3A_2] : memref<10240xf32, #tpu.memory_space<vmem_shared>> -> memref<640xf32, #tpu.memory_space<vmem_shared>>
      tpu.enqueue_dma source(%dma_start3A_41 : memref<640xf32, #tpu.memory_space<vmem_shared>>) target(%dma_start3A : memref<640xf32, #tpu.memory_space<hbm>>) target_semaphore(%run_scoped3A : memref<!tpu.dma_semaphore, #tpu.memory_space<semaphore_mem>>)
      %dma_wait3A = tpu.memref_slice %arg4[%add3A_40] : memref<20480xf32, #tpu.memory_space<hbm>> -> memref<640xf32, #tpu.memory_space<hbm>>
      %dma_wait3A_42 = tpu.memref_slice %arg5[%mul3A_2] : memref<10240xf32, #tpu.memory_space<vmem_shared>> -> memref<640xf32, #tpu.memory_space<vmem_shared>>
      tpu.wait_dma2 semaphore(%run_scoped3A : memref<!tpu.dma_semaphore, #tpu.memory_space<semaphore_mem>>) src(%dma_wait3A_42 : memref<640xf32, #tpu.memory_space<vmem_shared>>) dst(%dma_wait3A : memref<640xf32, #tpu.memory_space<hbm>>)
      tpu.yield
    }) : () -> ()
    return
  }
}

#map = affine_map<(d0, d1) -> (0, 0)>
#map1 = affine_map<(d0, d1) -> (0)>
module attributes {stable_mosaic.version = 14 : i64} {
  func.func @k(%arg0: i32, %arg1: i32, %arg2: memref<10000x128xf32, #tpu.memory_space<hbm>>, %arg3: memref<320000xi32, #tpu.memory_space<hbm>>, %arg4: memref<320000xi32, #tpu.memory_space<hbm>>, %arg5: memref<10240x128xf32, #tpu.memory_space<hbm>>, %arg6: memref<20480x128xf32, #tpu.memory_space<hbm>>, %arg7: memref<10240x128xf32, #tpu.memory_space<vmem_shared>>, %arg8: memref<80xi32, #tpu.memory_space<vmem>>, %arg9: memref<80xi32, #tpu.memory_space<vmem>>, %arg10: memref<80x128xf32, #tpu.memory_space<vmem>>, %arg11: memref<!tpu.dma_semaphore, #tpu.memory_space<semaphore_mem>>) attributes {dimension_semantics = [#tpu.dimension_semantics<core_parallel>, #tpu.dimension_semantics<subcore_parallel>], iteration_bounds = array<i64: 2, 16>, scalar_prefetch = 0 : i64, scratch_operands = 5 : i64, tpu.core_type = #tpu.core_type<sc_vector_subcore>, window_params = [{transform_indices = #map}, {transform_indices = #map1}, {transform_indices = #map1}, {transform_indices = #map}, {transform_indices = #map}]} {
    %mul3A = arith.constant 16 : i32
    %mul3A_0 = arith.muli %arg0, %mul3A : i32
    %add3A = arith.addi %mul3A_0, %arg1 : i32
    %mul3A_1 = arith.constant 640 : i32
    %mul3A_2 = arith.muli %arg1, %mul3A_1 : i32
    "tpu.region"() ({
      %run_scoped3A = tpu.sem_alloc : memref<!tpu.dma_semaphore, #tpu.memory_space<semaphore_mem>>
      %dma_start3A = arith.constant 0 : i32
      %dma_start3A_13 = tpu.memref_slice %arg7[%mul3A_2, %dma_start3A] : memref<10240x128xf32, #tpu.memory_space<vmem_shared>> -> memref<640x128xf32, #tpu.memory_space<vmem_shared>>
      %dma_start3A_14 = arith.constant 0 : i32
      %dma_start3A_15 = tpu.memref_slice %arg5[%mul3A_2, %dma_start3A_14] : memref<10240x128xf32, #tpu.memory_space<hbm>> -> memref<640x128xf32, #tpu.memory_space<hbm>>
      tpu.enqueue_dma source(%dma_start3A_15 : memref<640x128xf32, #tpu.memory_space<hbm>>) target(%dma_start3A_13 : memref<640x128xf32, #tpu.memory_space<vmem_shared>>) target_semaphore(%run_scoped3A : memref<!tpu.dma_semaphore, #tpu.memory_space<semaphore_mem>>)
      %dma_wait3A = arith.constant 0 : i32
      %dma_wait3A_16 = tpu.memref_slice %arg7[%mul3A_2, %dma_wait3A] : memref<10240x128xf32, #tpu.memory_space<vmem_shared>> -> memref<640x128xf32, #tpu.memory_space<vmem_shared>>
      %dma_wait3A_17 = arith.constant 0 : i32
      %dma_wait3A_18 = tpu.memref_slice %arg5[%mul3A_2, %dma_wait3A_17] : memref<10240x128xf32, #tpu.memory_space<hbm>> -> memref<640x128xf32, #tpu.memory_space<hbm>>
      tpu.wait_dma2 semaphore(%run_scoped3A : memref<!tpu.dma_semaphore, #tpu.memory_space<semaphore_mem>>) src(%dma_wait3A_18 : memref<640x128xf32, #tpu.memory_space<hbm>>) dst(%dma_wait3A_16 : memref<640x128xf32, #tpu.memory_space<vmem_shared>>)
      tpu.yield
    }) : () -> ()
    %barrier3A = arith.constant 0 : index
    tpu.barrier barrier_id(%barrier3A)
    %mul3A_3 = arith.constant 10000 : i32
    %mul3A_4 = arith.muli %add3A, %mul3A_3 : i32
    %scan3A = arith.constant 0 : i32
    %scan3A_5 = arith.constant 125 : i32
    %scan3A_6 = arith.addi %scan3A, %scan3A_5 : i32
    %scan3A_7 = arith.constant 1 : i32
    scf.for %scan3A_13 = %scan3A to %scan3A_6 step %scan3A_7  : i32 {
      %mul3A_14 = arith.constant 1 : i32
      %mul3A_15 = arith.muli %scan3A_13, %mul3A_14 : i32
      %add3A_16 = arith.constant 0 : i32
      %add3A_17 = arith.addi %add3A_16, %mul3A_15 : i32
      %mul3A_18 = arith.constant 80 : i32
      %mul3A_19 = arith.muli %add3A_17, %mul3A_18 : i32
      %add3A_20 = arith.addi %mul3A_4, %mul3A_19 : i32
      "tpu.region"() ({
        %run_scoped3A = tpu.sem_alloc : memref<!tpu.dma_semaphore, #tpu.memory_space<semaphore_mem>>
        %dma_start3A_25 = tpu.memref_slice %arg3[%add3A_20] : memref<320000xi32, #tpu.memory_space<hbm>> -> memref<80xi32, #tpu.memory_space<hbm>>
        %dma_start3A_26 = tpu.memref_slice %arg3[%add3A_20] : memref<320000xi32, #tpu.memory_space<hbm>> -> memref<80xi32, #tpu.memory_space<hbm>>
        tpu.enqueue_dma source(%dma_start3A_26 : memref<80xi32, #tpu.memory_space<hbm>>) target(%arg8 : memref<80xi32, #tpu.memory_space<vmem>>) target_semaphore(%run_scoped3A : memref<!tpu.dma_semaphore, #tpu.memory_space<semaphore_mem>>)
        %dma_wait3A_27 = tpu.memref_slice %arg3[%add3A_20] : memref<320000xi32, #tpu.memory_space<hbm>> -> memref<80xi32, #tpu.memory_space<hbm>>
        %dma_wait3A_28 = tpu.memref_slice %arg3[%add3A_20] : memref<320000xi32, #tpu.memory_space<hbm>> -> memref<80xi32, #tpu.memory_space<hbm>>
        tpu.wait_dma2 semaphore(%run_scoped3A : memref<!tpu.dma_semaphore, #tpu.memory_space<semaphore_mem>>) src(%dma_wait3A_28 : memref<80xi32, #tpu.memory_space<hbm>>) dst(%arg8 : memref<80xi32, #tpu.memory_space<vmem>>)
        tpu.yield
      }) : () -> ()
      "tpu.region"() ({
        %run_scoped3A = tpu.sem_alloc : memref<!tpu.dma_semaphore, #tpu.memory_space<semaphore_mem>>
        %dma_start3A_25 = tpu.memref_slice %arg4[%add3A_20] : memref<320000xi32, #tpu.memory_space<hbm>> -> memref<80xi32, #tpu.memory_space<hbm>>
        %dma_start3A_26 = tpu.memref_slice %arg4[%add3A_20] : memref<320000xi32, #tpu.memory_space<hbm>> -> memref<80xi32, #tpu.memory_space<hbm>>
        tpu.enqueue_dma source(%dma_start3A_26 : memref<80xi32, #tpu.memory_space<hbm>>) target(%arg9 : memref<80xi32, #tpu.memory_space<vmem>>) target_semaphore(%run_scoped3A : memref<!tpu.dma_semaphore, #tpu.memory_space<semaphore_mem>>)
        %dma_wait3A_27 = tpu.memref_slice %arg4[%add3A_20] : memref<320000xi32, #tpu.memory_space<hbm>> -> memref<80xi32, #tpu.memory_space<hbm>>
        %dma_wait3A_28 = tpu.memref_slice %arg4[%add3A_20] : memref<320000xi32, #tpu.memory_space<hbm>> -> memref<80xi32, #tpu.memory_space<hbm>>
        tpu.wait_dma2 semaphore(%run_scoped3A : memref<!tpu.dma_semaphore, #tpu.memory_space<semaphore_mem>>) src(%dma_wait3A_28 : memref<80xi32, #tpu.memory_space<hbm>>) dst(%arg9 : memref<80xi32, #tpu.memory_space<vmem>>)
        tpu.yield
      }) : () -> ()
      %dma_start3A = arith.constant 0 : i32
      %dma_start3A_21 = arith.constant 0 : i32
      %dma_start3A_22 = tpu.memref_slice %arg2[%dma_start3A, %dma_start3A_21] : memref<10000x128xf32, #tpu.memory_space<hbm>> -> memref<10000x128xf32, #tpu.memory_space<hbm>>
      tpu.enqueue_indirect_dma source(%dma_start3A_22 : memref<10000x128xf32, #tpu.memory_space<hbm>>) target(%arg10 : memref<80x128xf32, #tpu.memory_space<vmem>>) offsets(%arg8 : memref<80xi32, #tpu.memory_space<vmem>>) semaphore(%arg11 : memref<!tpu.dma_semaphore, #tpu.memory_space<semaphore_mem>>)
      %dma_wait3A = arith.constant 0 : i32
      %dma_wait3A_23 = arith.constant 0 : i32
      %dma_wait3A_24 = tpu.memref_slice %arg2[%dma_wait3A, %dma_wait3A_23] : memref<10000x128xf32, #tpu.memory_space<hbm>> -> memref<10000x128xf32, #tpu.memory_space<hbm>>
      tpu.wait_indirect_dma semaphore(%arg11 : memref<!tpu.dma_semaphore, #tpu.memory_space<semaphore_mem>>) src(%dma_wait3A_24 : memref<10000x128xf32, #tpu.memory_space<hbm>>) dst(%arg10 : memref<80x128xf32, #tpu.memory_space<vmem>>)
      "tpu.region"() ({
        %run_scoped3A = tpu.sem_alloc : memref<!tpu.dma_semaphore, #tpu.memory_space<semaphore_mem>>
        %dma_start3A_25 = arith.constant 0 : i32
        %dma_start3A_26 = arith.constant 0 : i32
        %dma_start3A_27 = tpu.memref_slice %arg7[%dma_start3A_25, %dma_start3A_26] : memref<10240x128xf32, #tpu.memory_space<vmem_shared>> -> memref<10240x128xf32, #tpu.memory_space<vmem_shared>>
        tpu.enqueue_indirect_dma source(%arg10 : memref<80x128xf32, #tpu.memory_space<vmem>>) target(%dma_start3A_27 : memref<10240x128xf32, #tpu.memory_space<vmem_shared>>) offsets(%arg9 : memref<80xi32, #tpu.memory_space<vmem>>) semaphore(%run_scoped3A : memref<!tpu.dma_semaphore, #tpu.memory_space<semaphore_mem>>) {add = true}
        %dma_wait3A_28 = arith.constant 0 : i32
        %dma_wait3A_29 = arith.constant 0 : i32
        %dma_wait3A_30 = tpu.memref_slice %arg7[%dma_wait3A_28, %dma_wait3A_29] : memref<10240x128xf32, #tpu.memory_space<vmem_shared>> -> memref<10240x128xf32, #tpu.memory_space<vmem_shared>>
        tpu.wait_indirect_dma semaphore(%run_scoped3A : memref<!tpu.dma_semaphore, #tpu.memory_space<semaphore_mem>>) src(%arg10 : memref<80x128xf32, #tpu.memory_space<vmem>>) dst(%dma_wait3A_30 : memref<10240x128xf32, #tpu.memory_space<vmem_shared>>)
        tpu.yield
      }) : () -> ()
    }
    %scan3A_8 = arith.constant 125 : i32
    %barrier3A_9 = arith.constant 0 : index
    tpu.barrier barrier_id(%barrier3A_9)
    %mul3A_10 = arith.constant 10240 : i32
    %mul3A_11 = arith.muli %arg0, %mul3A_10 : i32
    %add3A_12 = arith.addi %mul3A_11, %mul3A_2 : i32
    "tpu.region"() ({
      %run_scoped3A = tpu.sem_alloc : memref<!tpu.dma_semaphore, #tpu.memory_space<semaphore_mem>>
      %dma_start3A = arith.constant 0 : i32
      %dma_start3A_13 = tpu.memref_slice %arg6[%add3A_12, %dma_start3A] : memref<20480x128xf32, #tpu.memory_space<hbm>> -> memref<640x128xf32, #tpu.memory_space<hbm>>
      %dma_start3A_14 = arith.constant 0 : i32
      %dma_start3A_15 = tpu.memref_slice %arg7[%mul3A_2, %dma_start3A_14] : memref<10240x128xf32, #tpu.memory_space<vmem_shared>> -> memref<640x128xf32, #tpu.memory_space<vmem_shared>>
      tpu.enqueue_dma source(%dma_start3A_15 : memref<640x128xf32, #tpu.memory_space<vmem_shared>>) target(%dma_start3A_13 : memref<640x128xf32, #tpu.memory_space<hbm>>) target_semaphore(%run_scoped3A : memref<!tpu.dma_semaphore, #tpu.memory_space<semaphore_mem>>)
      %dma_wait3A = arith.constant 0 : i32
      %dma_wait3A_16 = tpu.memref_slice %arg6[%add3A_12, %dma_wait3A] : memref<20480x128xf32, #tpu.memory_space<hbm>> -> memref<640x128xf32, #tpu.memory_space<hbm>>
      %dma_wait3A_17 = arith.constant 0 : i32
      %dma_wait3A_18 = tpu.memref_slice %arg7[%mul3A_2, %dma_wait3A_17] : memref<10240x128xf32, #tpu.memory_space<vmem_shared>> -> memref<640x128xf32, #tpu.memory_space<vmem_shared>>
      tpu.wait_dma2 semaphore(%run_scoped3A : memref<!tpu.dma_semaphore, #tpu.memory_space<semaphore_mem>>) src(%dma_wait3A_18 : memref<640x128xf32, #tpu.memory_space<vmem_shared>>) dst(%dma_wait3A_16 : memref<640x128xf32, #tpu.memory_space<hbm>>)
      tpu.yield
    }) : () -> ()
    return
  }
}

#map = affine_map<(d0, d1) -> (0, 0)>
#map1 = affine_map<(d0, d1) -> (0)>
module attributes {stable_mosaic.version = 14 : i64} {
  func.func @k(%arg0: i32, %arg1: i32, %arg2: memref<10000x128xf32, #tpu.memory_space<hbm>>, %arg3: memref<320000xi32, #tpu.memory_space<hbm>>, %arg4: memref<320000xi32, #tpu.memory_space<hbm>>, %arg5: memref<10240x128xf32, #tpu.memory_space<hbm>>, %arg6: memref<20480x128xf32, #tpu.memory_space<hbm>>, %arg7: memref<10240x128xf32, #tpu.memory_space<vmem_shared>>, %arg8: memref<80xi32, #tpu.memory_space<vmem>>, %arg9: memref<80xi32, #tpu.memory_space<vmem>>, %arg10: memref<80x128xf32, #tpu.memory_space<vmem>>, %arg11: memref<!tpu.dma_semaphore, #tpu.memory_space<semaphore_mem>>) attributes {dimension_semantics = [#tpu.dimension_semantics<core_parallel>, #tpu.dimension_semantics<subcore_parallel>], iteration_bounds = array<i64: 2, 16>, scalar_prefetch = 0 : i64, scratch_operands = 5 : i64, tpu.core_type = #tpu.core_type<sc_vector_subcore>, window_params = [{transform_indices = #map}, {transform_indices = #map1}, {transform_indices = #map1}, {transform_indices = #map}, {transform_indices = #map}]} {
    %mul3A = arith.constant 16 : i32
    %mul3A_0 = arith.muli %arg0, %mul3A : i32
    %add3A = arith.addi %mul3A_0, %arg1 : i32
    %mul3A_1 = arith.constant 640 : i32
    %mul3A_2 = arith.muli %arg1, %mul3A_1 : i32
    "tpu.region"() ({
      %run_scoped3A = tpu.sem_alloc : memref<!tpu.dma_semaphore, #tpu.memory_space<semaphore_mem>>
      %dma_start3A = arith.constant 0 : i32
      %dma_start3A_13 = tpu.memref_slice %arg7[%mul3A_2, %dma_start3A] : memref<10240x128xf32, #tpu.memory_space<vmem_shared>> -> memref<640x128xf32, #tpu.memory_space<vmem_shared>>
      %dma_start3A_14 = arith.constant 0 : i32
      %dma_start3A_15 = tpu.memref_slice %arg5[%mul3A_2, %dma_start3A_14] : memref<10240x128xf32, #tpu.memory_space<hbm>> -> memref<640x128xf32, #tpu.memory_space<hbm>>
      tpu.enqueue_dma source(%dma_start3A_15 : memref<640x128xf32, #tpu.memory_space<hbm>>) target(%dma_start3A_13 : memref<640x128xf32, #tpu.memory_space<vmem_shared>>) target_semaphore(%run_scoped3A : memref<!tpu.dma_semaphore, #tpu.memory_space<semaphore_mem>>)
      %dma_wait3A = arith.constant 0 : i32
      %dma_wait3A_16 = tpu.memref_slice %arg7[%mul3A_2, %dma_wait3A] : memref<10240x128xf32, #tpu.memory_space<vmem_shared>> -> memref<640x128xf32, #tpu.memory_space<vmem_shared>>
      %dma_wait3A_17 = arith.constant 0 : i32
      %dma_wait3A_18 = tpu.memref_slice %arg5[%mul3A_2, %dma_wait3A_17] : memref<10240x128xf32, #tpu.memory_space<hbm>> -> memref<640x128xf32, #tpu.memory_space<hbm>>
      tpu.wait_dma2 semaphore(%run_scoped3A : memref<!tpu.dma_semaphore, #tpu.memory_space<semaphore_mem>>) src(%dma_wait3A_18 : memref<640x128xf32, #tpu.memory_space<hbm>>) dst(%dma_wait3A_16 : memref<640x128xf32, #tpu.memory_space<vmem_shared>>)
      tpu.yield
    }) : () -> ()
    %barrier3A = arith.constant 0 : index
    tpu.barrier barrier_id(%barrier3A)
    %mul3A_3 = arith.constant 10000 : i32
    %mul3A_4 = arith.muli %add3A, %mul3A_3 : i32
    %scan3A = arith.constant 0 : i32
    %scan3A_5 = arith.constant 125 : i32
    %scan3A_6 = arith.addi %scan3A, %scan3A_5 : i32
    %scan3A_7 = arith.constant 1 : i32
    scf.for %scan3A_13 = %scan3A to %scan3A_6 step %scan3A_7  : i32 {
      %mul3A_14 = arith.constant 1 : i32
      %mul3A_15 = arith.muli %scan3A_13, %mul3A_14 : i32
      %add3A_16 = arith.constant 0 : i32
      %add3A_17 = arith.addi %add3A_16, %mul3A_15 : i32
      %mul3A_18 = arith.constant 80 : i32
      %mul3A_19 = arith.muli %add3A_17, %mul3A_18 : i32
      %add3A_20 = arith.addi %mul3A_4, %mul3A_19 : i32
      "tpu.region"() ({
        %run_scoped3A = tpu.sem_alloc : memref<!tpu.dma_semaphore, #tpu.memory_space<semaphore_mem>>
        %dma_start3A_25 = tpu.memref_slice %arg3[%add3A_20] : memref<320000xi32, #tpu.memory_space<hbm>> -> memref<80xi32, #tpu.memory_space<hbm>>
        %dma_start3A_26 = tpu.memref_slice %arg3[%add3A_20] : memref<320000xi32, #tpu.memory_space<hbm>> -> memref<80xi32, #tpu.memory_space<hbm>>
        tpu.enqueue_dma source(%dma_start3A_26 : memref<80xi32, #tpu.memory_space<hbm>>) target(%arg8 : memref<80xi32, #tpu.memory_space<vmem>>) target_semaphore(%run_scoped3A : memref<!tpu.dma_semaphore, #tpu.memory_space<semaphore_mem>>)
        %dma_wait3A_27 = tpu.memref_slice %arg3[%add3A_20] : memref<320000xi32, #tpu.memory_space<hbm>> -> memref<80xi32, #tpu.memory_space<hbm>>
        %dma_wait3A_28 = tpu.memref_slice %arg3[%add3A_20] : memref<320000xi32, #tpu.memory_space<hbm>> -> memref<80xi32, #tpu.memory_space<hbm>>
        tpu.wait_dma2 semaphore(%run_scoped3A : memref<!tpu.dma_semaphore, #tpu.memory_space<semaphore_mem>>) src(%dma_wait3A_28 : memref<80xi32, #tpu.memory_space<hbm>>) dst(%arg8 : memref<80xi32, #tpu.memory_space<vmem>>)
        tpu.yield
      }) : () -> ()
      "tpu.region"() ({
        %run_scoped3A = tpu.sem_alloc : memref<!tpu.dma_semaphore, #tpu.memory_space<semaphore_mem>>
        %dma_start3A_25 = tpu.memref_slice %arg4[%add3A_20] : memref<320000xi32, #tpu.memory_space<hbm>> -> memref<80xi32, #tpu.memory_space<hbm>>
        %dma_start3A_26 = tpu.memref_slice %arg4[%add3A_20] : memref<320000xi32, #tpu.memory_space<hbm>> -> memref<80xi32, #tpu.memory_space<hbm>>
        tpu.enqueue_dma source(%dma_start3A_26 : memref<80xi32, #tpu.memory_space<hbm>>) target(%arg9 : memref<80xi32, #tpu.memory_space<vmem>>) target_semaphore(%run_scoped3A : memref<!tpu.dma_semaphore, #tpu.memory_space<semaphore_mem>>)
        %dma_wait3A_27 = tpu.memref_slice %arg4[%add3A_20] : memref<320000xi32, #tpu.memory_space<hbm>> -> memref<80xi32, #tpu.memory_space<hbm>>
        %dma_wait3A_28 = tpu.memref_slice %arg4[%add3A_20] : memref<320000xi32, #tpu.memory_space<hbm>> -> memref<80xi32, #tpu.memory_space<hbm>>
        tpu.wait_dma2 semaphore(%run_scoped3A : memref<!tpu.dma_semaphore, #tpu.memory_space<semaphore_mem>>) src(%dma_wait3A_28 : memref<80xi32, #tpu.memory_space<hbm>>) dst(%arg9 : memref<80xi32, #tpu.memory_space<vmem>>)
        tpu.yield
      }) : () -> ()
      %dma_start3A = arith.constant 0 : i32
      %dma_start3A_21 = arith.constant 0 : i32
      %dma_start3A_22 = tpu.memref_slice %arg2[%dma_start3A, %dma_start3A_21] : memref<10000x128xf32, #tpu.memory_space<hbm>> -> memref<10000x128xf32, #tpu.memory_space<hbm>>
      tpu.enqueue_indirect_dma source(%dma_start3A_22 : memref<10000x128xf32, #tpu.memory_space<hbm>>) target(%arg10 : memref<80x128xf32, #tpu.memory_space<vmem>>) offsets(%arg8 : memref<80xi32, #tpu.memory_space<vmem>>) semaphore(%arg11 : memref<!tpu.dma_semaphore, #tpu.memory_space<semaphore_mem>>)
      %dma_wait3A = arith.constant 0 : i32
      %dma_wait3A_23 = arith.constant 0 : i32
      %dma_wait3A_24 = tpu.memref_slice %arg2[%dma_wait3A, %dma_wait3A_23] : memref<10000x128xf32, #tpu.memory_space<hbm>> -> memref<10000x128xf32, #tpu.memory_space<hbm>>
      tpu.wait_indirect_dma semaphore(%arg11 : memref<!tpu.dma_semaphore, #tpu.memory_space<semaphore_mem>>) src(%dma_wait3A_24 : memref<10000x128xf32, #tpu.memory_space<hbm>>) dst(%arg10 : memref<80x128xf32, #tpu.memory_space<vmem>>)
      "tpu.region"() ({
        %run_scoped3A = tpu.sem_alloc : memref<!tpu.dma_semaphore, #tpu.memory_space<semaphore_mem>>
        %dma_start3A_25 = arith.constant 0 : i32
        %dma_start3A_26 = arith.constant 0 : i32
        %dma_start3A_27 = tpu.memref_slice %arg7[%dma_start3A_25, %dma_start3A_26] : memref<10240x128xf32, #tpu.memory_space<vmem_shared>> -> memref<10240x128xf32, #tpu.memory_space<vmem_shared>>
        tpu.enqueue_indirect_dma source(%arg10 : memref<80x128xf32, #tpu.memory_space<vmem>>) target(%dma_start3A_27 : memref<10240x128xf32, #tpu.memory_space<vmem_shared>>) offsets(%arg9 : memref<80xi32, #tpu.memory_space<vmem>>) semaphore(%run_scoped3A : memref<!tpu.dma_semaphore, #tpu.memory_space<semaphore_mem>>) {add = true}
        %dma_wait3A_28 = arith.constant 0 : i32
        %dma_wait3A_29 = arith.constant 0 : i32
        %dma_wait3A_30 = tpu.memref_slice %arg7[%dma_wait3A_28, %dma_wait3A_29] : memref<10240x128xf32, #tpu.memory_space<vmem_shared>> -> memref<10240x128xf32, #tpu.memory_space<vmem_shared>>
        tpu.wait_indirect_dma semaphore(%run_scoped3A : memref<!tpu.dma_semaphore, #tpu.memory_space<semaphore_mem>>) src(%arg10 : memref<80x128xf32, #tpu.memory_space<vmem>>) dst(%dma_wait3A_30 : memref<10240x128xf32, #tpu.memory_space<vmem_shared>>)
        tpu.yield
      }) : () -> ()
    }
    %scan3A_8 = arith.constant 125 : i32
    %barrier3A_9 = arith.constant 0 : index
    tpu.barrier barrier_id(%barrier3A_9)
    %mul3A_10 = arith.constant 10240 : i32
    %mul3A_11 = arith.muli %arg0, %mul3A_10 : i32
    %add3A_12 = arith.addi %mul3A_11, %mul3A_2 : i32
    "tpu.region"() ({
      %run_scoped3A = tpu.sem_alloc : memref<!tpu.dma_semaphore, #tpu.memory_space<semaphore_mem>>
      %dma_start3A = arith.constant 0 : i32
      %dma_start3A_13 = tpu.memref_slice %arg6[%add3A_12, %dma_start3A] : memref<20480x128xf32, #tpu.memory_space<hbm>> -> memref<640x128xf32, #tpu.memory_space<hbm>>
      %dma_start3A_14 = arith.constant 0 : i32
      %dma_start3A_15 = tpu.memref_slice %arg7[%mul3A_2, %dma_start3A_14] : memref<10240x128xf32, #tpu.memory_space<vmem_shared>> -> memref<640x128xf32, #tpu.memory_space<vmem_shared>>
      tpu.enqueue_dma source(%dma_start3A_15 : memref<640x128xf32, #tpu.memory_space<vmem_shared>>) target(%dma_start3A_13 : memref<640x128xf32, #tpu.memory_space<hbm>>) target_semaphore(%run_scoped3A : memref<!tpu.dma_semaphore, #tpu.memory_space<semaphore_mem>>)
      %dma_wait3A = arith.constant 0 : i32
      %dma_wait3A_16 = tpu.memref_slice %arg6[%add3A_12, %dma_wait3A] : memref<20480x128xf32, #tpu.memory_space<hbm>> -> memref<640x128xf32, #tpu.memory_space<hbm>>
      %dma_wait3A_17 = arith.constant 0 : i32
      %dma_wait3A_18 = tpu.memref_slice %arg7[%mul3A_2, %dma_wait3A_17] : memref<10240x128xf32, #tpu.memory_space<vmem_shared>> -> memref<640x128xf32, #tpu.memory_space<vmem_shared>>
      tpu.wait_dma2 semaphore(%run_scoped3A : memref<!tpu.dma_semaphore, #tpu.memory_space<semaphore_mem>>) src(%dma_wait3A_18 : memref<640x128xf32, #tpu.memory_space<vmem_shared>>) dst(%dma_wait3A_16 : memref<640x128xf32, #tpu.memory_space<hbm>>)
      tpu.yield
    }) : () -> ()
    return
  }
}

module attributes {stable_mosaic.version = 14 : i64} {
  func.func @body(%arg0: memref<10000x128xf32, #tpu.memory_space<vmem>>, %arg1: memref<10000x128xf32, #tpu.memory_space<vmem>>, %arg2: memref<10000x128xf32, #tpu.memory_space<vmem>>, %arg3: memref<10000x1xf32, #tpu.memory_space<vmem>>, %arg4: memref<10000x1xf32, #tpu.memory_space<vmem>>, %arg5: memref<1x128xf32, #tpu.memory_space<vmem>>, %arg6: memref<128x128xf32, #tpu.memory_space<vmem>>, %arg7: memref<128x128xf32, #tpu.memory_space<vmem>>, %arg8: memref<10000x128xf32, #tpu.memory_space<vmem>>, %arg9: memref<10000x128xf32, #tpu.memory_space<vmem>>) attributes {dimension_semantics = [], scalar_prefetch = 0 : i64, scratch_operands = 0 : i64, tpu.core_type = #tpu.core_type<tc>} {
    %get3A = arith.constant 0 : index
    %get3A_0 = arith.constant 0 : index
    %get3A_1 = vector.load %arg3[%get3A, %get3A_0] : memref<10000x1xf32, #tpu.memory_space<vmem>>, vector<10000x1xf32>
    %get3A_2 = arith.constant 0 : index
    %get3A_3 = arith.constant 0 : index
    %get3A_4 = vector.load %arg4[%get3A_2, %get3A_3] : memref<10000x1xf32, #tpu.memory_space<vmem>>, vector<10000x1xf32>
    %add3A = arith.addf %get3A_1, %get3A_4 : vector<10000x1xf32>
    %max3A = arith.constant 1.000000e+00 : f32
    %max3A_5 = vector.broadcast %max3A : f32 to vector<10000x1xf32>
    %max3A_6 = arith.maximumf %add3A, %max3A_5 : vector<10000x1xf32>
    %div3A = arith.constant 1.000000e+00 : f32
    %div3A_7 = vector.broadcast %div3A : f32 to vector<10000x1xf32>
    %div3A_8 = arith.divf %div3A_7, %max3A_6 : vector<10000x1xf32>
    %get3A_9 = arith.constant 0 : index
    %get3A_10 = arith.constant 0 : index
    %get3A_11 = vector.load %arg0[%get3A_9, %get3A_10] : memref<10000x128xf32, #tpu.memory_space<vmem>>, vector<10000x128xf32>
    %get3A_12 = arith.constant 0 : index
    %get3A_13 = arith.constant 0 : index
    %get3A_14 = vector.load %arg1[%get3A_12, %get3A_13] : memref<10000x128xf32, #tpu.memory_space<vmem>>, vector<10000x128xf32>
    %get3A_15 = arith.constant 0 : index
    %get3A_16 = arith.constant 0 : index
    %get3A_17 = vector.load %arg2[%get3A_15, %get3A_16] : memref<10000x128xf32, #tpu.memory_space<vmem>>, vector<10000x128xf32>
    %add3A_18 = arith.addf %get3A_14, %get3A_17 : vector<10000x128xf32>
    %mul3A = vector.broadcast %div3A_8 : vector<10000x1xf32> to vector<10000x128xf32>
    %mul3A_19 = arith.mulf %add3A_18, %mul3A : vector<10000x128xf32>
    %add3A_20 = arith.addf %get3A_11, %mul3A_19 : vector<10000x128xf32>
    %get3A_21 = arith.constant 0 : index
    %get3A_22 = arith.constant 0 : index
    %get3A_23 = vector.load %arg5[%get3A_21, %get3A_22] : memref<1x128xf32, #tpu.memory_space<vmem>>, vector<1x128xf32>
    %add3A_24 = vector.broadcast %get3A_23 : vector<1x128xf32> to vector<10000x128xf32>
    %add3A_25 = arith.addf %add3A_20, %add3A_24 : vector<10000x128xf32>
    %max3A_26 = arith.constant 0.000000e+00 : f32
    %max3A_27 = vector.broadcast %max3A_26 : f32 to vector<10000x128xf32>
    %max3A_28 = arith.maximumf %add3A_25, %max3A_27 : vector<10000x128xf32>
    %get3A_29 = arith.constant 0 : index
    %get3A_30 = arith.constant 0 : index
    %get3A_31 = vector.load %arg6[%get3A_29, %get3A_30] : memref<128x128xf32, #tpu.memory_space<vmem>>, vector<128x128xf32>
    %dot_general3A = arith.constant dense<0.000000e+00> : vector<10000x128xf32>
    %dot_general3A_32 = tpu.matmul %max3A_28, %get3A_31, %dot_general3A {dimension_numbers = #tpu.dot_dimension_numbers<[1], [0], [0], [1], [0, 0, 1, 1], [], []>, transpose_lhs_hint = false} : vector<10000x128xf32>, vector<128x128xf32>, vector<10000x128xf32> -> vector<10000x128xf32>
    %swap3A = arith.constant 0 : index
    %swap3A_33 = arith.constant 0 : index
    %swap3A_34 = vector.load %arg8[%swap3A, %swap3A_33] : memref<10000x128xf32, #tpu.memory_space<vmem>>, vector<10000x128xf32>
    tpu.vector_store %arg8[%swap3A, %swap3A_33], %dot_general3A_32 {strides = array<i32>} : memref<10000x128xf32, #tpu.memory_space<vmem>>, vector<10000x128xf32>,
    %get3A_35 = arith.constant 0 : index
    %get3A_36 = arith.constant 0 : index
    %get3A_37 = vector.load %arg7[%get3A_35, %get3A_36] : memref<128x128xf32, #tpu.memory_space<vmem>>, vector<128x128xf32>
    %dot_general3A_38 = arith.constant dense<0.000000e+00> : vector<10000x128xf32>
    %dot_general3A_39 = tpu.matmul %max3A_28, %get3A_37, %dot_general3A_38 {dimension_numbers = #tpu.dot_dimension_numbers<[1], [0], [0], [1], [0, 0, 1, 1], [], []>, transpose_lhs_hint = false} : vector<10000x128xf32>, vector<128x128xf32>, vector<10000x128xf32> -> vector<10000x128xf32>
    %swap3A_40 = arith.constant 0 : index
    %swap3A_41 = arith.constant 0 : index
    %swap3A_42 = vector.load %arg9[%swap3A_40, %swap3A_41] : memref<10000x128xf32, #tpu.memory_space<vmem>>, vector<10000x128xf32>
    tpu.vector_store %arg9[%swap3A_40, %swap3A_41], %dot_general3A_39 {strides = array<i32>} : memref<10000x128xf32, #tpu.memory_space<vmem>>, vector<10000x128xf32>,
    return
  }
}

module attributes {stable_mosaic.version = 14 : i64} {
  func.func @body(%arg0: memref<10000x128xf32, #tpu.memory_space<vmem>>, %arg1: memref<128x128xf32, #tpu.memory_space<vmem>>, %arg2: memref<128x128xf32, #tpu.memory_space<vmem>>, %arg3: memref<10000x128xf32, #tpu.memory_space<vmem>>, %arg4: memref<10000x128xf32, #tpu.memory_space<vmem>>) attributes {dimension_semantics = [], scalar_prefetch = 0 : i64, scratch_operands = 0 : i64, tpu.core_type = #tpu.core_type<tc>} {
    %get3A = arith.constant 0 : index
    %get3A_0 = arith.constant 0 : index
    %get3A_1 = vector.load %arg0[%get3A, %get3A_0] : memref<10000x128xf32, #tpu.memory_space<vmem>>, vector<10000x128xf32>
    %get3A_2 = arith.constant 0 : index
    %get3A_3 = arith.constant 0 : index
    %get3A_4 = vector.load %arg1[%get3A_2, %get3A_3] : memref<128x128xf32, #tpu.memory_space<vmem>>, vector<128x128xf32>
    %dot_general3A = arith.constant dense<0.000000e+00> : vector<10000x128xf32>
    %dot_general3A_5 = tpu.matmul %get3A_1, %get3A_4, %dot_general3A {dimension_numbers = #tpu.dot_dimension_numbers<[1], [0], [0], [1], [0, 0, 1, 1], [], []>, transpose_lhs_hint = false} : vector<10000x128xf32>, vector<128x128xf32>, vector<10000x128xf32> -> vector<10000x128xf32>
    %swap3A = arith.constant 0 : index
    %swap3A_6 = arith.constant 0 : index
    %swap3A_7 = vector.load %arg3[%swap3A, %swap3A_6] : memref<10000x128xf32, #tpu.memory_space<vmem>>, vector<10000x128xf32>
    tpu.vector_store %arg3[%swap3A, %swap3A_6], %dot_general3A_5 {strides = array<i32>} : memref<10000x128xf32, #tpu.memory_space<vmem>>, vector<10000x128xf32>,
    %get3A_8 = arith.constant 0 : index
    %get3A_9 = arith.constant 0 : index
    %get3A_10 = vector.load %arg2[%get3A_8, %get3A_9] : memref<128x128xf32, #tpu.memory_space<vmem>>, vector<128x128xf32>
    %dot_general3A_11 = arith.constant dense<0.000000e+00> : vector<10000x128xf32>
    %dot_general3A_12 = tpu.matmul %get3A_1, %get3A_10, %dot_general3A_11 {dimension_numbers = #tpu.dot_dimension_numbers<[1], [0], [0], [1], [0, 0, 1, 1], [], []>, transpose_lhs_hint = false} : vector<10000x128xf32>, vector<128x128xf32>, vector<10000x128xf32> -> vector<10000x128xf32>
    %swap3A_13 = arith.constant 0 : index
    %swap3A_14 = arith.constant 0 : index
    %swap3A_15 = vector.load %arg4[%swap3A_13, %swap3A_14] : memref<10000x128xf32, #tpu.memory_space<vmem>>, vector<10000x128xf32>
    tpu.vector_store %arg4[%swap3A_13, %swap3A_14], %dot_general3A_12 {strides = array<i32>} : memref<10000x128xf32, #tpu.memory_space<vmem>>, vector<10000x128xf32>,
    return
  }
}

module attributes {stable_mosaic.version = 14 : i64} {
  func.func @body(%arg0: memref<10000x128xf32, #tpu.memory_space<vmem>>, %arg1: memref<10000x128xf32, #tpu.memory_space<vmem>>, %arg2: memref<10000x128xf32, #tpu.memory_space<vmem>>, %arg3: memref<10000x1xf32, #tpu.memory_space<vmem>>, %arg4: memref<10000x1xf32, #tpu.memory_space<vmem>>, %arg5: memref<1x128xf32, #tpu.memory_space<vmem>>, %arg6: memref<10000x128xf32, #tpu.memory_space<vmem>>) attributes {dimension_semantics = [], scalar_prefetch = 0 : i64, scratch_operands = 0 : i64, tpu.core_type = #tpu.core_type<tc>} {
    %get3A = arith.constant 0 : index
    %get3A_0 = arith.constant 0 : index
    %get3A_1 = vector.load %arg3[%get3A, %get3A_0] : memref<10000x1xf32, #tpu.memory_space<vmem>>, vector<10000x1xf32>
    %get3A_2 = arith.constant 0 : index
    %get3A_3 = arith.constant 0 : index
    %get3A_4 = vector.load %arg4[%get3A_2, %get3A_3] : memref<10000x1xf32, #tpu.memory_space<vmem>>, vector<10000x1xf32>
    %add3A = arith.addf %get3A_1, %get3A_4 : vector<10000x1xf32>
    %max3A = arith.constant 1.000000e+00 : f32
    %max3A_5 = vector.broadcast %max3A : f32 to vector<10000x1xf32>
    %max3A_6 = arith.maximumf %add3A, %max3A_5 : vector<10000x1xf32>
    %div3A = arith.constant 1.000000e+00 : f32
    %div3A_7 = vector.broadcast %div3A : f32 to vector<10000x1xf32>
    %div3A_8 = arith.divf %div3A_7, %max3A_6 : vector<10000x1xf32>
    %get3A_9 = arith.constant 0 : index
    %get3A_10 = arith.constant 0 : index
    %get3A_11 = vector.load %arg0[%get3A_9, %get3A_10] : memref<10000x128xf32, #tpu.memory_space<vmem>>, vector<10000x128xf32>
    %get3A_12 = arith.constant 0 : index
    %get3A_13 = arith.constant 0 : index
    %get3A_14 = vector.load %arg1[%get3A_12, %get3A_13] : memref<10000x128xf32, #tpu.memory_space<vmem>>, vector<10000x128xf32>
    %get3A_15 = arith.constant 0 : index
    %get3A_16 = arith.constant 0 : index
    %get3A_17 = vector.load %arg2[%get3A_15, %get3A_16] : memref<10000x128xf32, #tpu.memory_space<vmem>>, vector<10000x128xf32>
    %add3A_18 = arith.addf %get3A_14, %get3A_17 : vector<10000x128xf32>
    %mul3A = vector.broadcast %div3A_8 : vector<10000x1xf32> to vector<10000x128xf32>
    %mul3A_19 = arith.mulf %add3A_18, %mul3A : vector<10000x128xf32>
    %add3A_20 = arith.addf %get3A_11, %mul3A_19 : vector<10000x128xf32>
    %get3A_21 = arith.constant 0 : index
    %get3A_22 = arith.constant 0 : index
    %get3A_23 = vector.load %arg5[%get3A_21, %get3A_22] : memref<1x128xf32, #tpu.memory_space<vmem>>, vector<1x128xf32>
    %add3A_24 = vector.broadcast %get3A_23 : vector<1x128xf32> to vector<10000x128xf32>
    %add3A_25 = arith.addf %add3A_20, %add3A_24 : vector<10000x128xf32>
    %swap3A = arith.constant 0 : index
    %swap3A_26 = arith.constant 0 : index
    %swap3A_27 = vector.load %arg6[%swap3A, %swap3A_26] : memref<10000x128xf32, #tpu.memory_space<vmem>>, vector<10000x128xf32>
    tpu.vector_store %arg6[%swap3A, %swap3A_26], %add3A_25 {strides = array<i32>} : memref<10000x128xf32, #tpu.memory_space<vmem>>, vector<10000x128xf32>,
    return
  }
}

</mosaic_0001>

<sc_bundles>
// kernel: kernel.12.cloned.1.call-start
scs
__scs_entry_jumppad:
0x0: {  	(pc) =	sbr.rel $0x88, $3  }
0x1: {  	(tag) =	ssettag $0x0;
	lr =	simm.s32 $0x1  }
0x2: {  	[smem:$0x3F99] =	sst lr;
	_ =	strace $0xD0000000  }
0x3: {  	_ = 	snop  }
0x4: {  	_ = 	snop  }
0x5: {  	_ = 	snop  }
0x6: {  	_ = 	snop  }
0x7: {  	_ = 	snop  }
__scs_overlays_trampoline_lowered:
0x8: {  	[smem:$0x3FA8] =	sst s0  }
0x9: {  	[smem:$0x3FA9] =	sst s1  }
0xa: {  	[smem:$0x3FAA] =	sst s2  }
0xb: {  	[smem:$0x3FAB] =	sst s3  }
0xc: {  	[smem:$0x3FAC] =	sst s4  }
0xd: {  	[smem:$0x3FAD] =	sst s5  }
0xe: {  	[smem:$0x3FAE] =	sst s6  }
0xf: {  	[smem:$0x3FAF] =	sst s7  }
0x10: {  	[smem:$0x3FB0] =	sst s8  }
0x11: {  	[smem:$0x3FB1] =	sst s9;
	s0 =	simm.s32 @!p0 $0x0  }
0x12: {  	s1 =	sld [smem:$0x3F97];
	s0 =	simm.s32 @p0 $0x1  }
0x13: {  	[smem:$0x3FB2] =	sst s0;
	s0 =	simm.s32 @!p1 $0x0  }
0x14: {  	s2 =	sld [smem:$0x3F96];
	s0 =	simm.s32 @p1 $0x1  }
0x15: {  	[smem:$0x3FB3] =	sst s0;
	s0 =	simm.s32 @!p2 $0x0  }
0x16: {  	s3 =	sld [smem:$0x3FDB];
	s0 =	simm.s32 @p2 $0x1  }
0x17: {  	s4 =	simm.s32 $0x1BF5;
	[smem:$0x3FB5] =	sst s0  }
0x18: {  	s0 =	sld [smem:$0x3F98];
	_ =	swait.ge [sflag:s4], $0x0  }
0x19: {  	s7 =	sld [smem:$0x3F99]  }
0x1a: {  	s8 =	sadd.s32 $0xFFFFE003, lr  }
0x1b: {  	s9 =	sadd.s32 $0xFFFFFEF7, lr;
	s5 =	simm.s32 $0xFFFFFFFF;
	p2 =	slt.u32 s8, $0xFFFFF086  }
0x1c: {  	p1 =	slt.u32 s9, $0xF7A;
	s5 =	simm.s32 @!p2 $0x0  }
0x1d: {  	s5 =	simm.s32 @p1 $0x1;
	p0 =	seq.s32 s7, s2  }
0x1e: {  	s7 =	smul.u32 @!p0 $0xF7A, s2;
	p2 =	seq.s32 @!p0 s5, $0x0  }
0x1f: {  	s9 =	smul.u32 $0xF7A, s1;
	s8 =	simm.s32 @!p0 $0x1BF5;
	p2 =	por !p2, p0  }
0x20: {  	[sflag:s8] =	ssyncset.s32 @!p0 $0xFFFFF086;
	s6 =	sadd.s32 @!p0 s3, s7;
	s7 =	simm.s32 @!p0 $0x108  }
0x21: {  	s3 =	sadd.s32 s3, s9;
	s6 =	sadd.s32 @!p0 $0x88, s6;
	s7 =	simm.s32 @p2 $0x1082  }
0x22: {  	[simem:s7], [sflag:s8] =	dma.local @!p0 [hbm:s6], $0xF7A  }
0x23: {  	s9 =	sor.u32 $0xD0000000, s2;
	s6 =	simm.s32 $0x108;
	_ =	swait.ge @!p0 [sflag:s8], $0x0  }
0x24: {  	s3 =	sadd.s32 $0x88, s3;
	s6 =	simm.s32 @!p1 $0x1082;
	[sflag:s4] =	ssyncset.s32 $0xFFFFF086  }
0x25: {  	[simem:s6], [sflag:s4] =	dma.local [hbm:s3], $0xF7A  }
0x26: {  	[smem:$0x3F99] =	sst s1;
	(tag) =	ssettag s2;
	_ =	strace s9  }
0x27: {  	s1 =	sld [smem:$0x3FA9]  }
0x28: {  	s2 =	sld [smem:$0x3FAA]  }
0x29: {  	s4 =	sld [smem:$0x3FAC]  }
0x2a: {  	p0 =	seq.s32 s5, $0x0;
	s5 =	sld [smem:$0x3FAD]  }
0x2b: {  	s6 =	sld [smem:$0x3FAE]  }
0x2c: {  	s7 =	sld [smem:$0x3FAF]  }
0x2d: {  	s3 =	simm.s32 $0x108;
	s8 =	sld [smem:$0x3FB0]  }
0x2e: {  	s3 =	simm.s32 @!p0 $0x1082;
	s9 =	sld [smem:$0x3FB1]  }
0x2f: {  	lr =	sadd.s32 s0, s3;
	s0 =	sld [smem:$0x3FA8]  }
0x30: {  	s3 =	sld [smem:$0x3FAB]  }
0x31: {  	[smem:$0x3FB4] =	sst s10  }
0x32: {  	s10 =	sld [smem:$0x3FB2];
	_ =	sdelay $0x3  }
0x33: {  	p0 =	seq.s32 s10, $0x1;
	s10 =	sld [smem:$0x3FB4];
	_ =	sdelay $0x3  }
0x34: {  	[smem:$0x3FB4] =	sst s10  }
0x35: {  	s10 =	sld [smem:$0x3FB3];
	_ =	sdelay $0x3  }
0x36: {  	p1 =	seq.s32 s10, $0x1;
	s10 =	sld [smem:$0x3FB4];
	_ =	sdelay $0x3  }
0x37: {  	[smem:$0x3FB4] =	sst s10  }
0x38: {  	s10 =	sld [smem:$0x3FB5]  }
0x39: {  	_ = 	snop;
	(pc) =	sbr.ind lr, $3  }
0x3a: {  	_ = 	snop  }
0x3b: {  	_ = 	snop  }
0x3c: {  	p2 =	seq.s32 s10, $0x1;
	s10 =	sld [smem:$0x3FB4]  }
0x3d: {  	_ =	shalt  }
0x3e: {  	_ =	shalt  }
0x3f: {  	_ =	shalt  }
0x40: {  	_ =	shalt  }
0x41: {  	_ =	shalt  }
0x42: {  	_ =	shalt  }
0x43: {  	_ =	shalt  }
0x44: {  	_ =	shalt  }
0x45: {  	_ =	shalt  }
0x46: {  	_ =	shalt  }
0x47: {  	_ =	shalt  }
0x48: {  	_ =	shalt  }
0x49: {  	_ =	shalt  }
0x4a: {  	_ =	shalt  }
0x4b: {  	_ =	shalt  }
0x4c: {  	_ =	shalt  }
0x4d: {  	_ =	shalt  }
0x4e: {  	_ =	shalt  }
0x4f: {  	_ =	shalt  }
0x50: {  	_ =	shalt  }
0x51: {  	_ =	shalt  }
0x52: {  	_ =	shalt  }
0x53: {  	_ =	shalt  }
0x54: {  	_ =	shalt  }
0x55: {  	_ =	shalt  }
0x56: {  	_ =	shalt  }
0x57: {  	_ =	shalt  }
0x58: {  	_ =	shalt  }
0x59: {  	_ =	shalt  }
0x5a: {  	_ =	shalt  }
0x5b: {  	_ =	shalt  }
0x5c: {  	_ =	shalt  }
0x5d: {  	_ =	shalt  }
0x5e: {  	_ =	shalt  }
0x5f: {  	_ =	shalt  }
0x60: {  	_ =	shalt  }
0x61: {  	_ =	shalt  }
0x62: {  	_ =	shalt  }
0x63: {  	_ =	shalt  }
0x64: {  	_ =	shalt  }
0x65: {  	_ =	shalt  }
0x66: {  	_ =	shalt  }
0x67: {  	_ =	shalt  }
0x68: {  	_ =	shalt  }
0x69: {  	_ =	shalt  }
0x6a: {  	_ =	shalt  }
0x6b: {  	_ =	shalt  }
0x6c: {  	_ =	shalt  }
0x6d: {  	_ =	shalt  }
0x6e: {  	_ =	shalt  }
0x6f: {  	_ =	shalt  }
0x70: {  	_ =	shalt  }
0x71: {  	_ =	shalt  }
0x72: {  	_ =	shalt  }
0x73: {  	_ =	shalt  }
0x74: {  	_ =	shalt  }
0x75: {  	_ =	shalt  }
0x76: {  	_ =	shalt  }
0x77: {  	_ =	shalt  }
0x78: {  	_ =	shalt  }
0x79: {  	_ =	shalt  }
0x7a: {  	_ =	shalt  }
0x7b: {  	_ =	shalt  }
0x7c: {  	_ =	shalt  }
0x7d: {  	_ =	shalt  }
0x7e: {  	_ =	shalt  }
0x7f: {  	_ =	shalt  }
0x80: {  	_ =	shalt  }
0x81: {  	_ =	shalt  }
0x82: {  	_ =	shalt  }
0x83: {  	_ =	shalt  }
0x84: {  	_ =	shalt  }
0x85: {  	_ =	shalt  }
0x86: {  	_ =	shalt  }
0x87: {  	_ =	shalt  }
.Lfunc_end0:
.L_simem_size_0:
called_computation.1_lowered:
.L_overlay_start_0:
0x88: {  	s2 =	sld [smem:$0x3FD9]  }
0x89: {  	s3 =	sld [smem:$0x3FFE];
	_ =	sdelay $0x1  }
0x8a: {  	s1 =	srdreg.scid  }
0x8b: {  	s0 =	sand.u32 $0x1, s1  }
0x8c: {  	s17 =	sshll.u32 s0, $0xA;
	s2 =	sadd.s32 s3, s2  }
0x8d: {  	s2 =	sadd.s32 s2, s17  }
0x8e: {  	[smem:$0x3FC0] =	sst s2  }
0x8f: {  	_ = 	snop  }
0x90: {  	(tm) =	ssettm $0x1  }
0x91: {  	s18 =	sld [smem:$0x3FFB];
	_ =	sdelay $0x3  }
0x92: {  	_ =	strace s18  }
0x93: {  	s2 =	sld [smem:$0x3FFC];
	_ =	sdelay $0x3  }
0x94: {  	_ =	strace s2  }
0x95: {  	s2 =	sld [smem:$0x3FFD];
	_ =	sdelay $0x3  }
0x96: {  	_ =	strace s2  }
0x97: {  	_ =	strace $0x8FFFFFFF  }
0x98: {  	s19 =	sld [smem:$0x3FDB];
	_ =	sdelay $0x1  }
0x99: {  	s20 =	simm.s32 $_scs_section_size  }
0x9a: {  	s4 =	simm.s32 $_size__tile_overlayer_lowered;
	s5 =	simm.s32 $_tile_overlayer_lowered  }
0x9b: {  	s6 =	simm.s32 $0x1BFF;
	s21 =	sshll.u32 s5, $0x1;
	s3 =	sadd.s32 s20, s19  }
0x9c: {  	s22 =	simm.s32 $0x0;
	s4 =	sshll.u32 s4, $0x1;
	s5 =	sadd.s32 s21, s3  }
0x9d: {  	[timem:s22], [sflag:s6] =	dma.local [hbm:s5], s4  }
0x9e: {  	_ =	swait.ge [sflag:s6], s4  }
0x9f: {  	s4 =	ssub.s32 $0x0, s4;
	[sflag:s6] =	ssyncset.done $0x0  }
0xa0: {  	[sflag:s6] =	ssyncadd.s32 s4;
	_ =	sdelay $0x1  }
0xa1: {  	s23 =	simm.s32 $0x1B8B  }
0xa2: {  	_ =	swait.ge [sflag:s23], $0x1  }
0xa3: {  	[sflag:s23] =	ssyncset.done $0x0  }
0xa4: {  	[sflag:s23] =	ssyncadd.s32 $0xFFFFFFFF  }
0xa5: {  	s4 =	sld [smem:$0x0]  }
0xa6: {  	s5 =	sand.u32 $0xFFFFFFFE, s1  }
0xa7: {  	p0 =	sne.s32 s1, s5  }
0xa8: {  	s5 =	sshll.u32 @p0 s5, $0xE  }
0xa9: {  	s5 =	sadd.s32 @p0 $0x11B8D, s5;
	s6 =	sshll.u32 @p0 s4, $0x11  }
0xaa: {  	s5 =	sor.u32 @p0 s6, s5  }
0xab: {  	[sflag:s5] =	ssyncadd.remote.s32 @p0 $0x1;
	_ =	sdelay $0x1  }
0xac: {  	s5 =	simm.s32 @p0 $0x1B8D  }
0xad: {  	_ =	swait.eq @p0 [sflag:s5], $0x1  }
0xae: {  	[sflag:s5] =	ssyncadd.s32 @p0 $0xFFFFFFFF  }
0xaf: {  	s6 =	sshll.u32 @!p0 s1, $0xE  }
0xb0: {  	s6 =	sor.u32 @!p0 $0x4000, s6;
	s5 =	simm.s32 @!p0 $0x1B8D  }
0xb1: {  	s4 =	sshll.u32 @!p0 s4, $0x11;
	s6 =	sadd.s32 @!p0 $0x11B8D, s6;
	_ =	swait.eq @!p0 [sflag:s5], $0x1  }
0xb2: {  	s4 =	sor.u32 @!p0 s4, s6;
	[sflag:s5] =	ssyncadd.s32 @!p0 $0xFFFFFFFF  }
0xb3: {  	s25 =	simm.s32 $0x1B8E;
	s24 =	sld [smem:$0x3FFE];
	[sflag:s4] =	ssyncadd.remote.s32 @!p0 $0x1  }
0xb4: {  	s26 =	simm.s32 $execute0_lowered;
	[smem:$0x3FD2] =	sst s25  }
0xb5: {  	s5 =	sshll.u32 s26, $0x1;
	_ =	strace $0x80000049;
	[dreg:$0x1] =	wrdreg $0xFFFFFFFF  }
0xb6: {  	s28 =	simm.s32 $_size_execute0_lowered;
	s3 =	sadd.s32 s3, s5;
	[dreg:$0x0] =	wrdreg $0x0  }
0xb7: {  	s5 =	sshll.u32 s28, $0x1;
	[dreg:$0x2] =	wrdreg s3  }
0xb8: {  	[dreg:$0x3] =	wrdreg s5  }
0xb9: {  	[dreg:$0x4] =	wrdreg $0xC0  }
0xba: {  	_ =	task [dreg:s22], $0x5FFFF  }
0xbb: {  	[dreg:$0x1] =	wrdreg $0xFFFFFFFF  }
0xbc: {  	[dreg:$0x0] =	wrdreg $0x60  }
0xbd: {  	[dreg:$0x2] =	wrdreg s24  }
0xbe: {  	[dreg:$0x3] =	wrdreg $0x0  }
0xbf: {  	[dreg:$0x4] =	wrdreg $0xA  }
0xc0: {  	_ =	task.clear_ibuf [dreg:s22], $0x5FFFF;
	_ =	strace $0x90000049  }
0xc1: {  	s29 =	simm.s32 $0xA;
	_ =	strace $0x8000004B  }
0xc2: {  	_ =	swait.ge [sflag:s29], $0x1  }
0xc3: {  	[sflag:s29] =	ssyncadd.s32 $0xFFFFFFFF  }
0xc4: {  	_ =	strace $0x9000004B  }
0xc5: {  	_ =	sfence  }
0xc6: {  	s30 =	sld [smem:$0x0];
	_ =	sdelay $0x2  }
0xc7: {  	s31 =	sshll.u32 s1, $0xD;
	s1 =	sshrl.u32 s1, $0x2  }
0xc8: {  	s4 =	sand.u32 $0x4000, s31;
	s1 =	sadd.s32 s1, s30  }
0xc9: {  	s0 =	sor.u32 s4, s0;
	s1 =	sshll.u32 s1, $0x11  }
0xca: {  	s0 =	sor.u32 s1, s0  }
0xcb: {  	s0 =	sadd.s32 $0x8F2B, s0  }
0xcc: {  	[sflag:s0] =	ssyncadd.remote.s32 $0x1  }
0xcd: {  	_ =	sfence.sel $0xFFFF  }
0xce: {  	[dreg:$0x0] =	wrdreg $0xFFFFFFFF;
	(pc) =	sbr.abs _section_cstart, $3  }
0xcf: {  	[dreg:$0x1] =	wrdreg $0xFFFFFFFF  }
0xd0: {  	_ =	task.clear_ibuf [dreg:s22], $0x2FFFF;
	_ =	strace $0x9FFFFFFF  }
0xd1: {  	(tm) =	ssettm $0x7FFFFFFF  }
tec
execute0_lowered:
.L_overlay_start_1:
0x0: {  	(tag) =	ssettag $0x1  }
0x1: {  	s5 =	rddreg [dreg:$0x0]  }
0x2: {  	s2 =	rddreg [dreg:$0x1]  }
0x3: {  	s0 =	srdreg.scid;
	s1 =	rddreg [dreg:$0x2];
	s3 =	simm.s32 $0x0  }
0x4: {  	s13 =	simm.s32 $0x14000;
	s14 =	simm.s32 $0x14080;
	s6 =	sand.u32 $0x1, s0  }
0x5: {  	s15 =	simm.s32 $0x50;
	s0 =	stileid.u32;
	s4 =	smul.u32 $0x27100, s6  }
0x6: {  	s16 =	simm.s32 $0x14100;
	s17 =	simm.s32 $0x1;
	s7 =	smul.u32 $0x2710, s0  }
0x7: {  	s18 =	simm.s32 $0x0;
	[smem:$0x7FF] =	sst s3;
	s25 =	smul.u32 $0x2800, s0  }
0x8: {  	s9 =	smul.u32 $0x28000, s6;
	_ =	strace $0x8000004A;
	s6 =	ssub.s32 $0x2, s6  }
0x9: {  	s28 =	smul.u32 $0x50000, s0;
	s31 =	sshll.u32 s0, $0x6;
	s29 =	sshrl.u32 s6, $0x1  }
0xa: {  	s4 =	sadd.s32 s7, s4;
	s26 =	sadd.s32 s25, s9;
	s7 =	sadd.s32 s25, s5  }
0xb: {  	s11 =	ssub.s32 s6, s29;
	s30 =	sshrl.u32 s28, $0x2;
	s6 =	sor.u32 $0x1C02, s31  }
0xc: {  	s8 =	sshrl.u32 s4, $0x3;
	s4 =	sadd.s32 $0x16E00, s5;
	s12 =	sadd.s32 s30, s2  }
0xd: {  	s10 =	sadd.s32 s8, s5;
	s8 =	sadd.s32 s26, s5;
	s5 =	sadd.s32 $0x3E000, s7  }
0xe: {  	s7 =	sadd.s32 $0x66000, s8;
	s8 =	smax.u32 s11, $0x1;
	s9 =	sadd.s32 $0x2C00, s10  }
0xf: {  	s10 =	sadd.s32 $0xCA00, s10;
	s11 =	sshrl.u32 s12, $0x3;
	s12 =	simm.s32 $0x2  }
.LBB2_1:
0x10: {  	[spmem:s11], [sflag:s6] =	dma.local [hbm:s5], $0x2800  }
0x11: {  	_ =	swait.ge [sflag:s12], $0x2800  }
0x12: {  	[sflag:s12] =	ssyncset.done $0x0  }
0x13: {  	[sflag:s12] =	ssyncadd.s32 $0xFFFFD800  }
0x14: {  	s19 =	sadd.s32 $0x0, s10;
	[bflag:$0x0] =	sbarrier.arrive $0xFFFF  }
0x15: {  	[tilespmem:s13], [sflag:$0x2] =	stream.linear.gather [hbm4b:s19+s3], $0x50, $0x38;
	[tilespmem:$0x16900] =	vst v63  }
0x16: {  	_ =	swait.ge [sflag:s12], $0x50  }
0x17: {  	[sflag:s12] =	ssyncset.done $0x0  }
0x18: {  	s31 =	sadd.s32 $0x0, s9;
	[sflag:s12] =	ssyncadd.s32 $0xFFFFFFB0  }
0x19: {  	[tilespmem:s14], [sflag:$0x2] =	stream.linear.gather [hbm4b:s31+s3], $0x50, $0x38;
	[tilespmem:$0x16900] =	vst v63  }
0x1a: {  	_ =	swait.ge [sflag:s12], $0x50  }
0x1b: {  	[sflag:s12] =	ssyncset.done $0x0  }
0x1c: {  	[sflag:s12] =	ssyncadd.s32 $0xFFFFFFB0  }
0x1d: {  	[tilespmem:s16], [sflag:$0x1] =	stream.indirect.gather [hbm4b:s4+s15], $0x80, s13, s15, $0xb8;
	[tilespmem:$0x16900] =	vst v63  }
0x1e: {  	_ =	swait.ge [sflag:s17], $0x2800  }
0x1f: {  	[sflag:s17] =	ssyncset.done $0x0  }
0x20: {  	[sflag:s17] =	ssyncadd.s32 $0xFFFFD800  }
0x21: {  	[spmem:s2] =	stream.indirect.scatter.add.f32 [tilespmem:s16], [sflag:$0x2], $0x80, s14, s15, $0xb8;
	[tilespmem:$0x16900] =	vst v63  }
0x22: {  	_ =	swait.ge [sflag:s12], $0x2800  }
0x23: {  	s20 =	simm.s32 $0x14;
	s19 =	simm.s32 $0xA;
	[sflag:s12] =	ssyncset.done $0x0  }
.LBB2_2:
0x24: {  	s21 =	sadd.s32 s19, s10  }
0x25: {  	[sflag:s12] =	ssyncadd.s32 $0xFFFFD800;
	s22 =	smov.u32 s20;
	s23 =	sadd.s32 $0xA, s20  }
0x26: {  	[tilespmem:s13], [sflag:$0x2] =	stream.linear.gather [hbm4b:s21+s3], $0x50, $0x38;
	[tilespmem:$0x16900] =	vst v63  }
0x27: {  	p0 =	sne.s32 s20, $0x4D8;
	_ =	swait.ge [sflag:s12], $0x50  }
0x28: {  	[sflag:s12] =	ssyncset.done $0x0  }
0x29: {  	s20 =	sadd.s32 s19, s9;
	s19 =	smov.u32 s22;
	[sflag:s12] =	ssyncadd.s32 $0xFFFFFFB0  }
0x2a: {  	[tilespmem:s14], [sflag:$0x2] =	stream.linear.gather [hbm4b:s20+s3], $0x50, $0x38;
	[tilespmem:$0x16900] =	vst v63  }
0x2b: {  	_ =	swait.ge [sflag:s12], $0x50  }
0x2c: {  	[sflag:s12] =	ssyncset.done $0x0  }
0x2d: {  	[sflag:s12] =	ssyncadd.s32 $0xFFFFFFB0  }
0x2e: {  	[tilespmem:s16], [sflag:$0x1] =	stream.indirect.gather [hbm4b:s4+s15], $0x80, s13, s15, $0xb8;
	[tilespmem:$0x16900] =	vst v63  }
0x2f: {  	_ =	swait.ge [sflag:s17], $0x2800  }
.Ltmp0:
0x30: {  	[sflag:s17] =	ssyncset.done $0x0;
	(pc) =	sbr.rel @p0 .LBB2_2-.Ltmp0, $4  }
0x31: {  	[sflag:s17] =	ssyncadd.s32 $0xFFFFD800  }
0x32: {  	[spmem:s2] =	stream.indirect.scatter.add.f32 [tilespmem:s16], [sflag:$0x2], $0x80, s14, s15, $0xb8;
	[tilespmem:$0x16900] =	vst v63  }
0x33: {  	_ =	swait.ge [sflag:s12], $0x2800  }
0x34: {  	s20 =	smov.u32 s23;
	[sflag:s12] =	ssyncset.done $0x0  }
0x35: {  	s20 =	sadd.s32 s19, s10;
	[sflag:s12] =	ssyncadd.s32 $0xFFFFD800  }
0x36: {  	[tilespmem:s13], [sflag:$0x2] =	stream.linear.gather [hbm4b:s20+s3], $0x50, $0x38;
	[tilespmem:$0x16900] =	vst v63  }
0x37: {  	_ =	swait.ge [sflag:s12], $0x50  }
0x38: {  	[sflag:s12] =	ssyncset.done $0x0  }
0x39: {  	s31 =	sadd.s32 s19, s9;
	[sflag:s12] =	ssyncadd.s32 $0xFFFFFFB0  }
0x3a: {  	[tilespmem:s14], [sflag:$0x2] =	stream.linear.gather [hbm4b:s31+s3], $0x50, $0x38;
	[tilespmem:$0x16900] =	vst v63  }
0x3b: {  	_ =	swait.ge [sflag:s12], $0x50  }
0x3c: {  	[sflag:s12] =	ssyncset.done $0x0  }
0x3d: {  	[sflag:s12] =	ssyncadd.s32 $0xFFFFFFB0  }
0x3e: {  	[tilespmem:s16], [sflag:$0x1] =	stream.indirect.gather [hbm4b:s4+s15], $0x80, s13, s15, $0xb8;
	[tilespmem:$0x16900] =	vst v63  }
0x3f: {  	_ =	swait.ge [sflag:s17], $0x2800  }
0x40: {  	[sflag:s17] =	ssyncset.done $0x0  }
0x41: {  	[sflag:s17] =	ssyncadd.s32 $0xFFFFD800  }
0x42: {  	[spmem:s2] =	stream.indirect.scatter.add.f32 [tilespmem:s16], [sflag:$0x2], $0x80, s14, s15, $0xb8;
	[tilespmem:$0x16900] =	vst v63  }
0x43: {  	_ =	swait.ge [sflag:s12], $0x2800  }
0x44: {  	s18 =	sadd.s32 $0x1, s18;
	[sflag:s12] =	ssyncset.done $0x0  }
0x45: {  	p0 =	sne.s32 s18, s8;
	[sflag:s12] =	ssyncadd.s32 $0xFFFFD800  }
.Ltmp1:
0x46: {  	[bflag:$0x0] =	sbarrier.arrive $0xFFFF;
	(pc) =	sbr.rel @p0 .LBB2_1-.Ltmp1, $4  }
0x47: {  	[hbm:s7], [sflag:s6] =	dma.local [spmem:s11], $0x2800  }
0x48: {  	_ =	swait.ge [sflag:s12], $0x2800  }
0x49: {  	[sflag:s12] =	ssyncset.done $0x0  }
0x4a: {  	[sflag:s12] =	ssyncadd.s32 $0xFFFFD800  }
0x4b: {  	_ =	sfence.sel $0x180000  }
0x4c: {  	[bflag:$0x0] =	sbarrier.arrive $0xFFFF  }
0x4d: {  	p0 =	sne.s32 s0, $0x0;
	_ =	strace $0x9000004A  }
0x4e: {  	s0 =	sadd.s32 @!p0 $0x100000, s1;
	[bflag:$0x2] =	sbarrier.arrive $0xFFFF  }
0x4f: {  	[sflag:s0] =	ssyncadd.tile.s32 @!p0 $0x1;
	_ =	shalt  }
.Lfunc_end2:
_tile_overlayer_lowered:
.L_overlay_start_2:
0x50: {  	(tag) =	ssettag $0x2  }
0x51: {  	s0 =	rddreg [dreg:$0x0];
	s2 =	stileid.u32  }
0x52: {  	s1 =	rddreg [dreg:$0x1];
	p0 =	sne.s32 s2, $0x0  }
0x53: {  	s3 =	rddreg [dreg:$0x2];
	[bflag:$0x3] =	sbarrier.arrive $0xFFFF;
	s2 =	simm.s32 @!p0 $0x1C02  }
0x54: {  	[timem:s3], [sflag:s2] =	dma.local @!p0 [hbm:s0], s1  }
0x55: {  	s0 =	simm.s32 @!p0 $0x2  }
0x56: {  	_ =	swait.ge @!p0 [sflag:s0], s1  }
0x57: {  	s1 =	ssub.s32 @!p0 $0x0, s1;
	[sflag:s0] =	ssyncset.done @!p0 $0x0  }
0x58: {  	[sflag:s0] =	ssyncadd.s32 @!p0 s1  }
0x59: {  	[bflag:$0x3] =	sbarrier.arrive $0xFFFF  }
0x5a: {  	_ =	shalt  }

// kernel: kernel.15.cloned.1.call-start
scs
__scs_entry_jumppad:
0x0: {  	(pc) =	sbr.rel $0x88, $3  }
0x1: {  	(tag) =	ssettag $0x0;
	lr =	simm.s32 $0x1  }
0x2: {  	[smem:$0x3F99] =	sst lr;
	_ =	strace $0xD0000000  }
0x3: {  	_ = 	snop  }
0x4: {  	_ = 	snop  }
0x5: {  	_ = 	snop  }
0x6: {  	_ = 	snop  }
0x7: {  	_ = 	snop  }
__scs_overlays_trampoline_lowered:
0x8: {  	[smem:$0x3FA8] =	sst s0  }
0x9: {  	[smem:$0x3FA9] =	sst s1  }
0xa: {  	[smem:$0x3FAA] =	sst s2  }
0xb: {  	[smem:$0x3FAB] =	sst s3  }
0xc: {  	[smem:$0x3FAC] =	sst s4  }
0xd: {  	[smem:$0x3FAD] =	sst s5  }
0xe: {  	[smem:$0x3FAE] =	sst s6  }
0xf: {  	[smem:$0x3FAF] =	sst s7  }
0x10: {  	[smem:$0x3FB0] =	sst s8  }
0x11: {  	[smem:$0x3FB1] =	sst s9;
	s0 =	simm.s32 @!p0 $0x0  }
0x12: {  	s1 =	sld [smem:$0x3F97];
	s0 =	simm.s32 @p0 $0x1  }
0x13: {  	[smem:$0x3FB2] =	sst s0;
	s0 =	simm.s32 @!p1 $0x0  }
0x14: {  	s2 =	sld [smem:$0x3F96];
	s0 =	simm.s32 @p1 $0x1  }
0x15: {  	[smem:$0x3FB3] =	sst s0;
	s0 =	simm.s32 @!p2 $0x0  }
0x16: {  	s3 =	sld [smem:$0x3FDB];
	s0 =	simm.s32 @p2 $0x1  }
0x17: {  	s4 =	simm.s32 $0x1BF5;
	[smem:$0x3FB5] =	sst s0  }
0x18: {  	s0 =	sld [smem:$0x3F98];
	_ =	swait.ge [sflag:s4], $0x0  }
0x19: {  	s7 =	sld [smem:$0x3F99]  }
0x1a: {  	s8 =	sadd.s32 $0xFFFFE003, lr  }
0x1b: {  	s9 =	sadd.s32 $0xFFFFFEF7, lr;
	s5 =	simm.s32 $0xFFFFFFFF;
	p2 =	slt.u32 s8, $0xFFFFF086  }
0x1c: {  	p1 =	slt.u32 s9, $0xF7A;
	s5 =	simm.s32 @!p2 $0x0  }
0x1d: {  	s5 =	simm.s32 @p1 $0x1;
	p0 =	seq.s32 s7, s2  }
0x1e: {  	s7 =	smul.u32 @!p0 $0xF7A, s2;
	p2 =	seq.s32 @!p0 s5, $0x0  }
0x1f: {  	s9 =	smul.u32 $0xF7A, s1;
	s8 =	simm.s32 @!p0 $0x1BF5;
	p2 =	por !p2, p0  }
0x20: {  	[sflag:s8] =	ssyncset.s32 @!p0 $0xFFFFF086;
	s6 =	sadd.s32 @!p0 s3, s7;
	s7 =	simm.s32 @!p0 $0x108  }
0x21: {  	s3 =	sadd.s32 s3, s9;
	s6 =	sadd.s32 @!p0 $0x88, s6;
	s7 =	simm.s32 @p2 $0x1082  }
0x22: {  	[simem:s7], [sflag:s8] =	dma.local @!p0 [hbm:s6], $0xF7A  }
0x23: {  	s9 =	sor.u32 $0xD0000000, s2;
	s6 =	simm.s32 $0x108;
	_ =	swait.ge @!p0 [sflag:s8], $0x0  }
0x24: {  	s3 =	sadd.s32 $0x88, s3;
	s6 =	simm.s32 @!p1 $0x1082;
	[sflag:s4] =	ssyncset.s32 $0xFFFFF086  }
0x25: {  	[simem:s6], [sflag:s4] =	dma.local [hbm:s3], $0xF7A  }
0x26: {  	[smem:$0x3F99] =	sst s1;
	(tag) =	ssettag s2;
	_ =	strace s9  }
0x27: {  	s1 =	sld [smem:$0x3FA9]  }
0x28: {  	s2 =	sld [smem:$0x3FAA]  }
0x29: {  	s4 =	sld [smem:$0x3FAC]  }
0x2a: {  	p0 =	seq.s32 s5, $0x0;
	s5 =	sld [smem:$0x3FAD]  }
0x2b: {  	s6 =	sld [smem:$0x3FAE]  }
0x2c: {  	s7 =	sld [smem:$0x3FAF]  }
0x2d: {  	s3 =	simm.s32 $0x108;
	s8 =	sld [smem:$0x3FB0]  }
0x2e: {  	s3 =	simm.s32 @!p0 $0x1082;
	s9 =	sld [smem:$0x3FB1]  }
0x2f: {  	lr =	sadd.s32 s0, s3;
	s0 =	sld [smem:$0x3FA8]  }
0x30: {  	s3 =	sld [smem:$0x3FAB]  }
0x31: {  	[smem:$0x3FB4] =	sst s10  }
0x32: {  	s10 =	sld [smem:$0x3FB2];
	_ =	sdelay $0x3  }
0x33: {  	p0 =	seq.s32 s10, $0x1;
	s10 =	sld [smem:$0x3FB4];
	_ =	sdelay $0x3  }
0x34: {  	[smem:$0x3FB4] =	sst s10  }
0x35: {  	s10 =	sld [smem:$0x3FB3];
	_ =	sdelay $0x3  }
0x36: {  	p1 =	seq.s32 s10, $0x1;
	s10 =	sld [smem:$0x3FB4];
	_ =	sdelay $0x3  }
0x37: {  	[smem:$0x3FB4] =	sst s10  }
0x38: {  	s10 =	sld [smem:$0x3FB5]  }
0x39: {  	_ = 	snop;
	(pc) =	sbr.ind lr, $3  }
0x3a: {  	_ = 	snop  }
0x3b: {  	_ = 	snop  }
0x3c: {  	p2 =	seq.s32 s10, $0x1;
	s10 =	sld [smem:$0x3FB4]  }
0x3d: {  	_ =	shalt  }
0x3e: {  	_ =	shalt  }
0x3f: {  	_ =	shalt  }
0x40: {  	_ =	shalt  }
0x41: {  	_ =	shalt  }
0x42: {  	_ =	shalt  }
0x43: {  	_ =	shalt  }
0x44: {  	_ =	shalt  }
0x45: {  	_ =	shalt  }
0x46: {  	_ =	shalt  }
0x47: {  	_ =	shalt  }
0x48: {  	_ =	shalt  }
0x49: {  	_ =	shalt  }
0x4a: {  	_ =	shalt  }
0x4b: {  	_ =	shalt  }
0x4c: {  	_ =	shalt  }
0x4d: {  	_ =	shalt  }
0x4e: {  	_ =	shalt  }
0x4f: {  	_ =	shalt  }
0x50: {  	_ =	shalt  }
0x51: {  	_ =	shalt  }
0x52: {  	_ =	shalt  }
0x53: {  	_ =	shalt  }
0x54: {  	_ =	shalt  }
0x55: {  	_ =	shalt  }
0x56: {  	_ =	shalt  }
0x57: {  	_ =	shalt  }
0x58: {  	_ =	shalt  }
0x59: {  	_ =	shalt  }
0x5a: {  	_ =	shalt  }
0x5b: {  	_ =	shalt  }
0x5c: {  	_ =	shalt  }
0x5d: {  	_ =	shalt  }
0x5e: {  	_ =	shalt  }
0x5f: {  	_ =	shalt  }
0x60: {  	_ =	shalt  }
0x61: {  	_ =	shalt  }
0x62: {  	_ =	shalt  }
0x63: {  	_ =	shalt  }
0x64: {  	_ =	shalt  }
0x65: {  	_ =	shalt  }
0x66: {  	_ =	shalt  }
0x67: {  	_ =	shalt  }
0x68: {  	_ =	shalt  }
0x69: {  	_ =	shalt  }
0x6a: {  	_ =	shalt  }
0x6b: {  	_ =	shalt  }
0x6c: {  	_ =	shalt  }
0x6d: {  	_ =	shalt  }
0x6e: {  	_ =	shalt  }
0x6f: {  	_ =	shalt  }
0x70: {  	_ =	shalt  }
0x71: {  	_ =	shalt  }
0x72: {  	_ =	shalt  }
0x73: {  	_ =	shalt  }
0x74: {  	_ =	shalt  }
0x75: {  	_ =	shalt  }
0x76: {  	_ =	shalt  }
0x77: {  	_ =	shalt  }
0x78: {  	_ =	shalt  }
0x79: {  	_ =	shalt  }
0x7a: {  	_ =	shalt  }
0x7b: {  	_ =	shalt  }
0x7c: {  	_ =	shalt  }
0x7d: {  	_ =	shalt  }
0x7e: {  	_ =	shalt  }
0x7f: {  	_ =	shalt  }
0x80: {  	_ =	shalt  }
0x81: {  	_ =	shalt  }
0x82: {  	_ =	shalt  }
0x83: {  	_ =	shalt  }
0x84: {  	_ =	shalt  }
0x85: {  	_ =	shalt  }
0x86: {  	_ =	shalt  }
0x87: {  	_ =	shalt  }
.Lfunc_end0:
.L_simem_size_0:
called_computation.2_lowered:
.L_overlay_start_0:
0x88: {  	s2 =	sld [smem:$0x3FD9]  }
0x89: {  	s3 =	sld [smem:$0x3FFE];
	_ =	sdelay $0x1  }
0x8a: {  	s1 =	srdreg.scid  }
0x8b: {  	s0 =	sand.u32 $0x1, s1  }
0x8c: {  	s16 =	sshll.u32 s0, $0xA;
	s2 =	sadd.s32 s3, s2  }
0x8d: {  	s2 =	sadd.s32 s2, s16  }
0x8e: {  	[smem:$0x3FC0] =	sst s2  }
0x8f: {  	_ = 	snop  }
0x90: {  	(tm) =	ssettm $0x1  }
0x91: {  	s17 =	sld [smem:$0x3FFB];
	_ =	sdelay $0x3  }
0x92: {  	_ =	strace s17  }
0x93: {  	s2 =	sld [smem:$0x3FFC];
	_ =	sdelay $0x3  }
0x94: {  	_ =	strace s2  }
0x95: {  	s2 =	sld [smem:$0x3FFD];
	_ =	sdelay $0x3  }
0x96: {  	_ =	strace s2  }
0x97: {  	_ =	strace $0x8FFFFFFF  }
0x98: {  	s18 =	sld [smem:$0x3FDB];
	_ =	sdelay $0x1  }
0x99: {  	s19 =	simm.s32 $_scs_section_size  }
0x9a: {  	s4 =	simm.s32 $_size__tile_overlayer_lowered;
	s5 =	simm.s32 $_tile_overlayer_lowered  }
0x9b: {  	s22 =	simm.s32 $0x1BFF;
	s21 =	sshll.u32 s5, $0x1;
	s2 =	sadd.s32 s19, s18  }
0x9c: {  	s6 =	simm.s32 $0x0;
	s20 =	sshll.u32 s4, $0x1;
	s4 =	sadd.s32 s21, s2  }
0x9d: {  	[timem:s6], [sflag:s22] =	dma.local [hbm:s4], s20  }
0x9e: {  	_ =	swait.ge [sflag:s22], s20  }
0x9f: {  	s3 =	ssub.s32 $0x0, s20;
	[sflag:s22] =	ssyncset.done $0x0  }
0xa0: {  	[sflag:s22] =	ssyncadd.s32 s3;
	_ =	sdelay $0x1  }
0xa1: {  	s23 =	simm.s32 $0x1B8B  }
0xa2: {  	_ =	swait.ge [sflag:s23], $0x1  }
0xa3: {  	[sflag:s23] =	ssyncset.done $0x0  }
0xa4: {  	s25 =	simm.s32 $0x1B8E;
	s24 =	sld [smem:$0x3FFE];
	[sflag:s23] =	ssyncadd.s32 $0xFFFFFFFF  }
0xa5: {  	s26 =	simm.s32 $execute0_lowered;
	[smem:$0x3FD2] =	sst s25  }
0xa6: {  	s4 =	sshll.u32 s26, $0x1;
	_ =	strace $0x8000004C;
	[dreg:$0x1] =	wrdreg $0xFFFFFFFF  }
0xa7: {  	s28 =	simm.s32 $_size_execute0_lowered;
	s2 =	sadd.s32 s2, s4;
	[dreg:$0x0] =	wrdreg $0x0  }
0xa8: {  	s4 =	sshll.u32 s28, $0x1;
	[dreg:$0x2] =	wrdreg s2  }
0xa9: {  	[dreg:$0x3] =	wrdreg s4  }
0xaa: {  	[dreg:$0x4] =	wrdreg $0xC0  }
0xab: {  	_ =	task [dreg:s6], $0x5FFFF  }
0xac: {  	[dreg:$0x1] =	wrdreg $0xFFFFFFFF  }
0xad: {  	[dreg:$0x0] =	wrdreg $0x60  }
0xae: {  	[dreg:$0x2] =	wrdreg s24  }
0xaf: {  	[dreg:$0x3] =	wrdreg $0x0  }
0xb0: {  	[dreg:$0x4] =	wrdreg $0x9  }
0xb1: {  	_ =	task.clear_ibuf [dreg:s6], $0x5FFFF;
	_ =	strace $0x9000004C  }
0xb2: {  	s29 =	simm.s32 $0x9;
	_ =	strace $0x8000004E  }
0xb3: {  	_ =	swait.ge [sflag:s29], $0x1  }
0xb4: {  	[sflag:s29] =	ssyncadd.s32 $0xFFFFFFFF  }
0xb5: {  	_ =	strace $0x9000004E  }
0xb6: {  	_ =	sfence  }
0xb7: {  	s30 =	sld [smem:$0x0];
	_ =	sdelay $0x2  }
0xb8: {  	s31 =	sshll.u32 s1, $0xD;
	s1 =	sshrl.u32 s1, $0x2  }
0xb9: {  	s3 =	sand.u32 $0x4000, s31;
	s1 =	sadd.s32 s1, s30  }
0xba: {  	s0 =	sor.u32 s3, s0;
	s1 =	sshll.u32 s1, $0x11  }
0xbb: {  	s0 =	sor.u32 s1, s0  }
0xbc: {  	s0 =	sadd.s32 $0x8F2B, s0  }
0xbd: {  	[sflag:s0] =	ssyncadd.remote.s32 $0x1  }
0xbe: {  	_ =	sfence.sel $0xFFFF  }
0xbf: {  	[dreg:$0x0] =	wrdreg $0xFFFFFFFF;
	(pc) =	sbr.abs _section_cstart, $3  }
0xc0: {  	[dreg:$0x1] =	wrdreg $0xFFFFFFFF  }
0xc1: {  	_ =	task.clear_ibuf [dreg:s6], $0x2FFFF;
	_ =	strace $0x9FFFFFFF  }
0xc2: {  	(tm) =	ssettm $0x7FFFFFFF  }
0xc3: {  	_ =	shalt  }
tec
execute0_lowered:
.L_overlay_start_1:
0x0: {  	(tag) =	ssettag $0x1  }
0x1: {  	s5 =	rddreg [dreg:$0x0]  }
0x2: {  	s2 =	rddreg [dreg:$0x1]  }
0x3: {  	s0 =	srdreg.scid;
	s1 =	rddreg [dreg:$0x2];
	s3 =	simm.s32 $0x0  }
0x4: {  	s13 =	simm.s32 $0x14000;
	s14 =	simm.s32 $0x14080;
	s6 =	sand.u32 $0x1, s0  }
0x5: {  	s15 =	simm.s32 $0x50;
	s0 =	stileid.u32;
	s4 =	smul.u32 $0x27100, s6  }
0x6: {  	s16 =	simm.s32 $0x14100;
	s17 =	simm.s32 $0x1;
	s7 =	smul.u32 $0x2710, s0  }
0x7: {  	s18 =	simm.s32 $0x0;
	[smem:$0x7FF] =	sst s3;
	s25 =	smul.u32 $0x2800, s0  }
0x8: {  	s9 =	smul.u32 $0x28000, s6;
	_ =	strace $0x8000004D;
	s6 =	ssub.s32 $0x2, s6  }
0x9: {  	s28 =	smul.u32 $0x50000, s0;
	s31 =	sshll.u32 s0, $0x6;
	s29 =	sshrl.u32 s6, $0x1  }
0xa: {  	s4 =	sadd.s32 s7, s4;
	s26 =	sadd.s32 s25, s9;
	s7 =	sadd.s32 s25, s5  }
0xb: {  	s11 =	ssub.s32 s6, s29;
	s30 =	sshrl.u32 s28, $0x2;
	s6 =	sor.u32 $0x1C02, s31  }
0xc: {  	s8 =	sshrl.u32 s4, $0x3;
	s4 =	sadd.s32 $0x16800, s5;
	s12 =	sadd.s32 s30, s2  }
0xd: {  	s10 =	sadd.s32 s8, s5;
	s8 =	sadd.s32 s26, s5;
	s5 =	sadd.s32 $0x3E000, s7  }
0xe: {  	s7 =	sadd.s32 $0x66000, s8;
	s8 =	smax.u32 s11, $0x1;
	s9 =	sadd.s32 $0x2C00, s10  }
0xf: {  	s10 =	sadd.s32 $0xCA00, s10;
	s11 =	sshrl.u32 s12, $0x3;
	s12 =	simm.s32 $0x2  }
.LBB2_1:
0x10: {  	[spmem:s11], [sflag:s6] =	dma.local [hbm:s5], $0x2800  }
0x11: {  	_ =	swait.ge [sflag:s12], $0x2800  }
0x12: {  	[sflag:s12] =	ssyncset.done $0x0  }
0x13: {  	[sflag:s12] =	ssyncadd.s32 $0xFFFFD800  }
0x14: {  	s19 =	sadd.s32 $0x0, s10;
	[bflag:$0x0] =	sbarrier.arrive $0xFFFF  }
0x15: {  	[tilespmem:s13], [sflag:$0x2] =	stream.linear.gather [hbm4b:s19+s3], $0x50, $0x38;
	[tilespmem:$0x16900] =	vst v63  }
0x16: {  	_ =	swait.ge [sflag:s12], $0x50  }
0x17: {  	[sflag:s12] =	ssyncset.done $0x0  }
0x18: {  	s31 =	sadd.s32 $0x0, s9;
	[sflag:s12] =	ssyncadd.s32 $0xFFFFFFB0  }
0x19: {  	[tilespmem:s14], [sflag:$0x2] =	stream.linear.gather [hbm4b:s31+s3], $0x50, $0x38;
	[tilespmem:$0x16900] =	vst v63  }
0x1a: {  	_ =	swait.ge [sflag:s12], $0x50  }
0x1b: {  	[sflag:s12] =	ssyncset.done $0x0  }
0x1c: {  	[sflag:s12] =	ssyncadd.s32 $0xFFFFFFB0  }
0x1d: {  	[tilespmem:s16], [sflag:$0x1] =	stream.indirect.gather [hbm4b:s4+s15], $0x80, s13, s15, $0xb8;
	[tilespmem:$0x16900] =	vst v63  }
0x1e: {  	_ =	swait.ge [sflag:s17], $0x2800  }
0x1f: {  	[sflag:s17] =	ssyncset.done $0x0  }
0x20: {  	[sflag:s17] =	ssyncadd.s32 $0xFFFFD800  }
0x21: {  	[spmem:s2] =	stream.indirect.scatter.add.f32 [tilespmem:s16], [sflag:$0x2], $0x80, s14, s15, $0xb8;
	[tilespmem:$0x16900] =	vst v63  }
0x22: {  	_ =	swait.ge [sflag:s12], $0x2800  }
0x23: {  	s20 =	simm.s32 $0x14;
	s19 =	simm.s32 $0xA;
	[sflag:s12] =	ssyncset.done $0x0  }
.LBB2_2:
0x24: {  	s21 =	sadd.s32 s19, s10  }
0x25: {  	[sflag:s12] =	ssyncadd.s32 $0xFFFFD800;
	s22 =	smov.u32 s20;
	s23 =	sadd.s32 $0xA, s20  }
0x26: {  	[tilespmem:s13], [sflag:$0x2] =	stream.linear.gather [hbm4b:s21+s3], $0x50, $0x38;
	[tilespmem:$0x16900] =	vst v63  }
0x27: {  	p0 =	sne.s32 s20, $0x4D8;
	_ =	swait.ge [sflag:s12], $0x50  }
0x28: {  	[sflag:s12] =	ssyncset.done $0x0  }
0x29: {  	s20 =	sadd.s32 s19, s9;
	s19 =	smov.u32 s22;
	[sflag:s12] =	ssyncadd.s32 $0xFFFFFFB0  }
0x2a: {  	[tilespmem:s14], [sflag:$0x2] =	stream.linear.gather [hbm4b:s20+s3], $0x50, $0x38;
	[tilespmem:$0x16900] =	vst v63  }
0x2b: {  	_ =	swait.ge [sflag:s12], $0x50  }
0x2c: {  	[sflag:s12] =	ssyncset.done $0x0  }
0x2d: {  	[sflag:s12] =	ssyncadd.s32 $0xFFFFFFB0  }
0x2e: {  	[tilespmem:s16], [sflag:$0x1] =	stream.indirect.gather [hbm4b:s4+s15], $0x80, s13, s15, $0xb8;
	[tilespmem:$0x16900] =	vst v63  }
0x2f: {  	_ =	swait.ge [sflag:s17], $0x2800  }
.Ltmp0:
0x30: {  	[sflag:s17] =	ssyncset.done $0x0;
	(pc) =	sbr.rel @p0 .LBB2_2-.Ltmp0, $4  }
0x31: {  	[sflag:s17] =	ssyncadd.s32 $0xFFFFD800  }
0x32: {  	[spmem:s2] =	stream.indirect.scatter.add.f32 [tilespmem:s16], [sflag:$0x2], $0x80, s14, s15, $0xb8;
	[tilespmem:$0x16900] =	vst v63  }
0x33: {  	_ =	swait.ge [sflag:s12], $0x2800  }
0x34: {  	s20 =	smov.u32 s23;
	[sflag:s12] =	ssyncset.done $0x0  }
0x35: {  	s20 =	sadd.s32 s19, s10;
	[sflag:s12] =	ssyncadd.s32 $0xFFFFD800  }
0x36: {  	[tilespmem:s13], [sflag:$0x2] =	stream.linear.gather [hbm4b:s20+s3], $0x50, $0x38;
	[tilespmem:$0x16900] =	vst v63  }
0x37: {  	_ =	swait.ge [sflag:s12], $0x50  }
0x38: {  	[sflag:s12] =	ssyncset.done $0x0  }
0x39: {  	s31 =	sadd.s32 s19, s9;
	[sflag:s12] =	ssyncadd.s32 $0xFFFFFFB0  }
0x3a: {  	[tilespmem:s14], [sflag:$0x2] =	stream.linear.gather [hbm4b:s31+s3], $0x50, $0x38;
	[tilespmem:$0x16900] =	vst v63  }
0x3b: {  	_ =	swait.ge [sflag:s12], $0x50  }
0x3c: {  	[sflag:s12] =	ssyncset.done $0x0  }
0x3d: {  	[sflag:s12] =	ssyncadd.s32 $0xFFFFFFB0  }
0x3e: {  	[tilespmem:s16], [sflag:$0x1] =	stream.indirect.gather [hbm4b:s4+s15], $0x80, s13, s15, $0xb8;
	[tilespmem:$0x16900] =	vst v63  }
0x3f: {  	_ =	swait.ge [sflag:s17], $0x2800  }
0x40: {  	[sflag:s17] =	ssyncset.done $0x0  }
0x41: {  	[sflag:s17] =	ssyncadd.s32 $0xFFFFD800  }
0x42: {  	[spmem:s2] =	stream.indirect.scatter.add.f32 [tilespmem:s16], [sflag:$0x2], $0x80, s14, s15, $0xb8;
	[tilespmem:$0x16900] =	vst v63  }
0x43: {  	_ =	swait.ge [sflag:s12], $0x2800  }
0x44: {  	s18 =	sadd.s32 $0x1, s18;
	[sflag:s12] =	ssyncset.done $0x0  }
0x45: {  	p0 =	sne.s32 s18, s8;
	[sflag:s12] =	ssyncadd.s32 $0xFFFFD800  }
.Ltmp1:
0x46: {  	[bflag:$0x0] =	sbarrier.arrive $0xFFFF;
	(pc) =	sbr.rel @p0 .LBB2_1-.Ltmp1, $4  }
0x47: {  	[hbm:s7], [sflag:s6] =	dma.local [spmem:s11], $0x2800  }
0x48: {  	_ =	swait.ge [sflag:s12], $0x2800  }
0x49: {  	[sflag:s12] =	ssyncset.done $0x0  }
0x4a: {  	[sflag:s12] =	ssyncadd.s32 $0xFFFFD800  }
0x4b: {  	_ =	sfence.sel $0x180000  }
0x4c: {  	[bflag:$0x0] =	sbarrier.arrive $0xFFFF  }
0x4d: {  	p0 =	sne.s32 s0, $0x0;
	_ =	strace $0x9000004D  }
0x4e: {  	s0 =	sadd.s32 @!p0 $0x100000, s1;
	[bflag:$0x2] =	sbarrier.arrive $0xFFFF  }
0x4f: {  	[sflag:s0] =	ssyncadd.tile.s32 @!p0 $0x1;
	_ =	shalt  }
.Lfunc_end2:
_tile_overlayer_lowered:
.L_overlay_start_2:
0x50: {  	(tag) =	ssettag $0x2  }
0x51: {  	s0 =	rddreg [dreg:$0x0];
	s2 =	stileid.u32  }
0x52: {  	s1 =	rddreg [dreg:$0x1];
	p0 =	sne.s32 s2, $0x0  }
0x53: {  	s3 =	rddreg [dreg:$0x2];
	[bflag:$0x3] =	sbarrier.arrive $0xFFFF;
	s2 =	simm.s32 @!p0 $0x1C02  }
0x54: {  	[timem:s3], [sflag:s2] =	dma.local @!p0 [hbm:s0], s1  }
0x55: {  	s0 =	simm.s32 @!p0 $0x2  }
0x56: {  	_ =	swait.ge @!p0 [sflag:s0], s1  }
0x57: {  	s1 =	ssub.s32 @!p0 $0x0, s1;
	[sflag:s0] =	ssyncset.done @!p0 $0x0  }
0x58: {  	[sflag:s0] =	ssyncadd.s32 @!p0 s1  }
0x59: {  	[bflag:$0x3] =	sbarrier.arrive $0xFFFF  }
0x5a: {  	_ =	shalt  }

// kernel: kernel.18.cloned.1.call-start
scs
__scs_entry_jumppad:
0x0: {  	(pc) =	sbr.rel $0x88, $3  }
0x1: {  	(tag) =	ssettag $0x0;
	lr =	simm.s32 $0x1  }
0x2: {  	[smem:$0x3F99] =	sst lr;
	_ =	strace $0xD0000000  }
0x3: {  	_ = 	snop  }
0x4: {  	_ = 	snop  }
0x5: {  	_ = 	snop  }
0x6: {  	_ = 	snop  }
0x7: {  	_ = 	snop  }
__scs_overlays_trampoline_lowered:
0x8: {  	[smem:$0x3FA8] =	sst s0  }
0x9: {  	[smem:$0x3FA9] =	sst s1  }
0xa: {  	[smem:$0x3FAA] =	sst s2  }
0xb: {  	[smem:$0x3FAB] =	sst s3  }
0xc: {  	[smem:$0x3FAC] =	sst s4  }
0xd: {  	[smem:$0x3FAD] =	sst s5  }
0xe: {  	[smem:$0x3FAE] =	sst s6  }
0xf: {  	[smem:$0x3FAF] =	sst s7  }
0x10: {  	[smem:$0x3FB0] =	sst s8  }
0x11: {  	[smem:$0x3FB1] =	sst s9;
	s0 =	simm.s32 @!p0 $0x0  }
0x12: {  	s1 =	sld [smem:$0x3F97];
	s0 =	simm.s32 @p0 $0x1  }
0x13: {  	[smem:$0x3FB2] =	sst s0;
	s0 =	simm.s32 @!p1 $0x0  }
0x14: {  	s2 =	sld [smem:$0x3F96];
	s0 =	simm.s32 @p1 $0x1  }
0x15: {  	[smem:$0x3FB3] =	sst s0;
	s0 =	simm.s32 @!p2 $0x0  }
0x16: {  	s3 =	sld [smem:$0x3FDB];
	s0 =	simm.s32 @p2 $0x1  }
0x17: {  	s4 =	simm.s32 $0x1BF5;
	[smem:$0x3FB5] =	sst s0  }
0x18: {  	s0 =	sld [smem:$0x3F98];
	_ =	swait.ge [sflag:s4], $0x0  }
0x19: {  	s7 =	sld [smem:$0x3F99]  }
0x1a: {  	s8 =	sadd.s32 $0xFFFFE003, lr  }
0x1b: {  	s9 =	sadd.s32 $0xFFFFFEF7, lr;
	s5 =	simm.s32 $0xFFFFFFFF;
	p2 =	slt.u32 s8, $0xFFFFF086  }
0x1c: {  	p1 =	slt.u32 s9, $0xF7A;
	s5 =	simm.s32 @!p2 $0x0  }
0x1d: {  	s5 =	simm.s32 @p1 $0x1;
	p0 =	seq.s32 s7, s2  }
0x1e: {  	s7 =	smul.u32 @!p0 $0xF7A, s2;
	p2 =	seq.s32 @!p0 s5, $0x0  }
0x1f: {  	s9 =	smul.u32 $0xF7A, s1;
	s8 =	simm.s32 @!p0 $0x1BF5;
	p2 =	por !p2, p0  }
0x20: {  	[sflag:s8] =	ssyncset.s32 @!p0 $0xFFFFF086;
	s6 =	sadd.s32 @!p0 s3, s7;
	s7 =	simm.s32 @!p0 $0x108  }
0x21: {  	s3 =	sadd.s32 s3, s9;
	s6 =	sadd.s32 @!p0 $0x88, s6;
	s7 =	simm.s32 @p2 $0x1082  }
0x22: {  	[simem:s7], [sflag:s8] =	dma.local @!p0 [hbm:s6], $0xF7A  }
0x23: {  	s9 =	sor.u32 $0xD0000000, s2;
	s6 =	simm.s32 $0x108;
	_ =	swait.ge @!p0 [sflag:s8], $0x0  }
0x24: {  	s3 =	sadd.s32 $0x88, s3;
	s6 =	simm.s32 @!p1 $0x1082;
	[sflag:s4] =	ssyncset.s32 $0xFFFFF086  }
0x25: {  	[simem:s6], [sflag:s4] =	dma.local [hbm:s3], $0xF7A  }
0x26: {  	[smem:$0x3F99] =	sst s1;
	(tag) =	ssettag s2;
	_ =	strace s9  }
0x27: {  	s1 =	sld [smem:$0x3FA9]  }
0x28: {  	s2 =	sld [smem:$0x3FAA]  }
0x29: {  	s4 =	sld [smem:$0x3FAC]  }
0x2a: {  	p0 =	seq.s32 s5, $0x0;
	s5 =	sld [smem:$0x3FAD]  }
0x2b: {  	s6 =	sld [smem:$0x3FAE]  }
0x2c: {  	s7 =	sld [smem:$0x3FAF]  }
0x2d: {  	s3 =	simm.s32 $0x108;
	s8 =	sld [smem:$0x3FB0]  }
0x2e: {  	s3 =	simm.s32 @!p0 $0x1082;
	s9 =	sld [smem:$0x3FB1]  }
0x2f: {  	lr =	sadd.s32 s0, s3;
	s0 =	sld [smem:$0x3FA8]  }
0x30: {  	s3 =	sld [smem:$0x3FAB]  }
0x31: {  	[smem:$0x3FB4] =	sst s10  }
0x32: {  	s10 =	sld [smem:$0x3FB2];
	_ =	sdelay $0x3  }
0x33: {  	p0 =	seq.s32 s10, $0x1;
	s10 =	sld [smem:$0x3FB4];
	_ =	sdelay $0x3  }
0x34: {  	[smem:$0x3FB4] =	sst s10  }
0x35: {  	s10 =	sld [smem:$0x3FB3];
	_ =	sdelay $0x3  }
0x36: {  	p1 =	seq.s32 s10, $0x1;
	s10 =	sld [smem:$0x3FB4];
	_ =	sdelay $0x3  }
0x37: {  	[smem:$0x3FB4] =	sst s10  }
0x38: {  	s10 =	sld [smem:$0x3FB5]  }
0x39: {  	_ = 	snop;
	(pc) =	sbr.ind lr, $3  }
0x3a: {  	_ = 	snop  }
0x3b: {  	_ = 	snop  }
0x3c: {  	p2 =	seq.s32 s10, $0x1;
	s10 =	sld [smem:$0x3FB4]  }
0x3d: {  	_ =	shalt  }
0x3e: {  	_ =	shalt  }
0x3f: {  	_ =	shalt  }
0x40: {  	_ =	shalt  }
0x41: {  	_ =	shalt  }
0x42: {  	_ =	shalt  }
0x43: {  	_ =	shalt  }
0x44: {  	_ =	shalt  }
0x45: {  	_ =	shalt  }
0x46: {  	_ =	shalt  }
0x47: {  	_ =	shalt  }
0x48: {  	_ =	shalt  }
0x49: {  	_ =	shalt  }
0x4a: {  	_ =	shalt  }
0x4b: {  	_ =	shalt  }
0x4c: {  	_ =	shalt  }
0x4d: {  	_ =	shalt  }
0x4e: {  	_ =	shalt  }
0x4f: {  	_ =	shalt  }
0x50: {  	_ =	shalt  }
0x51: {  	_ =	shalt  }
0x52: {  	_ =	shalt  }
0x53: {  	_ =	shalt  }
0x54: {  	_ =	shalt  }
0x55: {  	_ =	shalt  }
0x56: {  	_ =	shalt  }
0x57: {  	_ =	shalt  }
0x58: {  	_ =	shalt  }
0x59: {  	_ =	shalt  }
0x5a: {  	_ =	shalt  }
0x5b: {  	_ =	shalt  }
0x5c: {  	_ =	shalt  }
0x5d: {  	_ =	shalt  }
0x5e: {  	_ =	shalt  }
0x5f: {  	_ =	shalt  }
0x60: {  	_ =	shalt  }
0x61: {  	_ =	shalt  }
0x62: {  	_ =	shalt  }
0x63: {  	_ =	shalt  }
0x64: {  	_ =	shalt  }
0x65: {  	_ =	shalt  }
0x66: {  	_ =	shalt  }
0x67: {  	_ =	shalt  }
0x68: {  	_ =	shalt  }
0x69: {  	_ =	shalt  }
0x6a: {  	_ =	shalt  }
0x6b: {  	_ =	shalt  }
0x6c: {  	_ =	shalt  }
0x6d: {  	_ =	shalt  }
0x6e: {  	_ =	shalt  }
0x6f: {  	_ =	shalt  }
0x70: {  	_ =	shalt  }
0x71: {  	_ =	shalt  }
0x72: {  	_ =	shalt  }
0x73: {  	_ =	shalt  }
0x74: {  	_ =	shalt  }
0x75: {  	_ =	shalt  }
0x76: {  	_ =	shalt  }
0x77: {  	_ =	shalt  }
0x78: {  	_ =	shalt  }
0x79: {  	_ =	shalt  }
0x7a: {  	_ =	shalt  }
0x7b: {  	_ =	shalt  }
0x7c: {  	_ =	shalt  }
0x7d: {  	_ =	shalt  }
0x7e: {  	_ =	shalt  }
0x7f: {  	_ =	shalt  }
0x80: {  	_ =	shalt  }
0x81: {  	_ =	shalt  }
0x82: {  	_ =	shalt  }
0x83: {  	_ =	shalt  }
0x84: {  	_ =	shalt  }
0x85: {  	_ =	shalt  }
0x86: {  	_ =	shalt  }
0x87: {  	_ =	shalt  }
.Lfunc_end0:
.L_simem_size_0:
called_computation.3_lowered:
.L_overlay_start_0:
0x88: {  	s2 =	sld [smem:$0x3FD9]  }
0x89: {  	s3 =	sld [smem:$0x3FFE];
	_ =	sdelay $0x1  }
0x8a: {  	s1 =	srdreg.scid  }
0x8b: {  	s0 =	sand.u32 $0x1, s1  }
0x8c: {  	s16 =	sshll.u32 s0, $0xA;
	s2 =	sadd.s32 s3, s2  }
0x8d: {  	s2 =	sadd.s32 s2, s16  }
0x8e: {  	[smem:$0x3FC0] =	sst s2  }
0x8f: {  	_ = 	snop  }
0x90: {  	(tm) =	ssettm $0x1  }
0x91: {  	s17 =	sld [smem:$0x3FFB];
	_ =	sdelay $0x3  }
0x92: {  	_ =	strace s17  }
0x93: {  	s2 =	sld [smem:$0x3FFC];
	_ =	sdelay $0x3  }
0x94: {  	_ =	strace s2  }
0x95: {  	s2 =	sld [smem:$0x3FFD];
	_ =	sdelay $0x3  }
0x96: {  	_ =	strace s2  }
0x97: {  	_ =	strace $0x8FFFFFFF  }
0x98: {  	s18 =	sld [smem:$0x3FDB];
	_ =	sdelay $0x1  }
0x99: {  	s19 =	simm.s32 $_scs_section_size  }
0x9a: {  	s4 =	simm.s32 $_size__tile_overlayer_lowered;
	s5 =	simm.s32 $_tile_overlayer_lowered  }
0x9b: {  	s22 =	simm.s32 $0x1BFF;
	s21 =	sshll.u32 s5, $0x1;
	s2 =	sadd.s32 s19, s18  }
0x9c: {  	s6 =	simm.s32 $0x0;
	s20 =	sshll.u32 s4, $0x1;
	s4 =	sadd.s32 s21, s2  }
0x9d: {  	[timem:s6], [sflag:s22] =	dma.local [hbm:s4], s20  }
0x9e: {  	_ =	swait.ge [sflag:s22], s20  }
0x9f: {  	s3 =	ssub.s32 $0x0, s20;
	[sflag:s22] =	ssyncset.done $0x0  }
0xa0: {  	[sflag:s22] =	ssyncadd.s32 s3;
	_ =	sdelay $0x1  }
0xa1: {  	s23 =	simm.s32 $0x1B8B  }
0xa2: {  	_ =	swait.ge [sflag:s23], $0x1  }
0xa3: {  	[sflag:s23] =	ssyncset.done $0x0  }
0xa4: {  	s25 =	simm.s32 $0x1B8E;
	s24 =	sld [smem:$0x3FFE];
	[sflag:s23] =	ssyncadd.s32 $0xFFFFFFFF  }
0xa5: {  	s26 =	simm.s32 $execute0_lowered;
	[smem:$0x3FD2] =	sst s25  }
0xa6: {  	s4 =	sshll.u32 s26, $0x1;
	_ =	strace $0x8000004F;
	[dreg:$0x1] =	wrdreg $0xFFFFFFFF  }
0xa7: {  	s28 =	simm.s32 $_size_execute0_lowered;
	s2 =	sadd.s32 s2, s4;
	[dreg:$0x0] =	wrdreg $0x0  }
0xa8: {  	s4 =	sshll.u32 s28, $0x1;
	[dreg:$0x2] =	wrdreg s2  }
0xa9: {  	[dreg:$0x3] =	wrdreg s4  }
0xaa: {  	[dreg:$0x4] =	wrdreg $0xC0  }
0xab: {  	_ =	task [dreg:s6], $0x5FFFF  }
0xac: {  	[dreg:$0x1] =	wrdreg $0xFFFFFFFF  }
0xad: {  	[dreg:$0x0] =	wrdreg $0x60  }
0xae: {  	[dreg:$0x2] =	wrdreg s24  }
0xaf: {  	[dreg:$0x3] =	wrdreg $0x9  }
0xb0: {  	_ =	task.clear_ibuf [dreg:s6], $0x4FFFF;
	_ =	strace $0x9000004F  }
0xb1: {  	s29 =	simm.s32 $0x9;
	_ =	strace $0x80000051  }
0xb2: {  	_ =	swait.ge [sflag:s29], $0x1  }
0xb3: {  	[sflag:s29] =	ssyncadd.s32 $0xFFFFFFFF  }
0xb4: {  	_ =	strace $0x90000051  }
0xb5: {  	_ =	sfence  }
0xb6: {  	s30 =	sld [smem:$0x0];
	_ =	sdelay $0x2  }
0xb7: {  	s31 =	sshll.u32 s1, $0xD;
	s1 =	sshrl.u32 s1, $0x2  }
0xb8: {  	s3 =	sand.u32 $0x4000, s31;
	s1 =	sadd.s32 s1, s30  }
0xb9: {  	s0 =	sor.u32 s3, s0;
	s1 =	sshll.u32 s1, $0x11  }
0xba: {  	s0 =	sor.u32 s1, s0  }
0xbb: {  	s0 =	sadd.s32 $0x8F2B, s0  }
0xbc: {  	[sflag:s0] =	ssyncadd.remote.s32 $0x1  }
0xbd: {  	_ =	sfence.sel $0xFFFF  }
0xbe: {  	[dreg:$0x0] =	wrdreg $0xFFFFFFFF;
	(pc) =	sbr.abs _section_cstart, $3  }
0xbf: {  	[dreg:$0x1] =	wrdreg $0xFFFFFFFF  }
0xc0: {  	_ =	task.clear_ibuf [dreg:s6], $0x2FFFF;
	_ =	strace $0x9FFFFFFF  }
0xc1: {  	(tm) =	ssettm $0x7FFFFFFF  }
tec
execute0_lowered:
.L_overlay_start_1:
0x0: {  	(tag) =	ssettag $0x1  }
0x1: {  	s6 =	rddreg [dreg:$0x0]  }
0x2: {  	s0 =	rddreg [dreg:$0x1];
	s1 =	simm.s32 $0x0;
	s2 =	srdreg.scid  }
0x3: {  	s10 =	simm.s32 $0x80;
	s11 =	simm.s32 $0x50;
	s12 =	simm.s32 $0x100  }
0x4: {  	s13 =	simm.s32 $0x2900;
	s14 =	simm.s32 $0x1;
	s15 =	simm.s32 $0x2  }
0x5: {  	s16 =	simm.s32 $0x5100;
	s17 =	simm.s32 $0x0;
	[smem:$0x7FF] =	sst s1  }
0x6: {  	vm0 =	vmmov $0x1;
	vm1 =	vmmov $0x3;
	vm2 =	vmmov $0x7;
	s5 =	sand.u32 $0x1, s2;
	s3 =	sadd.s32 $0x16800, s6;
	s4 =	sadd.s32 $0xCA00, s6  }
0x7: {  	vm3 =	vmmov $0xf;
	vm4 =	vmmov $0x1f;
	vm5 =	vmmov $0x3f;
	s2 =	stileid.u32;
	_ =	strace $0x80000050;
	s7 =	ssub.s32 $0x2, s5  }
0x8: {  	vm6 =	vmmov $0x7f;
	vm7 =	vmmov $0xff;
	vm8 =	vmmov $0x1ff;
	s9 =	sshll.u32 s5, $0x4;
	s5 =	sadd.s32 $0x2C00, s6;
	s8 =	sshrl.u32 s7, $0x1  }
0x9: {  	vm9 =	vmmov $0x3ff;
	vm10 =	vmmov $0x7ff;
	vm11 =	vmmov $0xfff;
	s6 =	sadd.s32 $0x3DA00, s6;
	s31 =	sor.u32 s2, s9;
	s8 =	ssub.s32 s7, s8  }
0xa: {  	vm12 =	vmmov $0x1fff;
	vm13 =	vmmov $0x3fff;
	vm14 =	vmmov $0x7fff;
	s9 =	simm.s32 $0x3;
	s7 =	smul.u32 $0x2710, s31;
	s8 =	smax.u32 s8, $0x1  }
.LBB2_1:
0xb: {  	s18 =	simm.s32 $0x0  }
.LBB2_2:
0xc: {  	s19 =	smul.u32 $0x50, s18;
	_ =	sdelay $0x1  }
0xd: {  	s19 =	sadd.s32 s7, s19  }
0xe: {  	s19 =	sshrl.u32 s19, $0x3  }
0xf: {  	s20 =	simm.s32 $0x0;
	s21 =	sadd.s32 s4, s19  }
0x10: {  	[tilespmem:s20], [sflag:$0x3] =	stream.linear.gather [hbm4b:s21+s20], $0x50, $0x38;
	[tilespmem:$0x5180] =	vst v63  }
0x11: {  	_ =	swait.ge [sflag:s9], $0x50  }
0x12: {  	[sflag:s9] =	ssyncset.done $0x0  }
0x13: {  	s31 =	sadd.s32 s5, s19;
	[sflag:s9] =	ssyncadd.s32 $0xFFFFFFB0  }
0x14: {  	[tilespmem:s10], [sflag:$0x3] =	stream.linear.gather [hbm4b:s31+s20], $0x50, $0x38;
	[tilespmem:$0x5180] =	vst v63  }
0x15: {  	_ =	swait.ge [sflag:s9], $0x50  }
0x16: {  	[sflag:s9] =	ssyncset.done $0x0  }
0x17: {  	[sflag:s9] =	ssyncadd.s32 $0xFFFFFFB0  }
0x18: {  	[tilespmem:s12], [sflag:$0x1] =	stream.indirect.gather [hbm4b:s3+s11], $0x80, s20, s11, $0xb8;
	[tilespmem:$0x5180] =	vst v63  }
0x19: {  	_ = 	snop  }
0x1a: {  	[tilespmem:s13], [sflag:$0x2] =	stream.indirect.gather [hbm4b:s3+s11], $0x80, s10, s11, $0xb8;
	[tilespmem:$0x5180] =	vst v63  }
0x1b: {  	_ =	swait.ge [sflag:s14], $0x2800  }
0x1c: {  	[sflag:s14] =	ssyncset.done $0x0  }
0x1d: {  	[sflag:s14] =	ssyncadd.s32 $0xFFFFD800  }
0x1e: {  	_ =	swait.ge [sflag:s15], $0x2800  }
0x1f: {  	[sflag:s15] =	ssyncset.done $0x0  }
0x20: {  	s21 =	simm.s32 $0x0;
	[sflag:s15] =	ssyncadd.s32 $0xFFFFD800  }
0x21: {  	v2 =	vld [tilespmem:s21+$0x560];
	_ =	sdelay $0x4  }
0x22: {  	[tilespmem:$0x1FAC0] =	vst v2;
	v2 =	vld [tilespmem:s21+$0x2D60];
	_ =	sdelay $0x4  }
0x23: {  	[tilespmem:$0x1FAD0] =	vst v2;
	v2 =	vld [tilespmem:s21+$0x5D0];
	_ =	sdelay $0x4  }
0x24: {  	[tilespmem:$0x1FB10] =	vst v2;
	v2 =	vld [tilespmem:s21+$0x2DD0];
	_ =	sdelay $0x4  }
0x25: {  	[tilespmem:$0x1FB20] =	vst v2;
	v2 =	vld [tilespmem:s21+$0x640];
	_ =	sdelay $0x4  }
0x26: {  	[tilespmem:$0x1FB30] =	vst v2;
	v2 =	vld [tilespmem:s21+$0x2E40];
	_ =	sdelay $0x4  }
0x27: {  	[tilespmem:$0x1FB40] =	vst v2;
	v2 =	vld [tilespmem:s21+$0x6B0];
	_ =	sdelay $0x4  }
0x28: {  	[tilespmem:$0x1FAE0] =	vst v2;
	v2 =	vld [tilespmem:s21+$0x2EB0];
	_ =	sdelay $0x4  }
0x29: {  	[tilespmem:$0x1FAF0] =	vst v2;
	v2 =	vld [tilespmem:s21+$0x780];
	_ =	sdelay $0x4  }
0x2a: {  	[tilespmem:$0x1FB00] =	vst v2;
	v2 =	vld [tilespmem:s21+$0x470];
	_ =	sdelay $0x4  }
0x2b: {  	[tilespmem:$0x1FB50] =	vst v2;
	v2 =	vld [tilespmem:s21+$0x2C70];
	_ =	sdelay $0x4  }
0x2c: {  	[tilespmem:$0x1FB60] =	vst v2;
	v2 =	vld [tilespmem:s21+$0x4E0];
	_ =	sdelay $0x4  }
0x2d: {  	[tilespmem:$0x1F8A0] =	vst v2;
	v2 =	vld [tilespmem:s21+$0x550];
	_ =	sdelay $0x4  }
0x2e: {  	[tilespmem:$0x1FB80] =	vst v2;
	v2 =	vld [tilespmem:s21+$0x2D50];
	_ =	sdelay $0x4  }
0x2f: {  	[tilespmem:$0x1FB90] =	vst v2;
	v2 =	vld [tilespmem:s21+$0x5C0];
	_ =	sdelay $0x4  }
0x30: {  	[tilespmem:$0x1FBA0] =	vst v2;
	v2 =	vld [tilespmem:s21+$0x2DC0];
	_ =	sdelay $0x4  }
0x31: {  	[tilespmem:$0x1FBB0] =	vst v2;
	v2 =	vld [tilespmem:s21+$0x630];
	_ =	sdelay $0x4  }
0x32: {  	[tilespmem:$0x1FBF0] =	vst v2;
	v2 =	vld [tilespmem:s21+$0x2E30];
	_ =	sdelay $0x4  }
0x33: {  	[tilespmem:$0x1FC00] =	vst v2;
	v2 =	vld [tilespmem:s21+$0x3F0];
	_ =	sdelay $0x4  }
0x34: {  	[tilespmem:$0x1FBD0] =	vst v2;
	v2 =	vld [tilespmem:s21+$0x2BF0];
	_ =	sdelay $0x4  }
0x35: {  	[tilespmem:$0x1FBE0] =	vst v2;
	v2 =	vld [tilespmem:s21+$0x460];
	_ =	sdelay $0x4  }
0x36: {  	[tilespmem:$0x1FC20] =	vst v2;
	v2 =	vld [tilespmem:s21+$0x2C60];
	_ =	sdelay $0x4  }
0x37: {  	[tilespmem:$0x1FC30] =	vst v2;
	v2 =	vld [tilespmem:s21+$0x4D0];
	_ =	sdelay $0x4  }
0x38: {  	[tilespmem:$0x1F8B0] =	vst v2;
	v2 =	vld [tilespmem:s21+$0x2CD0];
	_ =	sdelay $0x4  }
0x39: {  	[tilespmem:$0x1F8C0] =	vst v2;
	v2 =	vld [tilespmem:s21+$0x540];
	_ =	sdelay $0x4  }
0x3a: {  	[tilespmem:$0x1FC40] =	vst v2;
	v2 =	vld [tilespmem:s21+$0x2D40];
	_ =	sdelay $0x4  }
0x3b: {  	[tilespmem:$0x1FC50] =	vst v2;
	v2 =	vld [tilespmem:s21+$0x5B0];
	_ =	sdelay $0x4  }
0x3c: {  	[tilespmem:$0x1FC60] =	vst v2;
	v2 =	vld [tilespmem:s21+$0x2DB0];
	_ =	sdelay $0x4  }
0x3d: {  	[tilespmem:$0x1FC70] =	vst v2;
	v2 =	vld [tilespmem:s21+$0x620];
	_ =	sdelay $0x4  }
0x3e: {  	[tilespmem:$0x1FC80] =	vst v2;
	v2 =	vld [tilespmem:s21+$0x2E20];
	_ =	sdelay $0x4  }
0x3f: {  	[tilespmem:$0x1FC90] =	vst v2;
	v2 =	vld [tilespmem:s21+$0x3E0];
	_ =	sdelay $0x4  }
0x40: {  	[tilespmem:$0x1FCA0] =	vst v2;
	v2 =	vld [tilespmem:s21+$0x2BE0];
	_ =	sdelay $0x4  }
0x41: {  	[tilespmem:$0x1FCB0] =	vst v2;
	v2 =	vld [tilespmem:s21+$0x450];
	_ =	sdelay $0x4  }
0x42: {  	[tilespmem:$0x1FD00] =	vst v2;
	v2 =	vld [tilespmem:s21+$0x2C50];
	_ =	sdelay $0x4  }
0x43: {  	[tilespmem:$0x1FD10] =	vst v2;
	v2 =	vld [tilespmem:s21+$0x4C0];
	_ =	sdelay $0x4  }
0x44: {  	[tilespmem:$0x1FD40] =	vst v2;
	v2 =	vld [tilespmem:s21+$0x2CC0];
	_ =	sdelay $0x4  }
0x45: {  	[tilespmem:$0x1FD50] =	vst v2;
	v2 =	vld [tilespmem:s21+$0x530];
	_ =	sdelay $0x4  }
0x46: {  	[tilespmem:$0x1FD20] =	vst v2;
	v2 =	vld [tilespmem:s21+$0x2D30];
	_ =	sdelay $0x4  }
0x47: {  	[tilespmem:$0x1FD30] =	vst v2;
	v2 =	vld [tilespmem:s21+$0x600];
	_ =	sdelay $0x4  }
0x48: {  	[tilespmem:$0x1FCC0] =	vst v2;
	v2 =	vld [tilespmem:s21+$0x2E00];
	_ =	sdelay $0x4  }
0x49: {  	[tilespmem:$0x1FCD0] =	vst v2;
	v2 =	vld [tilespmem:s21+$0x610];
	_ =	sdelay $0x4  }
0x4a: {  	[tilespmem:$0x1FCE0] =	vst v2;
	v2 =	vld [tilespmem:s21+$0x2E10];
	_ =	sdelay $0x4  }
0x4b: {  	[tilespmem:$0x1FCF0] =	vst v2;
	v2 =	vld [tilespmem:s21+$0x2F0];
	_ =	sdelay $0x4  }
0x4c: {  	[tilespmem:$0x1FD70] =	vst v2;
	v2 =	vld [tilespmem:s21+$0x2AF0];
	_ =	sdelay $0x4  }
0x4d: {  	[tilespmem:$0x1FD80] =	vst v2;
	v2 =	vld [tilespmem:s21+$0x360];
	_ =	sdelay $0x4  }
0x4e: {  	[tilespmem:$0x1F8D0] =	vst v2;
	v2 =	vld [tilespmem:s21+$0x3D0];
	_ =	sdelay $0x4  }
0x4f: {  	[tilespmem:$0x1FD90] =	vst v2;
	v2 =	vld [tilespmem:s21+$0x2BD0];
	_ =	sdelay $0x4  }
0x50: {  	[tilespmem:$0x1FDA0] =	vst v2;
	v2 =	vld [tilespmem:s21+$0x440];
	_ =	sdelay $0x4  }
0x51: {  	[tilespmem:$0x1FDB0] =	vst v2;
	v2 =	vld [tilespmem:s21+$0x2C40];
	_ =	sdelay $0x4  }
0x52: {  	[tilespmem:$0x1FDC0] =	vst v2;
	v2 =	vld [tilespmem:s21+$0x4B0];
	_ =	sdelay $0x4  }
0x53: {  	[tilespmem:$0x1FDD0] =	vst v2;
	v2 =	vld [tilespmem:s21+$0x2CB0];
	_ =	sdelay $0x4  }
0x54: {  	[tilespmem:$0x1FDE0] =	vst v2;
	v2 =	vld [tilespmem:s21+$0x270];
	_ =	sdelay $0x4  }
0x55: {  	[tilespmem:$0x1FE00] =	vst v2;
	v2 =	vld [tilespmem:s21+$0x2A70];
	_ =	sdelay $0x4  }
0x56: {  	[tilespmem:$0x1FE10] =	vst v2;
	v2 =	vld [tilespmem:s21+$0x2E0];
	_ =	sdelay $0x4  }
0x57: {  	[tilespmem:$0x1FE20] =	vst v2;
	v2 =	vld [tilespmem:s21+$0x2AE0];
	_ =	sdelay $0x4  }
0x58: {  	[tilespmem:$0x1FE30] =	vst v2;
	v2 =	vld [tilespmem:s21+$0x350]  }
0x59: {  	v0 =	vld [tilespmem:s21+$0x30D0];
	_ =	sdelay $0x3  }
0x5a: {  	[tilespmem:$0x1F8E0] =	vst v2;
	v2 =	vld [tilespmem:s21+$0x2B50]  }
0x5b: {  	[tilespmem:$0x1F810] =	vst v0;
	v0 =	vld [tilespmem:s21+$0x8C0];
	_ =	sdelay $0x3  }
0x5c: {  	[tilespmem:$0x1F8F0] =	vst v2;
	v2 =	vld [tilespmem:s21+$0x3C0]  }
0x5d: {  	[tilespmem:$0x1F820] =	vst v0;
	v0 =	vld [tilespmem:s21+$0x30C0];
	_ =	sdelay $0x3  }
0x5e: {  	[tilespmem:$0x1FE40] =	vst v2;
	v2 =	vld [tilespmem:s21+$0x2BC0]  }
0x5f: {  	[tilespmem:$0x1F830] =	vst v0;
	v0 =	vld [tilespmem:s21+$0x7E0];
	_ =	sdelay $0x3  }
0x60: {  	[tilespmem:$0x1FE50] =	vst v2;
	v2 =	vld [tilespmem:s21+$0x430]  }
0x61: {  	[tilespmem:$0x1F840] =	vst v0;
	v0 =	vld [tilespmem:s21+$0x2EF0];
	_ =	sdelay $0x3  }
0x62: {  	[tilespmem:$0x1FE80] =	vst v2;
	v2 =	vld [tilespmem:s21+$0x2C30]  }
0x63: {  	[tilespmem:$0x1F940] =	vst v0;
	v0 =	vld [tilespmem:s21+$0x2F60];
	_ =	sdelay $0x3  }
0x64: {  	[tilespmem:$0x1FE90] =	vst v2;
	v2 =	vld [tilespmem:s21+$0x4A0]  }
0x65: {  	[tilespmem:$0x1F960] =	vst v0;
	v0 =	vld [tilespmem:s21+$0x7D0];
	_ =	sdelay $0x3  }
0x66: {  	[tilespmem:$0x1FEA0] =	vst v2;
	v2 =	vld [tilespmem:s21+$0x2CA0]  }
0x67: {  	[tilespmem:$0x1F850] =	vst v0;
	v0 =	vld [tilespmem:s21+$0x2FD0];
	_ =	sdelay $0x3  }
0x68: {  	[tilespmem:$0x1FEB0] =	vst v2;
	v2 =	vld [tilespmem:s21+$0x170]  }
0x69: {  	[tilespmem:$0x1F860] =	vst v0;
	v0 =	vld [tilespmem:s21+$0x3040];
	_ =	sdelay $0x3  }
0x6a: {  	[tilespmem:$0x1FF20] =	vst v2;
	v2 =	vld [tilespmem:s21+$0x2970]  }
0x6b: {  	[tilespmem:$0x1F970] =	vst v0;
	v0 =	vld [tilespmem:s21+$0x8A0];
	_ =	sdelay $0x3  }
0x6c: {  	[tilespmem:$0x1FF30] =	vst v2;
	v2 =	vld [tilespmem:s21+$0x260]  }
0x6d: {  	[tilespmem:$0x1F980] =	vst v0;
	v0 =	vld [tilespmem:s21+$0x30A0];
	_ =	sdelay $0x3  }
0x6e: {  	[tilespmem:$0x1FF40] =	vst v2;
	v2 =	vld [tilespmem:s21+$0x2A60]  }
0x6f: {  	[tilespmem:$0x1F990] =	vst v0;
	v0 =	vld [tilespmem:s21+$0x6E0];
	_ =	sdelay $0x3  }
0x70: {  	[tilespmem:$0x1FF50] =	vst v2;
	v2 =	vld [tilespmem:s21+$0x2D0]  }
0x71: {  	[tilespmem:$0x1F9B0] =	vst v0;
	v0 =	vld [tilespmem:s21+$0x2EE0];
	_ =	sdelay $0x3  }
0x72: {  	[tilespmem:$0x1FF60] =	vst v2;
	v2 =	vld [tilespmem:s21+$0x2AD0]  }
0x73: {  	[tilespmem:$0x1F9C0] =	vst v0;
	v0 =	vld [tilespmem:s21+$0x2F50];
	_ =	sdelay $0x3  }
0x74: {  	[tilespmem:$0x1FF70] =	vst v2;
	v2 =	vld [tilespmem:s21+$0x340]  }
0x75: {  	[tilespmem:$0x1F9D0] =	vst v0;
	v0 =	vld [tilespmem:s21+$0x7C0];
	_ =	sdelay $0x3  }
0x76: {  	[tilespmem:$0x1F900] =	vst v2;
	v2 =	vld [tilespmem:s21+$0x2B40]  }
0x77: {  	[tilespmem:$0x1F9E0] =	vst v0;
	v0 =	vld [tilespmem:s21+$0x2FC0];
	_ =	sdelay $0x3  }
0x78: {  	[tilespmem:$0x1F910] =	vst v2;
	v2 =	vld [tilespmem:s21+$0x3B0]  }
0x79: {  	[tilespmem:$0x1F9F0] =	vst v0;
	v0 =	vld [tilespmem:s21+$0x880];
	_ =	sdelay $0x3  }
0x7a: {  	[tilespmem:$0x1FEC0] =	vst v2;
	v2 =	vld [tilespmem:s21+$0x2BB0]  }
0x7b: {  	[tilespmem:$0x1FA00] =	vst v0;
	v0 =	vld [tilespmem:s21+$0x3080];
	_ =	sdelay $0x3  }
0x7c: {  	[tilespmem:$0x1FED0] =	vst v2;
	v2 =	vld [tilespmem:s21+$0x420]  }
0x7d: {  	[tilespmem:$0x1FA10] =	vst v0;
	v0 =	vld [tilespmem:s21+$0x890];
	_ =	sdelay $0x3  }
0x7e: {  	[tilespmem:$0x1FE60] =	vst v2;
	v2 =	vld [tilespmem:s21+$0x2C20]  }
0x7f: {  	[tilespmem:$0x1FA20] =	vst v0;
	v0 =	vld [tilespmem:s21+$0x3090];
	_ =	sdelay $0x3  }
0x80: {  	[tilespmem:$0x1FE70] =	vst v2;
	v2 =	vld [tilespmem:s21+$0x480]  }
0x81: {  	[tilespmem:$0x1FA30] =	vst v0;
	v0 =	vld [tilespmem:s21+$0x5F0];
	_ =	sdelay $0x3  }
0x82: {  	[tilespmem:$0x1FEE0] =	vst v2;
	v2 =	vld [tilespmem:s21+$0x2C80]  }
0x83: {  	[tilespmem:$0x1FA40] =	vst v0;
	v0 =	vld [tilespmem:s21+$0x2DF0];
	_ =	sdelay $0x3  }
0x84: {  	[tilespmem:$0x1FEF0] =	vst v2;
	v2 =	vld [tilespmem:s21+$0x490]  }
0x85: {  	[tilespmem:$0x1FA50] =	vst v0;
	v0 =	vld [tilespmem:s21+$0x660];
	_ =	sdelay $0x3  }
0x86: {  	[tilespmem:$0x1FF00] =	vst v2;
	v2 =	vld [tilespmem:s21+$0x2C90]  }
0x87: {  	[tilespmem:$0x1F870] =	vst v0;
	v0 =	vld [tilespmem:s21+$0x6D0];
	_ =	sdelay $0x3  }
0x88: {  	[tilespmem:$0x1FF10] =	vst v2;
	v2 =	vld [tilespmem:s21+$0x160]  }
0x89: {  	[tilespmem:$0x1FA60] =	vst v0;
	v0 =	vld [tilespmem:s21+$0x650];
	_ =	sdelay $0x3  }
0x8a: {  	[tilespmem:$0x1FF80] =	vst v2;
	v2 =	vld [tilespmem:s21+$0x2960]  }
0x8b: {  	[tilespmem:$0x1F880] =	vst v0;
	v0 =	vld [tilespmem:s21+$0x2E50];
	_ =	sdelay $0x3  }
0x8c: {  	[tilespmem:$0x1FF90] =	vst v2;
	v2 =	vld [tilespmem:s21+$0x250]  }
0x8d: {  	[tilespmem:$0x1F890] =	vst v0;
	v0 =	vld [tilespmem:s21+$0x7A0];
	_ =	sdelay $0x2  }
0x8e: {  	v3 =	vld [tilespmem:s21+$0x870]  }
0x8f: {  	[tilespmem:$0x1FFA0] =	vst v2;
	v2 =	vld [tilespmem:s21+$0x2A50]  }
0x90: {  	[tilespmem:$0x1FA90] =	vst v0;
	v0 =	vld [tilespmem:s21+$0x2FA0]  }
0x91: {  	v7 =	vld [tilespmem:s21+$0x860]  }
0x92: {  	v10 =	vld [tilespmem:s21+$0x3060]  }
0x93: {  	v13 =	vld [tilespmem:s21+$0x800]  }
0x94: {  	[tilespmem:$0x1FFB0] =	vst v2;
	v2 =	vld [tilespmem:s21+$0x2C0]  }
0x95: {  	[tilespmem:$0x1FAA0] =	vst v0;
	v0 =	vld [tilespmem:s21+$0x3000]  }
0x96: {  	v6 =	vld [tilespmem:s21+$0x8B0]  }
0x97: {  	v12 =	vld [tilespmem:s21+$0x30B0]  }
0x98: {  	v61 =	vld [tilespmem:s21+$0x6F0]  }
0x99: {  	[tilespmem:$0x1FFD0] =	vst v2;
	v2 =	vld [tilespmem:s21+$0x2AC0]  }
0x9a: {  	v13 =	vmul.f32 v0, v13;
	v0 =	vld [tilespmem:$0x1F940]  }
0x9b: {  	v5 =	vld [tilespmem:s21+$0x3070];
	_ =	sdelay $0x1  }
0x9c: {  	v16 =	vld [tilespmem:s21+$0x760]  }
0x9d: {  	v9 =	vld [tilespmem:s21+$0x810];
	[tilespmem:$0x1FFE0] =	vst v2;
	v2 =	vmul.f32 v10, v7  }
0x9e: {  	v8 =	vld [tilespmem:s21+$0x3010];
	v10 =	vmul.f32 v0, v61;
	v0 =	vmul.f32 v12, v6  }
0x9f: {  	v3 =	vmul.f32 v5, v3;
	v5 =	vld [tilespmem:s21+$0x330]  }
0xa0: {  	[tilespmem:$0x1F950] =	vst v0;
	v0 =	vld [tilespmem:$0x1F960]  }
0xa1: {  	v54 =	vld [tilespmem:s21+$0x840]  }
0xa2: {  	v24 =	vld [tilespmem:s21+$0x820]  }
0xa3: {  	v23 =	vld [tilespmem:s21+$0x3020]  }
0xa4: {  	[tilespmem:$0x1F920] =	vst v5;
	v5 =	vld [tilespmem:s21+$0x2B30]  }
0xa5: {  	v8 =	vmul.f32 v8, v9;
	v9 =	vmul.f32 v0, v16;
	v0 =	vld [tilespmem:$0x1F970];
	_ =	sdelay $0x3  }
0xa6: {  	[tilespmem:$0x1F930] =	vst v5;
	v5 =	vld [tilespmem:$0x1F990]  }
0xa7: {  	v8 =	vadd.f32 v8, v13;
	v13 =	vmul.f32 v23, v24;
	v23 =	vmul.f32 v0, v54;
	v0 =	vld [tilespmem:$0x1F980]  }
0xa8: {  	v59 =	vld [tilespmem:s21+$0x850]  }
0xa9: {  	v45 =	vld [tilespmem:s21+$0x3050]  }
0xaa: {  	v14 =	vld [tilespmem:s21+$0x750]  }
0xab: {  	v51 =	vld [tilespmem:s21+$0x830]  }
0xac: {  	v1 =	vld [tilespmem:s21+$0x3030];
	v0 =	vmul.f32 v5, v0  }
0xad: {  	v5 =	vld [tilespmem:$0x1F9C0]  }
0xae: {  	[tilespmem:$0x1F9A0] =	vst v0;
	v0 =	vld [tilespmem:$0x1F9B0]  }
0xaf: {  	v38 =	vld [tilespmem:s21+$0x740]  }
0xb0: {  	v57 =	vld [tilespmem:s21+$0x2F40]  }
0xb1: {  	v55 =	vld [tilespmem:s21+$0x7B0]  }
0xb2: {  	v48 =	vld [tilespmem:s21+$0x2FB0]  }
0xb3: {  	v7 =	vmul.f32 v5, v0;
	v0 =	vld [tilespmem:$0x1F9D0]  }
0xb4: {  	v53 =	vld [tilespmem:s21+$0x570]  }
0xb5: {  	v52 =	vld [tilespmem:s21+$0x2D70]  }
0xb6: {  	v41 =	vld [tilespmem:s21+$0x720]  }
0xb7: {  	v8 =	vadd.f32 v13, v8;
	v13 =	vmul.f32 v1, v51;
	v1 =	vld [tilespmem:$0x1F9F0]  }
0xb8: {  	v6 =	vmul.f32 v0, v14;
	v0 =	vld [tilespmem:$0x1F9E0]  }
0xb9: {  	v35 =	vld [tilespmem:s21+$0x2F20]  }
0xba: {  	v60 =	vld [tilespmem:s21+$0x2F80]  }
0xbb: {  	v62 =	vld [tilespmem:s21+$0x790]  }
0xbc: {  	v56 =	vld [tilespmem:s21+$0x2F90]  }
0xbd: {  	v51 =	vmul.f32 v1, v0;
	v0 =	vld [tilespmem:$0x1FA00]  }
0xbe: {  	v1 =	vld [tilespmem:$0x1FA10]  }
0xbf: {  	v33 =	vld [tilespmem:s21+$0x6A0]  }
0xc0: {  	v32 =	vld [tilespmem:s21+$0x2EA0]  }
0xc1: {  	v18 =	vld [tilespmem:s21+$0x680]  }
0xc2: {  	v8 =	vadd.f32 v13, v8;
	v5 =	vld [tilespmem:$0x1FA30]  }
0xc3: {  	v1 =	vmul.f32 v1, v0;
	v0 =	vld [tilespmem:$0x1FA20]  }
0xc4: {  	v17 =	vld [tilespmem:s21+$0x690];
	v59 =	vmul.f32 v45, v59;
	v8 =	vadd.f32 v23, v8  }
0xc5: {  	v4 =	vld [tilespmem:s21+$0x2E90]  }
0xc6: {  	v15 =	vld [tilespmem:s21+$0x2E80];
	v8 =	vadd.f32 v59, v8  }
0xc7: {  	v40 =	vld [tilespmem:s21+$0x700]  }
0xc8: {  	v31 =	vld [tilespmem:s21+$0x2F00];
	v2 =	vadd.f32 v2, v8;
	v0 =	vmul.f32 v5, v0  }
0xc9: {  	v29 =	vld [tilespmem:s21+$0x710];
	v57 =	vmul.f32 v57, v38;
	v38 =	vmul.f32 v52, v53  }
0xca: {  	v52 =	vadd.f32 v0, v1;
	v1 =	vmul.f32 v4, v17;
	v17 =	vadd.f32 v3, v2;
	v2 =	vld [tilespmem:$0x1FAC0]  }
0xcb: {  	v13 =	vmul.f32 v48, v55;
	v0 =	vmul.f32 v15, v18;
	v3 =	vld [tilespmem:$0x1FAD0]  }
0xcc: {  	v28 =	vld [tilespmem:s21+$0x2F10]  }
0xcd: {  	[tilespmem:$0x1FA70] =	vst v13;
	v13 =	vld [tilespmem:s21+$0x240];
	v0 =	vadd.f32 v1, v0;
	v1 =	vmul.f32 v32, v33  }
0xce: {  	v4 =	vld [tilespmem:s21+$0x320]  }
0xcf: {  	v0 =	vadd.f32 v1, v0;
	v1 =	vld [tilespmem:$0x1FB00]  }
0xd0: {  	v18 =	vmul.f32 v3, v2;
	v2 =	vld [tilespmem:$0x1FAE0]  }
0xd1: {  	v3 =	vld [tilespmem:$0x1FAF0]  }
0xd2: {  	v31 =	vmul.f32 v31, v40;
	v28 =	vmul.f32 v28, v29;
	[tilespmem:$0x1FFF0] =	vst v13;
	v13 =	vld [tilespmem:$0x1FA90]  }
0xd3: {  	v15 =	vld [tilespmem:$0x1FAA0]  }
0xd4: {  	v8 =	vmul.f32 v35, v41;
	[tilespmem:$0x1FA80] =	vst v4;
	v4 =	vadd.f32 v28, v31  }
0xd5: {  	v1 =	vmul.f32 v60, v1  }
0xd6: {  	v47 =	vld [tilespmem:s21+$0x6C0];
	v2 =	vmul.f32 v3, v2;
	v3 =	vadd.f32 v8, v4;
	v4 =	vmul.f32 v56, v62  }
0xd7: {  	v46 =	vld [tilespmem:s21+$0x2EC0]  }
0xd8: {  	v35 =	vmul.f32 v15, v13;
	v13 =	vld [tilespmem:s21+$0x2B20];
	v1 =	vadd.f32 v4, v1  }
0xd9: {  	v0 =	vadd.f32 v2, v0;
	v2 =	vld [tilespmem:$0x1FB90]  }
0xda: {  	[tilespmem:$0x1FB70] =	vst v1;
	v1 =	vld [tilespmem:$0x1FB80]  }
0xdb: {  	v42 =	vld [tilespmem:s21+$0x730]  }
0xdc: {  	v37 =	vld [tilespmem:s21+$0x2F30]  }
0xdd: {  	v8 =	vld [tilespmem:$0x1FB10]  }
0xde: {  	[tilespmem:$0x1FAB0] =	vst v13;
	v13 =	vld [tilespmem:$0x1FB20]  }
0xdf: {  	v62 =	vmul.f32 v2, v1;
	v1 =	vld [tilespmem:$0x1FBA0]  }
0xe0: {  	v2 =	vld [tilespmem:$0x1FBB0]  }
0xe1: {  	v22 =	vld [tilespmem:s21+$0x580]  }
0xe2: {  	v20 =	vld [tilespmem:s21+$0x2D80]  }
0xe3: {  	v28 =	vld [tilespmem:$0x1FB40]  }
0xe4: {  	v37 =	vmul.f32 v37, v42;
	v8 =	vmul.f32 v13, v8;
	v13 =	vld [tilespmem:$0x1FB30]  }
0xe5: {  	v2 =	vmul.f32 v2, v1;
	v1 =	vld [tilespmem:s21+$0x2940]  }
0xe6: {  	v23 =	vmul.f32 v46, v47;
	v3 =	vadd.f32 v37, v3  }
0xe7: {  	v29 =	vld [tilespmem:$0x1FB60]  }
0xe8: {  	v4 =	vadd.f32 v57, v3;
	v3 =	vmul.f32 v20, v22;
	v20 =	vadd.f32 v23, v0;
	v0 =	vld [tilespmem:$0x1FBD0]  }
0xe9: {  	v59 =	vmul.f32 v28, v13;
	v13 =	vld [tilespmem:$0x1FB50]  }
0xea: {  	[tilespmem:$0x1FBC0] =	vst v1;
	v1 =	vld [tilespmem:$0x1FBE0]  }
0xeb: {  	v11 =	vld [tilespmem:s21+$0x770]  }
0xec: {  	v39 =	vld [tilespmem:s21+$0x2F70]  }
0xed: {  	v58 =	vld [tilespmem:s21+$0x2ED0]  }
0xee: {  	v32 =	vmul.f32 v29, v13;
	v13 =	vld [tilespmem:$0x1FC00]  }
0xef: {  	v1 =	vmul.f32 v1, v0;
	v0 =	vld [tilespmem:$0x1FBF0]  }
0xf0: {  	v50 =	vld [tilespmem:s21+$0x5A0]  }
0xf1: {  	v34 =	vld [tilespmem:s21+$0x2DA0]  }
0xf2: {  	v5 =	vld [tilespmem:s21+$0x150]  }
0xf3: {  	v6 =	vadd.f32 v6, v4;
	v4 =	vld [tilespmem:$0x1FC20]  }
0xf4: {  	v0 =	vmul.f32 v13, v0;
	v13 =	vld [tilespmem:$0x1FC30]  }
0xf5: {  	v21 =	vld [tilespmem:s21+$0x590]  }
0xf6: {  	v19 =	vld [tilespmem:s21+$0x2D90]  }
0xf7: {  	v12 =	vld [tilespmem:$0x1FA50]  }
0xf8: {  	[tilespmem:$0x1FFC0] =	vst v5;
	v5 =	vld [tilespmem:$0x1FA40]  }
0xf9: {  	v31 =	vmul.f32 v13, v4;
	v4 =	vld [tilespmem:$0x1FC40]  }
0xfa: {  	v13 =	vld [tilespmem:$0x1FC50]  }
0xfb: {  	v27 =	vld [tilespmem:s21+$0x510]  }
0xfc: {  	v25 =	vld [tilespmem:s21+$0x2D10]  }
0xfd: {  	v12 =	vmul.f32 v12, v5;
	v5 =	vld [tilespmem:$0x1FA60]  }
0xfe: {  	v6 =	vadd.f32 v9, v6;
	v9 =	vld [tilespmem:$0x1FC70]  }
0xff: {  	v19 =	vmul.f32 v19, v21;
	v21 =	vmul.f32 v13, v4;
	v4 =	vld [tilespmem:$0x1FC60];
	_ =	sdelay $0x1  }
0x100: {  	v49 =	vld [tilespmem:s21+$0x5E0];
	v11 =	vmul.f32 v39, v11;
	v3 =	vadd.f32 v19, v3;
	v19 =	vmul.f32 v34, v50  }
0x101: {  	v44 =	vld [tilespmem:s21+$0x2DE0];
	v5 =	vmul.f32 v58, v5  }
0x102: {  	v3 =	vadd.f32 v19, v3;
	v19 =	vmul.f32 v25, v27;
	v25 =	vadd.f32 v11, v6;
	v6 =	vld [tilespmem:$0x1FC90]  }
0x103: {  	v5 =	vadd.f32 v5, v20;
	v9 =	vmul.f32 v9, v4;
	v4 =	vld [tilespmem:$0x1FC80];
	_ =	sdelay $0x1  }
0x104: {  	v5 =	vadd.f32 v7, v5;
	_ =	sdelay $0x1  }
0x105: {  	v55 =	vmul.f32 v44, v49;
	v44 =	vadd.f32 v10, v5;
	v5 =	vld [tilespmem:$0x1FCB0]  }
0x106: {  	v34 =	vmul.f32 v6, v4;
	v4 =	vld [tilespmem:$0x1FCA0];
	_ =	sdelay $0x1  }
0x107: {  	v3 =	vadd.f32 v9, v3;
	_ =	sdelay $0x1  }
0x108: {  	v2 =	vadd.f32 v2, v3;
	v3 =	vld [tilespmem:$0x1FCC0]  }
0x109: {  	v13 =	vmul.f32 v5, v4;
	v4 =	vld [tilespmem:$0x1FCD0];
	_ =	sdelay $0x1  }
0x10a: {  	v30 =	vld [tilespmem:s21+$0x500]  }
0x10b: {  	v26 =	vld [tilespmem:s21+$0x2D00]  }
0x10c: {  	v5 =	vld [tilespmem:$0x1FCF0]  }
0x10d: {  	v3 =	vmul.f32 v4, v3;
	v4 =	vld [tilespmem:$0x1FCE0]  }
0x10e: {  	v36 =	vld [tilespmem:s21+$0x520]  }
0x10f: {  	v43 =	vld [tilespmem:s21+$0x2D20];
	_ =	sdelay $0x1  }
0x110: {  	v9 =	vld [tilespmem:$0x1FD10]  }
0x111: {  	v7 =	vmul.f32 v26, v30;
	v10 =	vmul.f32 v5, v4;
	v4 =	vld [tilespmem:$0x1FD00];
	_ =	sdelay $0x1  }
0x112: {  	v6 =	vadd.f32 v19, v7;
	v7 =	vmul.f32 v43, v36;
	_ =	sdelay $0x1  }
0x113: {  	v6 =	vadd.f32 v7, v6;
	v7 =	vld [tilespmem:$0x1FD30]  }
0x114: {  	v19 =	vmul.f32 v9, v4;
	v4 =	vld [tilespmem:$0x1FD20];
	_ =	sdelay $0x3  }
0x115: {  	v11 =	vld [tilespmem:$0x1FD50]  }
0x116: {  	v7 =	vmul.f32 v7, v4;
	v4 =	vld [tilespmem:$0x1FD40];
	_ =	sdelay $0x1  }
0x117: {  	v3 =	vadd.f32 v10, v3;
	_ =	sdelay $0x1  }
0x118: {  	[tilespmem:$0x1FD60] =	vst v3;
	v3 =	vld [tilespmem:$0x1FD70]  }
0x119: {  	v36 =	vmul.f32 v11, v4;
	v4 =	vld [tilespmem:$0x1FD80];
	_ =	sdelay $0x3  }
0x11a: {  	v2 =	vadd.f32 v8, v2;
	v8 =	vld [tilespmem:$0x1FDA0]  }
0x11b: {  	v3 =	vmul.f32 v4, v3;
	v4 =	vld [tilespmem:$0x1FD90];
	_ =	sdelay $0x3  }
0x11c: {  	v6 =	vadd.f32 v7, v6;
	v7 =	vld [tilespmem:$0x1FDC0]  }
0x11d: {  	v27 =	vmul.f32 v8, v4;
	v4 =	vld [tilespmem:$0x1FDB0];
	_ =	sdelay $0x4  }
0x11e: {  	v10 =	vmul.f32 v7, v4;
	v4 =	vld [tilespmem:$0x1FDD0]  }
0x11f: {  	v7 =	vld [tilespmem:$0x1FDE0];
	_ =	sdelay $0x4  }
0x120: {  	v42 =	vld [tilespmem:s21+$0x2B80];
	v4 =	vmul.f32 v7, v4  }
0x121: {  	v7 =	vadd.f32 v55, v2;
	v2 =	vld [tilespmem:$0x1FE00]  }
0x122: {  	[tilespmem:$0x1FDF0] =	vst v4;
	v4 =	vld [tilespmem:$0x1FE10]  }
0x123: {  	v24 =	vld [tilespmem:s21+$0x400]  }
0x124: {  	v61 =	vld [tilespmem:s21+$0x410]  }
0x125: {  	v15 =	vld [tilespmem:s21+$0x380]  }
0x126: {  	v8 =	vld [tilespmem:$0x1FE30]  }
0x127: {  	v2 =	vmul.f32 v4, v2;
	v4 =	vld [tilespmem:$0x1FE20]  }
0x128: {  	v16 =	vld [tilespmem:s21+$0x2C00]  }
0x129: {  	v14 =	vld [tilespmem:s21+$0x2C10];
	_ =	sdelay $0x1  }
0x12a: {  	v6 =	vadd.f32 v21, v6;
	v21 =	vadd.f32 v12, v7;
	v7 =	vmul.f32 v42, v15;
	v15 =	vld [tilespmem:$0x1FE50]  }
0x12b: {  	v8 =	vmul.f32 v8, v4;
	v4 =	vld [tilespmem:$0x1FE40];
	_ =	sdelay $0x1  }
0x12c: {  	v14 =	vmul.f32 v14, v61;
	v11 =	vmul.f32 v16, v24;
	_ =	sdelay $0x1  }
0x12d: {  	v11 =	vadd.f32 v14, v11;
	v14 =	vld [tilespmem:$0x1FE70]  }
0x12e: {  	v24 =	vmul.f32 v15, v4;
	v4 =	vld [tilespmem:$0x1FE60];
	_ =	sdelay $0x1  }
0x12f: {  	v6 =	vadd.f32 v62, v6  }
0x130: {  	v56 =	vld [tilespmem:s21+$0x390]  }
0x131: {  	v15 =	vadd.f32 v18, v6;
	v6 =	vld [tilespmem:$0x1FE90]  }
0x132: {  	v14 =	vmul.f32 v14, v4;
	v4 =	vld [tilespmem:$0x1FE80]  }
0x133: {  	v28 =	vld [tilespmem:s21+$0x2B90]  }
0x134: {  	v39 =	vld [tilespmem:s21+$0x3A0]  }
0x135: {  	v45 =	vld [tilespmem:s21+$0x2BA0];
	_ =	sdelay $0x1  }
0x136: {  	v11 =	vadd.f32 v14, v11;
	v14 =	vmul.f32 v6, v4;
	v4 =	vld [tilespmem:$0x1FEA0]  }
0x137: {  	v12 =	vmul.f32 v28, v56;
	v6 =	vld [tilespmem:$0x1FEB0];
	_ =	sdelay $0x1  }
0x138: {  	v7 =	vadd.f32 v12, v7;
	v12 =	vmul.f32 v45, v39;
	_ =	sdelay $0x1  }
0x139: {  	v22 =	vadd.f32 v12, v7;
	v7 =	vld [tilespmem:$0x1FED0]  }
0x13a: {  	v6 =	vmul.f32 v6, v4;
	v4 =	vld [tilespmem:$0x1FEC0];
	_ =	sdelay $0x4  }
0x13b: {  	v26 =	vmul.f32 v7, v4;
	v4 =	vld [tilespmem:$0x1FEE0]  }
0x13c: {  	v7 =	vld [tilespmem:$0x1FEF0];
	_ =	sdelay $0x1  }
0x13d: {  	v63 =	vld [tilespmem:s21+$0x8D0]  }
0x13e: {  	v53 =	vld [tilespmem:s21+$0x230]  }
0x13f: {  	v40 =	vld [tilespmem:s21+$0x2AA0]  }
0x140: {  	v11 =	vadd.f32 v14, v11;
	v14 =	vmul.f32 v7, v4;
	v4 =	vld [tilespmem:$0x1FF00]  }
0x141: {  	v7 =	vld [tilespmem:$0x1FF10]  }
0x142: {  	v48 =	vld [tilespmem:s21+$0x2B0]  }
0x143: {  	v49 =	vld [tilespmem:s21+$0x2B10]  }
0x144: {  	v54 =	vld [tilespmem:s21+$0x2A40]  }
0x145: {  	v46 =	vld [tilespmem:s21+$0x2AB0]  }
0x146: {  	v18 =	vadd.f32 v38, v15;
	v15 =	vmul.f32 v7, v4;
	v4 =	vld [tilespmem:$0x1FF20]  }
0x147: {  	v7 =	vld [tilespmem:$0x1FF30]  }
0x148: {  	v47 =	vld [tilespmem:s21+$0x2B00]  }
0x149: {  	v41 =	vld [tilespmem:s21+$0x2900]  }
0x14a: {  	v33 =	vld [tilespmem:s21+$0x2A00]  }
0x14b: {  	v12 =	vld [tilespmem:$0x1FF50]  }
0x14c: {  	v7 =	vmul.f32 v7, v4;
	v4 =	vld [tilespmem:$0x1FF40]  }
0x14d: {  	(xrf2) =	vadd.scan.msk.f32 $0xffff, v17;
	v17 =	vld [tilespmem:s21+$0x180]  }
0x14e: {  	v60 =	vld [tilespmem:s21+$0x140]  }
0x14f: {  	v37 =	vld [tilespmem:s21+$0x310]  }
0x150: {  	v26 =	vadd.f32 v26, v22;
	v22 =	vld [tilespmem:$0x1FF70]  }
0x151: {  	v12 =	vmul.f32 v12, v4;
	v4 =	vld [tilespmem:$0x1FF60]  }
0x152: {  	v58 =	vld [tilespmem:s21+$0x2950]  }
0x153: {  	v57 =	vld [tilespmem:s21+$0x2A0]  }
0x154: {  	v23 =	vld [tilespmem:s21+$0x300]  }
0x155: {  	v38 =	vadd.f32 v10, v11;
	v11 =	vld [tilespmem:$0x1FF90]  }
0x156: {  	v22 =	vmul.f32 v22, v4;
	v4 =	vld [tilespmem:$0x1FF80]  }
0x157: {  	v20 =	vld [tilespmem:s21+$0x220]  }
0x158: {  	v50 =	vld [tilespmem:s21+$0x2A20]  }
0x159: {  	v30 =	vld [tilespmem:s21+$0x280]  }
0x15a: {  	v10 =	vadd.f32 v15, v14;
	v14 =	vld [tilespmem:$0x1FFB0]  }
0x15b: {  	v11 =	vmul.f32 v11, v4;
	v4 =	vld [tilespmem:$0x1FFA0]  }
0x15c: {  	(xrf2) =	vadd.scan.msk.f32 $0xffff, v25;
	v25 =	vld [tilespmem:s21+$0x190]  }
0x15d: {  	v29 =	vld [tilespmem:s21+$0x2A90]  }
0x15e: {  	[tilespmem:$0x1FC10] =	vst v0;
	v0 =	vld [tilespmem:s21+$0x2A30]  }
0x15f: {  	v43 =	vld [tilespmem:s21+$0x120]  }
0x160: {  	v15 =	vmul.f32 v14, v4;
	v4 =	vld [tilespmem:$0x1FFC0]  }
0x161: {  	v5 =	vld [tilespmem:s21+$0x130]  }
0x162: {  	v9 =	vld [tilespmem:s21+$0x2930]  }
0x163: {  	v16 =	vld [tilespmem:s21+$0x290]  }
0x164: {  	v61 =	vadd.f32 v24, v26;
	v24 =	vld [tilespmem:$0x1FFE0]  }
0x165: {  	v14 =	vmul.f32 v58, v4;
	v4 =	vld [tilespmem:$0x1FFD0]  }
0x166: {  	v62 =	vld [tilespmem:s21+$0x2A10]  }
0x167: {  	v55 =	vld [tilespmem:s21+$0x2A80]  }
0x168: {  	v56 =	vld [tilespmem:s21+$0x200]  }
0x169: {  	v28 =	vld [tilespmem:s21+$0x210]  }
0x16a: {  	v24 =	vmul.f32 v24, v4;
	v4 =	vld [tilespmem:$0x1FFF0]  }
0x16b: {  	v29 =	vmul.f32 v29, v16;
	v42 =	vld [tilespmem:s21+$0x100];
	v19 =	vadd.f32 v19, v38  }
0x16c: {  	v39 =	vld [tilespmem:s21+$0x2920];
	v45 =	vmul.f32 v40, v57;
	v30 =	vmul.f32 v55, v30  }
0x16d: {  	(xrf2) =	vadd.scan.msk.f32 $0xffff, v44;
	v44 =	vmul.f32 v33, v56;
	v38 =	vld [tilespmem:s21+$0x2910];
	v58 =	vadd.f32 v27, v61;
	v61 =	vadd.f32 v31, v19  }
0x16e: {  	v30 =	vadd.f32 v29, v30;
	v26 =	vld [tilespmem:s21+$0x110];
	v27 =	vmul.f32 v46, v48;
	v46 =	vmul.f32 v62, v28  }
0x16f: {  	s22 =	simm.s32 $0x1;
	v19 =	vld [tilespmem:s21+$0x2980];
	v40 =	vadd.f32 v13, v58;
	v13 =	vadd.f32 v32, v61;
	v16 =	vmul.f32 v54, v4  }
.LBB2_3:
0x170: {  	_ = 	snop  }
0x171: {  	v30 =	vadd.f32 v45, v30;
	v44 =	vadd.f32 v46, v44;
	v20 =	vmul.f32 v50, v20  }
0x172: {  	v40 =	vadd.f32 v1, v40  }
0x173: {  	v27 =	vadd.f32 v27, v30;
	v1 =	vmul.f32 v0, v53;
	v20 =	vadd.f32 v20, v44;
	_ =	sdelay $0x1  }
0x174: {  	v24 =	vadd.f32 v24, v27;
	v4 =	vadd.f32 v1, v20  }
0x175: {  	v41 =	vmul.f32 v41, v42;
	v26 =	vmul.f32 v38, v26  }
0x176: {  	(xrf2) =	vadd.scan.msk.f32 $0xffff, v21;
	v20 =	vadd.f32 v22, v24;
	v16 =	vadd.f32 v16, v4;
	v4 =	vld [tilespmem:$0x1FBC0]  }
0x177: {  	v28, _, _ =	vpop (xrf2);
	(xrf2) =	vadd.scan.msk.f32 $0xffff, v18;
	v18 =	vadd.f32 v26, v41;
	v26 =	vmul.f32 v39, v43  }
0x178: {  	v48 =	vld [tilespmem:s21+$0x2990];
	v8 =	vadd.f32 v8, v20  }
0x179: {  	v21 =	vld [tilespmem:s21+$0x1A0];
	v5 =	vmul.f32 v9, v5;
	v18 =	vadd.f32 v26, v18  }
0x17a: {  	v8 =	vadd.f32 v3, v8;
	v3 =	vld [tilespmem:$0x1FA80]  }
0x17b: {  	v5 =	vadd.f32 v5, v18;
	v18 =	vmul.f32 v4, v60;
	v4 =	vld [tilespmem:$0x1FAB0]  }
0x17c: {  	v54 =	vld [tilespmem:s21+$0x29B0]  }
0x17d: {  	v30 =	vld [tilespmem:s21+$0x1B0];
	v23 =	vmul.f32 v47, v23;
	v37 =	vmul.f32 v49, v37  }
0x17e: {  	v50 =	vld [tilespmem:s21+$0x29A0]  }
0x17f: {  	v17 =	vmul.f32 v19, v17;
	v9 =	vld [tilespmem:s21+$0x29C0];
	v19 =	vmul.f32 v48, v25;
	v23 =	vadd.f32 v37, v23  }
0x180: {  	v25 =	vld [tilespmem:s21+$0x1C0];
	v15 =	vadd.f32 v15, v16;
	v5 =	vadd.f32 v18, v5;
	v18 =	vmul.f32 v4, v3  }
0x181: {  	v4 =	vld [tilespmem:$0x1F920]  }
0x182: {  	v12 =	vadd.f32 v12, v15;
	v15 =	vadd.f32 v18, v23;
	v18 =	vld [tilespmem:$0x1F930]  }
0x183: {  	v0, _, _ =	vpop (xrf2);
	(xrf2) =	vadd.scan.msk.f32 $0xffff, v13;
	v13 =	vadd.f32 v19, v17;
	v19 =	vld [tilespmem:s21+$0x1D0];
	v17 =	vmul.f32 v50, v21  }
0x184: {  	v21 =	vld [tilespmem:s21+$0x29D0]  }
0x185: {  	v13 =	vadd.f32 v17, v13;
	v17 =	vmul.f32 v54, v30;
	_ =	sdelay $0x1  }
0x186: {  	v9 =	vmul.f32 v9, v25;
	v22 =	vadd.f32 v17, v13;
	v18 =	vmul.f32 v18, v4  }
0x187: {  	v1, _, _ =	vpop (xrf2);
	(xrf2) =	vadd.scan.msk.f32 $0xffff, v40;
	v5 =	vadd.f32 v14, v5;
	v4 =	vld [tilespmem:$0x1F900]  }
0x188: {  	v3, _, _ =	vpop (xrf2);
	(xrf2) =	vadd.scan.msk.f32 $0xffff, v8;
	v8 =	vadd.f32 v9, v22;
	v9 =	vmul.f32 v21, v19;
	v19 =	vadd.f32 v18, v15;
	v15 =	vld [tilespmem:$0x1F910];
	_ =	sdelay $0x1  }
0x189: {  	v2 =	vadd.f32 v2, v12;
	v5 =	vadd.f32 v11, v5;
	_ =	sdelay $0x1  }
0x18a: {  	v13, _, _ =	vpop (xrf2);
	(xrf2) =	vadd.scan.msk.f32 $0xffff, v2;
	v2 =	vadd.f32 v7, v5;
	v7 =	vld [tilespmem:$0x1F8F0]  }
0x18b: {  	v15 =	vmul.f32 v15, v4;
	v4 =	vld [tilespmem:$0x1F8E0];
	_ =	sdelay $0x4  }
0x18c: {  	v7 =	vmul.f32 v7, v4;
	v4 =	vld [tilespmem:$0x1FDF0];
	_ =	sdelay $0x1  }
0x18d: {  	v20 =	vld [tilespmem:s21+$0x1E0]  }
0x18e: {  	v6 =	vadd.f32 v6, v10;
	v16 =	vld [tilespmem:s21+$0x29E0]  }
0x18f: {  	v12 =	vld [tilespmem:s21+$0x2B60]  }
0x190: {  	v6 =	vadd.f32 v4, v6;
	v4 =	vld [tilespmem:$0x1F8D0]  }
0x191: {  	v17 =	vld [tilespmem:s21+$0x1F0]  }
0x192: {  	v14 =	vld [tilespmem:s21+$0x29F0]  }
0x193: {  	v5 =	vadd.f32 v15, v19  }
0x194: {  	v8 =	vadd.f32 v9, v8  }
0x195: {  	v9 =	vmul.f32 v16, v20;
	v5 =	vadd.f32 v7, v5;
	v7 =	vmul.f32 v12, v4;
	v4 =	vld [tilespmem:$0x1FD60];
	_ =	sdelay $0x1  }
0x196: {  	v8 =	vadd.f32 v9, v8;
	v9 =	vmul.f32 v14, v17;
	_ =	sdelay $0x1  }
0x197: {  	v11, _, _ =	vpop (xrf2);
	(xrf2) =	vadd.scan.msk.f32 $0xffff, v2;
	v2 =	vadd.f32 v9, v8;
	v8 =	vld [tilespmem:$0x1F8C0]  }
0x198: {  	v15 =	vadd.f32 v34, v4;
	v4 =	vld [tilespmem:$0x1F8B0];
	_ =	sdelay $0x4  }
0x199: {  	v8 =	vmul.f32 v8, v4;
	v4 =	vld [tilespmem:$0x1FC10];
	_ =	sdelay $0x3  }
0x19a: {  	v10 =	vld [tilespmem:s21+$0x2CE0]  }
0x19b: {  	v15 =	vadd.f32 v4, v15;
	v4 =	vld [tilespmem:$0x1F8A0]  }
0x19c: {  	v16 =	vld [tilespmem:s21+$0x2B70]  }
0x19d: {  	v18 =	vld [tilespmem:s21+$0x370]  }
0x19e: {  	v6 =	vadd.f32 v36, v6;
	_ =	sdelay $0x1  }
0x19f: {  	v6 =	vadd.f32 v8, v6;
	v8 =	vmul.f32 v10, v4;
	v4 =	vld [tilespmem:$0x1FB70];
	_ =	sdelay $0x1  }
0x1a0: {  	v5 =	vadd.f32 v7, v5;
	v7 =	vmul.f32 v16, v18;
	_ =	sdelay $0x1  }
0x1a1: {  	v17, _, _ =	vpop (xrf2);
	(xrf2) =	vadd.scan.msk.f32 $0xffff, v2;
	v2 =	vadd.f32 v7, v5;
	v7 =	vld [tilespmem:$0x1F890]  }
0x1a2: {  	v18 =	vadd.f32 v35, v4;
	v4 =	vld [tilespmem:$0x1F880];
	_ =	sdelay $0x1  }
0x1a3: {  	v14 =	vld [tilespmem:s21+$0x4F0]  }
0x1a4: {  	v9 =	vld [tilespmem:s21+$0x2E60]  }
0x1a5: {  	v12 =	vld [tilespmem:s21+$0x2CF0]  }
0x1a6: {  	v7 =	vmul.f32 v7, v4;
	v4 =	vld [tilespmem:$0x1FA70]  }
0x1a7: {  	v16 =	vld [tilespmem:s21+$0x670]  }
0x1a8: {  	v5 =	vadd.f32 v59, v15;
	v15 =	vld [tilespmem:s21+$0x2FE0]  }
0x1a9: {  	v19, _, _ =	vpop (xrf2);
	v10 =	vld [tilespmem:s21+$0x2E70]  }
0x1aa: {  	v6 =	vadd.f32 v8, v6;
	v8 =	vmul.f32 v12, v14;
	v14 =	vld [tilespmem:s21+$0x7F0]  }
0x1ab: {  	v12 =	vadd.f32 v4, v18;
	v4 =	vld [tilespmem:$0x1F870];
	_ =	sdelay $0x4  }
0x1ac: {  	v5 =	vadd.f32 v7, v5;
	v7 =	vmul.f32 v9, v4;
	v4 =	vld [tilespmem:$0x1F9A0];
	_ =	sdelay $0x3  }
0x1ad: {  	(xrf2) =	vadd.scan.msk.f32 $0xffff, v2;
	v2 =	vadd.f32 v8, v6;
	v8 =	vld [tilespmem:$0x1F860]  }
0x1ae: {  	v18 =	vadd.f32 v4, v52;
	v4 =	vld [tilespmem:$0x1F850];
	_ =	sdelay $0x3  }
0x1af: {  	v5 =	vadd.f32 v7, v5;
	v7 =	vmul.f32 v10, v16;
	v10 =	vld [tilespmem:$0x1F830]  }
0x1b0: {  	v8 =	vmul.f32 v8, v4;
	v4 =	vld [tilespmem:$0x1F820];
	_ =	sdelay $0x4  }
0x1b1: {  	v10 =	vmul.f32 v10, v4;
	v4 =	vld [tilespmem:$0x1F840];
	_ =	sdelay $0x2  }
0x1b2: {  	v6 =	vadd.f32 v51, v12;
	_ =	sdelay $0x1  }
0x1b3: {  	v6 =	vadd.f32 v8, v6;
	v8 =	vmul.f32 v15, v4;
	v4 =	vld [tilespmem:$0x1F950];
	_ =	sdelay $0x3  }
0x1b4: {  	v9 =	vld [tilespmem:s21+$0x2FF0]  }
0x1b5: {  	v15 =	vadd.f32 v4, v18;
	v4 =	vld [tilespmem:$0x1F810]  }
0x1b6: {  	v12 =	vld [tilespmem:s21+$0x8E0]  }
0x1b7: {  	v16 =	vld [tilespmem:s21+$0x30E0]  }
0x1b8: {  	v20, _, _ =	vpop (xrf2);
	(xrf2) =	vadd.scan.msk.f32 $0xffff, v2;
	v2 =	vadd.f32 v7, v5;
	v7 =	vld [tilespmem:s21+$0x30F0]  }
0x1b9: {  	v6 =	vadd.f32 v8, v6;
	v18 =	vld [tilespmem:s21+$0x8F0]  }
0x1ba: {  	v5 =	vmul.f32 v4, v63;
	v4 =	vmul.f32 v9, v14;
	v9 =	vadd.f32 v10, v15  }
0x1bb: {  	v21, _, _ =	vpop (xrf2);
	(xrf2) =	vadd.scan.msk.f32 $0xffff, v2  }
0x1bc: {  	v8, _, _ =	vpop (xrf2);
	v2 =	vadd.f32 v4, v6;
	v5 =	vadd.f32 v5, v9;
	v6 =	vmul.f32 v16, v12  }
0x1bd: {  	v9 =	vbroadcast v21, $0xF;
	v4 =	vbroadcast v8, $0xF  }
0x1be: {  	v10 =	vbroadcast v20, $0xF;
	v5 =	vadd.f32 v6, v5;
	v6 =	vmul.f32 v7, v18;
	(xrf2) =	vadd.scan.msk.f32 $0xffff, v2  }
0x1bf: {  	v8, _, _ =	vpop (xrf2);
	v2 =	vsel vm0, v9, v4;
	v7 =	vbroadcast v19, $0xF  }
0x1c0: {  	v4 =	vbroadcast v8, $0xF;
	v2 =	vsel vm1, v2, v10;
	v5 =	vadd.f32 v6, v5  }
0x1c1: {  	v2 =	vsel vm2, v2, v7;
	v6 =	vbroadcast v17, $0xF  }
0x1c2: {  	v8, _, _ =	vpop (xrf2);
	v7 =	vbroadcast v11, $0xF;
	v2 =	vsel vm3, v2, v4;
	(xrf2) =	vadd.scan.msk.f32 $0xffff, v5  }
0x1c3: {  	v4 =	vbroadcast v8, $0xF;
	v2 =	vsel vm4, v2, v6  }
0x1c4: {  	v6 =	vbroadcast v13, $0xF;
	v2 =	vsel vm5, v2, v7  }
0x1c5: {  	v2 =	vsel vm6, v2, v4;
	v4 =	vbroadcast v3, $0xF;
	v5, _, _ =	vpop (xrf2)  }
0x1c6: {  	v2 =	vsel vm7, v2, v6;
	v5 =	vbroadcast v5, $0xF  }
0x1c7: {  	v1 =	vbroadcast v1, $0xF;
	v2 =	vsel vm8, v2, v4  }
0x1c8: {  	v0 =	vbroadcast v0, $0xF;
	v2 =	vsel vm9, v2, v5;
	v3, _, _ =	vpop (xrf2)  }
0x1c9: {  	v1 =	vsel vm10, v2, v1;
	v2 =	vbroadcast v3, $0xF  }
0x1ca: {  	v0 =	vsel vm11, v1, v0;
	v3 =	vbroadcast v28, $0xF  }
0x1cb: {  	v0 =	vsel vm12, v0, v2  }
0x1cc: {  	s31 =	sshll.u32 s20, $0x4;
	v0 =	vsel vm13, v0, v3;
	v1, _, _ =	vpop (xrf2)  }
0x1cd: {  	s23 =	sand.u32 $0x3FFFFFF0, s31;
	v0 =	vsel vm14, v0, v1  }
0x1ce: {  	s21 =	sshll.u32 s22, $0xB;
	[tilespmem:s23+$0x5100] =	vst v0  }
0x1cf: {  	v0 =	vld [tilespmem:s21+$0x8D0];
	_ =	sdelay $0x4  }
0x1d0: {  	[tilespmem:$0x1F7F0] =	vst v0;
	v0 =	vld [tilespmem:s21+$0x30D0];
	_ =	sdelay $0x4  }
0x1d1: {  	[tilespmem:$0x1F810] =	vst v0;
	v0 =	vld [tilespmem:s21+$0x8C0];
	_ =	sdelay $0x4  }
0x1d2: {  	[tilespmem:$0x1F820] =	vst v0;
	v0 =	vld [tilespmem:s21+$0x30C0];
	_ =	sdelay $0x4  }
0x1d3: {  	[tilespmem:$0x1F830] =	vst v0;
	v0 =	vld [tilespmem:s21+$0x7E0];
	_ =	sdelay $0x4  }
0x1d4: {  	[tilespmem:$0x1F840] =	vst v0;
	v0 =	vld [tilespmem:s21+$0x7D0];
	_ =	sdelay $0x4  }
0x1d5: {  	[tilespmem:$0x1F850] =	vst v0;
	v0 =	vld [tilespmem:s21+$0x2FD0];
	_ =	sdelay $0x4  }
0x1d6: {  	[tilespmem:$0x1F860] =	vst v0;
	v0 =	vld [tilespmem:s21+$0x30A0];
	_ =	sdelay $0x4  }
0x1d7: {  	[tilespmem:$0x1F170] =	vst v0;
	v0 =	vld [tilespmem:s21+$0x2EE0];
	_ =	sdelay $0x4  }
0x1d8: {  	[tilespmem:$0x1F180] =	vst v0;
	v0 =	vld [tilespmem:s21+$0x2F50];
	_ =	sdelay $0x4  }
0x1d9: {  	[tilespmem:$0x1F1B0] =	vst v0;
	v0 =	vld [tilespmem:s21+$0x7C0];
	_ =	sdelay $0x4  }
0x1da: {  	[tilespmem:$0x1F1C0] =	vst v0;
	v0 =	vld [tilespmem:s21+$0x2FC0];
	_ =	sdelay $0x4  }
0x1db: {  	[tilespmem:$0x1F1D0] =	vst v0;
	v0 =	vld [tilespmem:s21+$0x830];
	_ =	sdelay $0x4  }
0x1dc: {  	[tilespmem:$0x1F190] =	vst v0;
	v0 =	vld [tilespmem:s21+$0x3030];
	_ =	sdelay $0x4  }
0x1dd: {  	[tilespmem:$0x1F1A0] =	vst v0;
	v0 =	vld [tilespmem:s21+$0x880];
	_ =	sdelay $0x4  }
0x1de: {  	[tilespmem:$0x1F1E0] =	vst v0;
	v0 =	vld [tilespmem:s21+$0x3080];
	_ =	sdelay $0x4  }
0x1df: {  	[tilespmem:$0x1F1F0] =	vst v0;
	v0 =	vld [tilespmem:s21+$0x890];
	_ =	sdelay $0x4  }
0x1e0: {  	[tilespmem:$0x1F200] =	vst v0;
	v0 =	vld [tilespmem:s21+$0x3090];
	_ =	sdelay $0x4  }
0x1e1: {  	[tilespmem:$0x1F210] =	vst v0;
	v0 =	vld [tilespmem:s21+$0x5F0];
	_ =	sdelay $0x4  }
0x1e2: {  	[tilespmem:$0x1F220] =	vst v0;
	v0 =	vld [tilespmem:s21+$0x2DF0];
	_ =	sdelay $0x4  }
0x1e3: {  	[tilespmem:$0x1F230] =	vst v0;
	v0 =	vld [tilespmem:s21+$0x660];
	_ =	sdelay $0x4  }
0x1e4: {  	[tilespmem:$0x1F870] =	vst v0;
	v0 =	vld [tilespmem:s21+$0x6D0];
	_ =	sdelay $0x4  }
0x1e5: {  	[tilespmem:$0x1F240] =	vst v0;
	v0 =	vld [tilespmem:s21+$0x2ED0];
	_ =	sdelay $0x4  }
0x1e6: {  	[tilespmem:$0x1F250] =	vst v0;
	v0 =	vld [tilespmem:s21+$0x740];
	_ =	sdelay $0x4  }
0x1e7: {  	[tilespmem:$0x1F260] =	vst v0;
	v0 =	vld [tilespmem:s21+$0x2F40];
	_ =	sdelay $0x4  }
0x1e8: {  	[tilespmem:$0x1F270] =	vst v0;
	v0 =	vld [tilespmem:s21+$0x7B0];
	_ =	sdelay $0x4  }
0x1e9: {  	[tilespmem:$0x1F280] =	vst v0;
	v0 =	vld [tilespmem:s21+$0x2FB0];
	_ =	sdelay $0x4  }
0x1ea: {  	[tilespmem:$0x1F290] =	vst v0;
	v0 =	vld [tilespmem:s21+$0x570];
	_ =	sdelay $0x4  }
0x1eb: {  	[tilespmem:$0x1F2A0] =	vst v0;
	v0 =	vld [tilespmem:s21+$0x2D70];
	_ =	sdelay $0x4  }
0x1ec: {  	[tilespmem:$0x1F2B0] =	vst v0;
	v0 =	vld [tilespmem:s21+$0x5E0];
	_ =	sdelay $0x4  }
0x1ed: {  	[tilespmem:$0x1F2C0] =	vst v0;
	v0 =	vld [tilespmem:s21+$0x2DE0];
	_ =	sdelay $0x4  }
0x1ee: {  	[tilespmem:$0x1F2D0] =	vst v0;
	v0 =	vld [tilespmem:s21+$0x650];
	_ =	sdelay $0x4  }
0x1ef: {  	[tilespmem:$0x1F880] =	vst v0;
	v0 =	vld [tilespmem:s21+$0x2E50];
	_ =	sdelay $0x4  }
0x1f0: {  	[tilespmem:$0x1F890] =	vst v0;
	v0 =	vld [tilespmem:s21+$0x6C0];
	_ =	sdelay $0x4  }
0x1f1: {  	[tilespmem:$0x1F2E0] =	vst v0;
	v0 =	vld [tilespmem:s21+$0x2EC0];
	_ =	sdelay $0x4  }
0x1f2: {  	[tilespmem:$0x1F2F0] =	vst v0;
	v0 =	vld [tilespmem:s21+$0x730];
	_ =	sdelay $0x4  }
0x1f3: {  	[tilespmem:$0x1F300] =	vst v0;
	v0 =	vld [tilespmem:s21+$0x7A0];
	_ =	sdelay $0x4  }
0x1f4: {  	[tilespmem:$0x1F320] =	vst v0;
	v0 =	vld [tilespmem:s21+$0x2FA0];
	_ =	sdelay $0x4  }
0x1f5: {  	[tilespmem:$0x1F330] =	vst v0;
	v0 =	vld [tilespmem:s21+$0x560];
	_ =	sdelay $0x4  }
0x1f6: {  	[tilespmem:$0x1F340] =	vst v0;
	v0 =	vld [tilespmem:s21+$0x2D60];
	_ =	sdelay $0x4  }
0x1f7: {  	[tilespmem:$0x1F350] =	vst v0;
	v0 =	vld [tilespmem:s21+$0x5D0];
	_ =	sdelay $0x4  }
0x1f8: {  	[tilespmem:$0x1F3C0] =	vst v0;
	v0 =	vld [tilespmem:s21+$0x2DD0];
	_ =	sdelay $0x4  }
0x1f9: {  	[tilespmem:$0x1F3D0] =	vst v0;
	v0 =	vld [tilespmem:s21+$0x640];
	_ =	sdelay $0x4  }
0x1fa: {  	[tilespmem:$0x1F3E0] =	vst v0;
	v0 =	vld [tilespmem:s21+$0x2E40];
	_ =	sdelay $0x4  }
0x1fb: {  	[tilespmem:$0x1F3F0] =	vst v0;
	v0 =	vld [tilespmem:s21+$0x6B0];
	_ =	sdelay $0x4  }
0x1fc: {  	[tilespmem:$0x1F360] =	vst v0;
	v0 =	vld [tilespmem:s21+$0x2EB0];
	_ =	sdelay $0x4  }
0x1fd: {  	[tilespmem:$0x1F370] =	vst v0;
	v0 =	vld [tilespmem:s21+$0x720];
	_ =	sdelay $0x4  }
0x1fe: {  	[tilespmem:$0x1F310] =	vst v0;
	v0 =	vld [tilespmem:s21+$0x780];
	_ =	sdelay $0x4  }
0x1ff: {  	[tilespmem:$0x1F380] =	vst v0;
	v0 =	vld [tilespmem:s21+$0x2F80];
	_ =	sdelay $0x4  }
0x200: {  	[tilespmem:$0x1F390] =	vst v0;
	v0 =	vld [tilespmem:s21+$0x790];
	_ =	sdelay $0x4  }
0x201: {  	[tilespmem:$0x1F3A0] =	vst v0;
	v0 =	vld [tilespmem:s21+$0x2F90];
	_ =	sdelay $0x4  }
0x202: {  	[tilespmem:$0x1F3B0] =	vst v0;
	v0 =	vld [tilespmem:s21+$0x470];
	_ =	sdelay $0x4  }
0x203: {  	[tilespmem:$0x1F400] =	vst v0;
	v0 =	vld [tilespmem:s21+$0x2C70];
	_ =	sdelay $0x4  }
0x204: {  	[tilespmem:$0x1F410] =	vst v0;
	v0 =	vld [tilespmem:s21+$0x4E0];
	_ =	sdelay $0x4  }
0x205: {  	[tilespmem:$0x1F8A0] =	vst v0;
	v0 =	vld [tilespmem:s21+$0x550];
	_ =	sdelay $0x4  }
0x206: {  	[tilespmem:$0x1F420] =	vst v0;
	v0 =	vld [tilespmem:s21+$0x2D50];
	_ =	sdelay $0x4  }
0x207: {  	[tilespmem:$0x1F430] =	vst v0;
	v0 =	vld [tilespmem:s21+$0x5C0];
	_ =	sdelay $0x4  }
0x208: {  	[tilespmem:$0x1F440] =	vst v0;
	v0 =	vld [tilespmem:s21+$0x2DC0];
	_ =	sdelay $0x4  }
0x209: {  	[tilespmem:$0x1F450] =	vst v0;
	v0 =	vld [tilespmem:s21+$0x630];
	_ =	sdelay $0x4  }
0x20a: {  	[tilespmem:$0x1F480] =	vst v0;
	v0 =	vld [tilespmem:s21+$0x2E30];
	_ =	sdelay $0x4  }
0x20b: {  	[tilespmem:$0x1F490] =	vst v0;
	v0 =	vld [tilespmem:s21+$0x3F0];
	_ =	sdelay $0x4  }
0x20c: {  	[tilespmem:$0x1F460] =	vst v0;
	v0 =	vld [tilespmem:s21+$0x2BF0];
	_ =	sdelay $0x4  }
0x20d: {  	[tilespmem:$0x1F470] =	vst v0;
	v0 =	vld [tilespmem:s21+$0x460];
	_ =	sdelay $0x4  }
0x20e: {  	[tilespmem:$0x1F4A0] =	vst v0;
	v0 =	vld [tilespmem:s21+$0x2C60];
	_ =	sdelay $0x4  }
0x20f: {  	[tilespmem:$0x1F4B0] =	vst v0;
	v0 =	vld [tilespmem:s21+$0x4D0];
	_ =	sdelay $0x4  }
0x210: {  	[tilespmem:$0x1F8B0] =	vst v0;
	v0 =	vld [tilespmem:s21+$0x2CD0];
	_ =	sdelay $0x4  }
0x211: {  	[tilespmem:$0x1F8C0] =	vst v0;
	v0 =	vld [tilespmem:s21+$0x540];
	_ =	sdelay $0x4  }
0x212: {  	[tilespmem:$0x1F4C0] =	vst v0;
	v0 =	vld [tilespmem:s21+$0x2D40];
	_ =	sdelay $0x4  }
0x213: {  	[tilespmem:$0x1F4D0] =	vst v0;
	v0 =	vld [tilespmem:s21+$0x5B0];
	_ =	sdelay $0x4  }
0x214: {  	[tilespmem:$0x1F4E0] =	vst v0;
	v0 =	vld [tilespmem:s21+$0x2DB0];
	_ =	sdelay $0x4  }
0x215: {  	[tilespmem:$0x1F4F0] =	vst v0;
	v0 =	vld [tilespmem:s21+$0x620];
	_ =	sdelay $0x4  }
0x216: {  	[tilespmem:$0x1F500] =	vst v0;
	v0 =	vld [tilespmem:s21+$0x2E20];
	_ =	sdelay $0x4  }
0x217: {  	[tilespmem:$0x1F510] =	vst v0;
	v0 =	vld [tilespmem:s21+$0x3E0];
	_ =	sdelay $0x4  }
0x218: {  	[tilespmem:$0x1F520] =	vst v0;
	v0 =	vld [tilespmem:s21+$0x2BE0];
	_ =	sdelay $0x4  }
0x219: {  	[tilespmem:$0x1F530] =	vst v0;
	v0 =	vld [tilespmem:s21+$0x450];
	_ =	sdelay $0x4  }
0x21a: {  	[tilespmem:$0x1F580] =	vst v0;
	v0 =	vld [tilespmem:s21+$0x2C50];
	_ =	sdelay $0x4  }
0x21b: {  	[tilespmem:$0x1F590] =	vst v0;
	v0 =	vld [tilespmem:s21+$0x4C0];
	_ =	sdelay $0x4  }
0x21c: {  	[tilespmem:$0x1F5C0] =	vst v0;
	v0 =	vld [tilespmem:s21+$0x2CC0];
	_ =	sdelay $0x4  }
0x21d: {  	[tilespmem:$0x1F5D0] =	vst v0;
	v0 =	vld [tilespmem:s21+$0x530];
	_ =	sdelay $0x4  }
0x21e: {  	[tilespmem:$0x1F5A0] =	vst v0;
	v0 =	vld [tilespmem:s21+$0x2D30];
	_ =	sdelay $0x4  }
0x21f: {  	[tilespmem:$0x1F5B0] =	vst v0;
	v0 =	vld [tilespmem:s21+$0x600];
	_ =	sdelay $0x4  }
0x220: {  	[tilespmem:$0x1F540] =	vst v0;
	v0 =	vld [tilespmem:s21+$0x2E00];
	_ =	sdelay $0x4  }
0x221: {  	[tilespmem:$0x1F550] =	vst v0;
	v0 =	vld [tilespmem:s21+$0x610];
	_ =	sdelay $0x4  }
0x222: {  	[tilespmem:$0x1F560] =	vst v0;
	v0 =	vld [tilespmem:s21+$0x2E10];
	_ =	sdelay $0x4  }
0x223: {  	[tilespmem:$0x1F570] =	vst v0;
	v0 =	vld [tilespmem:s21+$0x2F0];
	_ =	sdelay $0x4  }
0x224: {  	[tilespmem:$0x1F5E0] =	vst v0;
	v0 =	vld [tilespmem:s21+$0x2AF0];
	_ =	sdelay $0x4  }
0x225: {  	[tilespmem:$0x1F5F0] =	vst v0;
	v0 =	vld [tilespmem:s21+$0x360];
	_ =	sdelay $0x4  }
0x226: {  	[tilespmem:$0x1F8D0] =	vst v0;
	v0 =	vld [tilespmem:s21+$0x3D0];
	_ =	sdelay $0x4  }
0x227: {  	[tilespmem:$0x1F600] =	vst v0;
	v0 =	vld [tilespmem:s21+$0x2BD0];
	_ =	sdelay $0x4  }
0x228: {  	[tilespmem:$0x1F610] =	vst v0;
	v0 =	vld [tilespmem:s21+$0x440];
	_ =	sdelay $0x4  }
0x229: {  	[tilespmem:$0x1F620] =	vst v0;
	v0 =	vld [tilespmem:s21+$0x2C40];
	_ =	sdelay $0x4  }
0x22a: {  	[tilespmem:$0x1F630] =	vst v0;
	v0 =	vld [tilespmem:s21+$0x4B0];
	_ =	sdelay $0x4  }
0x22b: {  	[tilespmem:$0x1F640] =	vst v0;
	v0 =	vld [tilespmem:s21+$0x2CB0];
	_ =	sdelay $0x4  }
0x22c: {  	[tilespmem:$0x1F650] =	vst v0;
	v0 =	vld [tilespmem:s21+$0x270];
	_ =	sdelay $0x4  }
0x22d: {  	[tilespmem:$0x1F660] =	vst v0;
	v0 =	vld [tilespmem:s21+$0x2E0];
	_ =	sdelay $0x4  }
0x22e: {  	[tilespmem:$0x1F670] =	vst v0;
	v0 =	vld [tilespmem:s21+$0x350];
	_ =	sdelay $0x4  }
0x22f: {  	[tilespmem:$0x1F8E0] =	vst v0;
	v0 =	vld [tilespmem:s21+$0x2B50];
	_ =	sdelay $0x4  }
0x230: {  	[tilespmem:$0x1F8F0] =	vst v0;
	v0 =	vld [tilespmem:s21+$0x3C0];
	_ =	sdelay $0x4  }
0x231: {  	[tilespmem:$0x1F680] =	vst v0;
	v0 =	vld [tilespmem:s21+$0x2BC0];
	_ =	sdelay $0x4  }
0x232: {  	[tilespmem:$0x1F690] =	vst v0;
	v0 =	vld [tilespmem:s21+$0x430];
	_ =	sdelay $0x4  }
0x233: {  	[tilespmem:$0x1F6A0] =	vst v0;
	v0 =	vld [tilespmem:s21+$0x2C30];
	_ =	sdelay $0x4  }
0x234: {  	[tilespmem:$0x1F6B0] =	vst v0;
	v0 =	vld [tilespmem:s21+$0x4A0];
	_ =	sdelay $0x4  }
0x235: {  	[tilespmem:$0x1F6C0] =	vst v0;
	v0 =	vld [tilespmem:s21+$0x2CA0];
	_ =	sdelay $0x4  }
0x236: {  	[tilespmem:$0x1F6D0] =	vst v0;
	v0 =	vld [tilespmem:s21+$0x170];
	_ =	sdelay $0x4  }
0x237: {  	[tilespmem:$0x1F710] =	vst v0;
	v0 =	vld [tilespmem:s21+$0x2970];
	_ =	sdelay $0x4  }
0x238: {  	[tilespmem:$0x1F720] =	vst v0;
	v0 =	vld [tilespmem:s21+$0x260];
	_ =	sdelay $0x4  }
0x239: {  	[tilespmem:$0x1F730] =	vst v0;
	v0 =	vld [tilespmem:s21+$0x2A60];
	_ =	sdelay $0x4  }
0x23a: {  	[tilespmem:$0x1F740] =	vst v0;
	v0 =	vld [tilespmem:s21+$0x2D0];
	_ =	sdelay $0x4  }
0x23b: {  	[tilespmem:$0x1F750] =	vst v0;
	v0 =	vld [tilespmem:s21+$0x2AD0];
	_ =	sdelay $0x4  }
0x23c: {  	[tilespmem:$0x1F760] =	vst v0;
	v0 =	vld [tilespmem:s21+$0x340];
	_ =	sdelay $0x4  }
0x23d: {  	[tilespmem:$0x1F900] =	vst v0;
	v0 =	vld [tilespmem:s21+$0x2B40];
	_ =	sdelay $0x4  }
0x23e: {  	[tilespmem:$0x1F910] =	vst v0;
	v0 =	vld [tilespmem:s21+$0x3B0];
	_ =	sdelay $0x4  }
0x23f: {  	[tilespmem:$0x1F6E0] =	vst v0;
	v0 =	vld [tilespmem:s21+$0x480];
	_ =	sdelay $0x4  }
0x240: {  	[tilespmem:$0x1F6F0] =	vst v0;
	v0 =	vld [tilespmem:s21+$0x2C80];
	_ =	sdelay $0x4  }
0x241: {  	[tilespmem:$0x1F700] =	vst v0;
	v0 =	vld [tilespmem:s21+$0x160];
	_ =	sdelay $0x4  }
0x242: {  	[tilespmem:$0x1F770] =	vst v0;
	v0 =	vld [tilespmem:s21+$0x2960];
	_ =	sdelay $0x4  }
0x243: {  	[tilespmem:$0x1F780] =	vst v0;
	v0 =	vld [tilespmem:s21+$0x250];
	_ =	sdelay $0x4  }
0x244: {  	[tilespmem:$0x1F790] =	vst v0;
	v0 =	vld [tilespmem:s21+$0x2A50];
	_ =	sdelay $0x4  }
0x245: {  	[tilespmem:$0x1F7A0] =	vst v0;
	v0 =	vld [tilespmem:s21+$0x2C0];
	_ =	sdelay $0x4  }
0x246: {  	[tilespmem:$0x1F7B0] =	vst v0;
	v0 =	vld [tilespmem:s21+$0x2AC0];
	_ =	sdelay $0x4  }
0x247: {  	[tilespmem:$0x1F7C0] =	vst v0;
	v0 =	vld [tilespmem:s21+$0x330];
	_ =	sdelay $0x2  }
0x248: {  	v7 =	vld [tilespmem:s21+$0x8B0]  }
0x249: {  	v9 =	vld [tilespmem:s21+$0x30B0]  }
0x24a: {  	[tilespmem:$0x1F920] =	vst v0;
	v0 =	vld [tilespmem:s21+$0x2B30];
	_ =	sdelay $0x3  }
0x24b: {  	v1 =	vld [tilespmem:s21+$0x870]  }
0x24c: {  	v2 =	vld [tilespmem:s21+$0x3070];
	[tilespmem:$0x1F930] =	vst v0;
	v0 =	vmul.f32 v9, v7  }
0x24d: {  	v57 =	vld [tilespmem:s21+$0x8A0]  }
0x24e: {  	[tilespmem:$0x1F950] =	vst v0;
	v0 =	vld [tilespmem:$0x1F170]  }
0x24f: {  	v6 =	vld [tilespmem:s21+$0x770]  }
0x250: {  	v8 =	vld [tilespmem:s21+$0x2F70]  }
0x251: {  	v60 =	vld [tilespmem:s21+$0x6E0]  }
0x252: {  	v45 =	vld [tilespmem:s21+$0x800]  }
0x253: {  	v14 =	vld [tilespmem:s21+$0x3000];
	v0 =	vmul.f32 v0, v57  }
0x254: {  	v48 =	vld [tilespmem:s21+$0x810]  }
0x255: {  	[tilespmem:$0x1F9A0] =	vst v0;
	v0 =	vld [tilespmem:$0x1F180]  }
0x256: {  	v63 =	vld [tilespmem:s21+$0x3010]  }
0x257: {  	v13 =	vld [tilespmem:s21+$0x820]  }
0x258: {  	v27 =	vld [tilespmem:s21+$0x3020]  }
0x259: {  	v40 =	vmul.f32 v2, v1;
	v1 =	vld [tilespmem:$0x1F1A0]  }
0x25a: {  	v12 =	vmul.f32 v8, v6;
	v8 =	vmul.f32 v0, v60;
	v0 =	vld [tilespmem:$0x1F190]  }
0x25b: {  	v14 =	vmul.f32 v14, v45;
	v55 =	vmul.f32 v63, v48;
	_ =	sdelay $0x1  }
0x25c: {  	v13 =	vmul.f32 v27, v13;
	v14 =	vadd.f32 v55, v14  }
0x25d: {  	v58 =	vld [tilespmem:s21+$0x750]  }
0x25e: {  	v13 =	vadd.f32 v13, v14;
	v14 =	vmul.f32 v1, v0;
	v0 =	vld [tilespmem:$0x1F1B0];
	_ =	sdelay $0x3  }
0x25f: {  	v1 =	vld [tilespmem:$0x1F1D0]  }
0x260: {  	v7 =	vmul.f32 v0, v58;
	v0 =	vld [tilespmem:$0x1F1C0];
	_ =	sdelay $0x4  }
0x261: {  	v0 =	vmul.f32 v1, v0  }
0x262: {  	v1 =	vld [tilespmem:$0x1F1F0]  }
0x263: {  	[tilespmem:$0x1F800] =	vst v0;
	v0 =	vld [tilespmem:$0x1F1E0];
	_ =	sdelay $0x2  }
0x264: {  	v4 =	vld [tilespmem:s21+$0x860]  }
0x265: {  	v5 =	vld [tilespmem:s21+$0x3060]  }
0x266: {  	v2 =	vmul.f32 v1, v0;
	v0 =	vld [tilespmem:$0x1F200]  }
0x267: {  	v1 =	vld [tilespmem:$0x1F210];
	_ =	sdelay $0x3  }
0x268: {  	v53 =	vmul.f32 v5, v4;
	v4 =	vld [tilespmem:$0x1F230]  }
0x269: {  	v1 =	vmul.f32 v1, v0;
	v0 =	vld [tilespmem:$0x1F220];
	_ =	sdelay $0x4  }
0x26a: {  	v58 =	vmul.f32 v4, v0;
	v0 =	vld [tilespmem:$0x1F240]  }
0x26b: {  	v4 =	vld [tilespmem:$0x1F250];
	_ =	sdelay $0x4  }
0x26c: {  	v6 =	vmul.f32 v4, v0;
	v0 =	vld [tilespmem:s21+$0x240];
	_ =	sdelay $0x3  }
0x26d: {  	v4 =	vld [tilespmem:$0x1F270]  }
0x26e: {  	[tilespmem:$0x1F7D0] =	vst v0;
	v0 =	vld [tilespmem:$0x1F260];
	_ =	sdelay $0x4  }
0x26f: {  	v5 =	vmul.f32 v4, v0;
	v0 =	vld [tilespmem:$0x1F280]  }
0x270: {  	v4 =	vld [tilespmem:$0x1F290];
	_ =	sdelay $0x2  }
0x271: {  	v10 =	vld [tilespmem:s21+$0x850]  }
0x272: {  	v19 =	vld [tilespmem:s21+$0x3050]  }
0x273: {  	v0 =	vmul.f32 v4, v0;
	v4 =	vld [tilespmem:s21+$0x2A40];
	_ =	sdelay $0x1  }
0x274: {  	v54 =	vld [tilespmem:s21+$0x840]  }
0x275: {  	v56 =	vld [tilespmem:s21+$0x3040]  }
0x276: {  	v30 =	vmul.f32 v19, v10;
	v10 =	vld [tilespmem:$0x1F2B0]  }
0x277: {  	[tilespmem:$0x1F7E0] =	vst v4;
	v4 =	vld [tilespmem:$0x1F2A0];
	_ =	sdelay $0x1  }
0x278: {  	v11 =	vld [tilespmem:s21+$0x6F0]  }
0x279: {  	v44 =	vld [tilespmem:s21+$0x2EF0]  }
0x27a: {  	v38 =	vld [tilespmem:s21+$0x760]  }
0x27b: {  	v27 =	vmul.f32 v56, v54;
	v56 =	vmul.f32 v10, v4;
	v4 =	vld [tilespmem:$0x1F2C0]  }
0x27c: {  	v10 =	vld [tilespmem:$0x1F2D0]  }
0x27d: {  	v52 =	vld [tilespmem:s21+$0x2F60]  }
0x27e: {  	v3 =	vld [tilespmem:s21+$0x2F30];
	v13 =	vadd.f32 v14, v13  }
0x27f: {  	v36 =	vld [tilespmem:s21+$0x2F20]  }
0x280: {  	[tilespmem:$0x1FA70] =	vst v0;
	v0 =	vadd.f32 v27, v13;
	v13 =	vld [tilespmem:$0x1F2F0]  }
0x281: {  	v10 =	vmul.f32 v10, v4;
	v4 =	vld [tilespmem:$0x1F2E0]  }
0x282: {  	v62 =	vld [tilespmem:s21+$0x6A0]  }
0x283: {  	v31 =	vld [tilespmem:s21+$0x2EA0]  }
0x284: {  	v61 =	vld [tilespmem:s21+$0x700]  }
0x285: {  	v33 =	vld [tilespmem:s21+$0x2F00]  }
0x286: {  	v4 =	vmul.f32 v13, v4;
	v13 =	vld [tilespmem:$0x1F300]  }
0x287: {  	v29 =	vld [tilespmem:s21+$0x710]  }
0x288: {  	v28 =	vld [tilespmem:s21+$0x2F10]  }
0x289: {  	v23 =	vld [tilespmem:s21+$0x680]  }
0x28a: {  	v22 =	vld [tilespmem:s21+$0x2E80]  }
0x28b: {  	v3 =	vmul.f32 v3, v13;
	v13 =	vld [tilespmem:s21+$0x2B20]  }
0x28c: {  	v21 =	vld [tilespmem:s21+$0x690]  }
0x28d: {  	v15 =	vld [tilespmem:s21+$0x2E90]  }
0x28e: {  	v59 =	vld [tilespmem:s21+$0x5A0]  }
0x28f: {  	v48 =	vadd.f32 v1, v2;
	v1 =	vld [tilespmem:s21+$0x320]  }
0x290: {  	[tilespmem:$0x1FAB0] =	vst v13;
	v13 =	vld [tilespmem:$0x1F310]  }
0x291: {  	v32 =	vld [tilespmem:s21+$0x2DA0]  }
0x292: {  	v34 =	vld [tilespmem:s21+$0x520]  }
0x293: {  	v50 =	vld [tilespmem:s21+$0x2D20]  }
0x294: {  	v2 =	vmul.f32 v15, v21;
	v15 =	vld [tilespmem:$0x1F330]  }
0x295: {  	[tilespmem:$0x1FA80] =	vst v1;
	v1 =	vmul.f32 v22, v23;
	v22 =	vmul.f32 v36, v13;
	v13 =	vld [tilespmem:$0x1F320]  }
0x296: {  	v20 =	vld [tilespmem:s21+$0x580];
	v0 =	vadd.f32 v30, v0  }
0x297: {  	v51 =	vld [tilespmem:s21+$0x2D80]  }
0x298: {  	v47 =	vld [tilespmem:s21+$0x590];
	v0 =	vadd.f32 v53, v0  }
0x299: {  	v18 =	vld [tilespmem:s21+$0x2D90]  }
0x29a: {  	v27 =	vmul.f32 v15, v13;
	v15 =	vadd.f32 v40, v0;
	v0 =	vld [tilespmem:$0x1F340]  }
0x29b: {  	v13 =	vld [tilespmem:$0x1F350]  }
0x29c: {  	v43 =	vld [tilespmem:s21+$0x2A70]  }
0x29d: {  	v35 =	vld [tilespmem:s21+$0x2AE0]  }
0x29e: {  	v17 =	vld [tilespmem:s21+$0x500]  }
0x29f: {  	v49 =	vld [tilespmem:s21+$0x2D00]  }
0x2a0: {  	v28 =	vmul.f32 v28, v29;
	v29 =	vmul.f32 v13, v0;
	v0 =	vld [tilespmem:$0x1F360]  }
0x2a1: {  	v13 =	vld [tilespmem:$0x1F370]  }
0x2a2: {  	v37 =	vld [tilespmem:s21+$0x510]  }
0x2a3: {  	v16 =	vld [tilespmem:s21+$0x2D10];
	v1 =	vadd.f32 v2, v1;
	v2 =	vmul.f32 v31, v62  }
0x2a4: {  	v46 =	vld [tilespmem:s21+$0x2BB0]  }
0x2a5: {  	v33 =	vmul.f32 v33, v61;
	v1 =	vadd.f32 v2, v1;
	v2 =	vld [tilespmem:$0x1F380]  }
0x2a6: {  	v0 =	vmul.f32 v13, v0;
	v13 =	vld [tilespmem:$0x1F390]  }
0x2a7: {  	v39 =	vld [tilespmem:s21+$0x420];
	v21 =	vadd.f32 v28, v33  }
0x2a8: {  	v26 =	vld [tilespmem:s21+$0x2C20]  }
0x2a9: {  	v42 =	vld [tilespmem:s21+$0x490];
	v21 =	vadd.f32 v22, v21  }
0x2aa: {  	v23 =	vld [tilespmem:$0x1F3B0]  }
0x2ab: {  	v3 =	vadd.f32 v3, v21;
	v2 =	vmul.f32 v13, v2;
	v13 =	vld [tilespmem:$0x1F3A0]  }
0x2ac: {  	v41 =	vld [tilespmem:s21+$0x2C90]  }
0x2ad: {  	v25 =	vld [tilespmem:s21+$0x3A0];
	v18 =	vmul.f32 v18, v47;
	v3 =	vadd.f32 v5, v3;
	v5 =	vmul.f32 v51, v20  }
0x2ae: {  	v24 =	vld [tilespmem:s21+$0x2BA0]  }
0x2af: {  	v31 =	vld [tilespmem:$0x1F3D0];
	v3 =	vadd.f32 v7, v3;
	v5 =	vadd.f32 v18, v5;
	v7 =	vmul.f32 v32, v59  }
0x2b0: {  	v23 =	vmul.f32 v23, v13;
	v13 =	vld [tilespmem:$0x1F3C0]  }
0x2b1: {  	v19 =	vld [tilespmem:s21+$0x400];
	v9 =	vmul.f32 v52, v38;
	v5 =	vadd.f32 v7, v5  }
0x2b2: {  	v7 =	vld [tilespmem:$0x1F4E0];
	v0 =	vadd.f32 v0, v1;
	v1 =	vadd.f32 v23, v2  }
0x2b3: {  	v3 =	vadd.f32 v9, v3;
	v9 =	vld [tilespmem:$0x1F4F0]  }
0x2b4: {  	[tilespmem:$0x1FB70] =	vst v1;
	v1 =	vld [tilespmem:s21+$0x2940]  }
0x2b5: {  	v33 =	vmul.f32 v31, v13;
	v13 =	vld [tilespmem:$0x1F3E0]  }
0x2b6: {  	v31 =	vld [tilespmem:$0x1F3F0]  }
0x2b7: {  	v54 =	vld [tilespmem:s21+$0x2C10]  }
0x2b8: {  	v21 =	vld [tilespmem:$0x1F400]  }
0x2b9: {  	v4 =	vadd.f32 v4, v0;
	v2 =	vld [tilespmem:$0x1F430]  }
0x2ba: {  	v7 =	vmul.f32 v9, v7;
	[tilespmem:$0x1FBC0] =	vst v1;
	v1 =	vld [tilespmem:$0x1F420]  }
0x2bb: {  	v11 =	vmul.f32 v44, v11;
	v4 =	vadd.f32 v6, v4;
	v44 =	vmul.f32 v31, v13;
	v31 =	vld [tilespmem:$0x1F410]  }
0x2bc: {  	v9 =	vmul.f32 v49, v17;
	v17 =	vadd.f32 v12, v3;
	v3 =	vadd.f32 v7, v5;
	v5 =	vld [tilespmem:$0x1F510]  }
0x2bd: {  	v8 =	vadd.f32 v8, v4;
	v4 =	vld [tilespmem:$0x1F500]  }
0x2be: {  	v45 =	vld [tilespmem:s21+$0x2B0]  }
0x2bf: {  	v7 =	vld [tilespmem:$0x1F530]  }
0x2c0: {  	v62 =	vmul.f32 v31, v21;
	v31 =	vmul.f32 v2, v1;
	v1 =	vld [tilespmem:$0x1F440]  }
0x2c1: {  	v2 =	vld [tilespmem:$0x1F450]  }
0x2c2: {  	v60 =	vmul.f32 v5, v4;
	v5 =	vld [tilespmem:$0x1F520]  }
0x2c3: {  	v18 =	vld [tilespmem:$0x1F4B0]  }
0x2c4: {  	v6 =	vld [tilespmem:$0x1F4A0]  }
0x2c5: {  	v61 =	vld [tilespmem:s21+$0x2B90];
	v16 =	vmul.f32 v16, v37  }
0x2c6: {  	v12 =	vld [tilespmem:$0x1F580];
	v2 =	vmul.f32 v2, v1  }
0x2c7: {  	v59 =	vmul.f32 v7, v5;
	v7 =	vadd.f32 v16, v9;
	v9 =	vld [tilespmem:$0x1F550]  }
0x2c8: {  	v2 =	vadd.f32 v2, v3;
	v3 =	vld [tilespmem:$0x1F540]  }
0x2c9: {  	v63 =	vmul.f32 v18, v6;
	v6 =	vld [tilespmem:$0x1F4C0]  }
0x2ca: {  	v16 =	vld [tilespmem:$0x1F590]  }
0x2cb: {  	v18 =	vld [tilespmem:$0x1F4D0]  }
0x2cc: {  	v4 =	vadd.f32 v11, v8;
	v8 =	vmul.f32 v50, v34;
	v11 =	vld [tilespmem:$0x1F570]  }
0x2cd: {  	v3 =	vmul.f32 v9, v3;
	v9 =	vld [tilespmem:$0x1F560]  }
0x2ce: {  	v7 =	vadd.f32 v8, v7;
	v8 =	vld [tilespmem:$0x1F5A0]  }
0x2cf: {  	v16 =	vmul.f32 v16, v12;
	v12 =	vld [tilespmem:$0x1F5B0]  }
0x2d0: {  	v47 =	vld [tilespmem:s21+$0x2B00]  }
0x2d1: {  	v37 =	vld [tilespmem:s21+$0x310]  }
0x2d2: {  	v55 =	vld [tilespmem:s21+$0x2C00];
	v11 =	vmul.f32 v11, v9  }
0x2d3: {  	v6 =	vmul.f32 v18, v6;
	v18 =	vld [tilespmem:$0x1F5D0]  }
0x2d4: {  	v8 =	vmul.f32 v12, v8;
	v12 =	vld [tilespmem:$0x1F5C0];
	v3 =	vadd.f32 v11, v3  }
0x2d5: {  	v11 =	vld [tilespmem:$0x1F5F0]  }
0x2d6: {  	[tilespmem:$0x1FD60] =	vst v3;
	v3 =	vld [tilespmem:$0x1F5E0]  }
0x2d7: {  	v38 =	vld [tilespmem:s21+$0x150]  }
0x2d8: {  	v52 =	vld [tilespmem:s21+$0x2B80]  }
0x2d9: {  	v57 =	vld [tilespmem:s21+$0x410]  }
0x2da: {  	v36 =	vmul.f32 v18, v12;
	v12 =	vld [tilespmem:$0x1F610]  }
0x2db: {  	v3 =	vmul.f32 v11, v3;
	v11 =	vld [tilespmem:$0x1F600]  }
0x2dc: {  	v14 =	vld [tilespmem:s21+$0x2950]  }
0x2dd: {  	v28 =	vld [tilespmem:s21+$0x380]  }
0x2de: {  	v20 =	vld [tilespmem:$0x1F470]  }
0x2df: {  	v7 =	vadd.f32 v8, v7;
	v8 =	vld [tilespmem:$0x1F620]  }
0x2e0: {  	v2 =	vadd.f32 v33, v2;
	v33 =	vmul.f32 v12, v11;
	v11 =	vld [tilespmem:$0x1F630]  }
0x2e1: {  	v1 =	vld [tilespmem:$0x1F460]  }
0x2e2: {  	v22 =	vld [tilespmem:s21+$0x390]  }
0x2e3: {  	v21 =	vld [tilespmem:$0x1F490]  }
0x2e4: {  	v12 =	vld [tilespmem:$0x1F650]  }
0x2e5: {  	v11 =	vmul.f32 v11, v8;
	v8 =	vld [tilespmem:$0x1F640]  }
0x2e6: {  	v1 =	vmul.f32 v20, v1;
	v20 =	vld [tilespmem:$0x1F480]  }
0x2e7: {  	v6 =	vadd.f32 v6, v7;
	v7 =	vmul.f32 v55, v19;
	v19 =	vld [tilespmem:$0x1F680]  }
0x2e8: {  	v18 =	vmul.f32 v61, v22;
	v22 =	vld [tilespmem:$0x1F690]  }
0x2e9: {  	v14 =	vmul.f32 v14, v38;
	v38 =	vld [tilespmem:s21+$0x2910]  }
0x2ea: {  	v30 =	vld [tilespmem:s21+$0x2AB0];
	v10 =	vadd.f32 v10, v2;
	v8 =	vmul.f32 v12, v8;
	v12 =	vmul.f32 v54, v57  }
0x2eb: {  	v53 =	vld [tilespmem:s21+$0x230];
	v6 =	vadd.f32 v31, v6;
	v20 =	vmul.f32 v21, v20  }
0x2ec: {  	v40 =	vld [tilespmem:s21+$0x2A0];
	v21 =	vadd.f32 v58, v10;
	v7 =	vadd.f32 v12, v7;
	v12 =	vmul.f32 v26, v39  }
0x2ed: {  	v10 =	vmul.f32 v52, v28;
	v28 =	vmul.f32 v22, v19;
	v19 =	vadd.f32 v29, v6;
	v6 =	vld [tilespmem:$0x1F6A0]  }
0x2ee: {  	v7 =	vadd.f32 v12, v7;
	v12 =	vld [tilespmem:$0x1F6B0]  }
0x2ef: {  	v51 =	vld [tilespmem:s21+$0x2AA0]  }
0x2f0: {  	(xrf2) =	vadd.scan.msk.f32 $0xffff, v15;
	v15 =	vld [tilespmem:$0x1F740]  }
0x2f1: {  	v32 =	vld [tilespmem:s21+$0x280]  }
0x2f2: {  	v22 =	vld [tilespmem:$0x1F6D0];
	v10 =	vadd.f32 v18, v10;
	v18 =	vmul.f32 v24, v25  }
0x2f3: {  	v12 =	vmul.f32 v12, v6;
	v6 =	vld [tilespmem:$0x1F6C0]  }
0x2f4: {  	v10 =	vadd.f32 v18, v10;
	v18 =	vld [tilespmem:$0x1F6E0]  }
0x2f5: {  	v49 =	vld [tilespmem:s21+$0x2B10]  }
0x2f6: {  	(xrf2) =	vadd.scan.msk.f32 $0xffff, v17;
	v17 =	vld [tilespmem:$0x1F7B0]  }
0x2f7: {  	v0 =	vld [tilespmem:s21+$0x2A30]  }
0x2f8: {  	v23 =	vld [tilespmem:s21+$0x300];
	v6 =	vmul.f32 v22, v6  }
0x2f9: {  	v22 =	vmul.f32 v46, v18;
	v18 =	vadd.f32 v56, v19;
	v19 =	vadd.f32 v12, v7;
	v7 =	vld [tilespmem:$0x1F6F0]  }
0x2fa: {  	v12 =	vld [tilespmem:$0x1F700]  }
0x2fb: {  	v50 =	vld [tilespmem:s21+$0x2A20]  }
0x2fc: {  	v34 =	vld [tilespmem:s21+$0x2A80]  }
0x2fd: {  	v5 =	vld [tilespmem:s21+$0x130]  }
0x2fe: {  	v13 =	vld [tilespmem:s21+$0x140]  }
0x2ff: {  	v24 =	vmul.f32 v12, v7;
	v7 =	vld [tilespmem:$0x1F710]  }
0x300: {  	v12 =	vld [tilespmem:$0x1F720]  }
0x301: {  	v2 =	vld [tilespmem:$0x1F660]  }
0x302: {  	v31 =	vld [tilespmem:s21+$0x2A00]  }
0x303: {  	v29 =	vld [tilespmem:s21+$0x200]  }
0x304: {  	v52 =	vld [tilespmem:s21+$0x2A10]  }
0x305: {  	v7 =	vmul.f32 v12, v7;
	v12 =	vld [tilespmem:$0x1F730]  }
0x306: {  	v2 =	vmul.f32 v43, v2;
	v43 =	vld [tilespmem:s21+$0x120]  }
0x307: {  	v9 =	vld [tilespmem:s21+$0x2930]  }
0x308: {  	[tilespmem:$0x1FDF0] =	vst v8;
	v8 =	vld [tilespmem:$0x1F670]  }
0x309: {  	v26 =	vadd.f32 v22, v10;
	v10 =	vld [tilespmem:$0x1F750]  }
0x30a: {  	v12 =	vmul.f32 v15, v12;
	v15 =	vld [tilespmem:$0x1F760]  }
0x30b: {  	[tilespmem:$0x1FC10] =	vst v20;
	v20 =	vld [tilespmem:s21+$0x220]  }
0x30c: {  	v57 =	vld [tilespmem:s21+$0x2A90]  }
0x30d: {  	v8 =	vmul.f32 v35, v8;
	v35 =	vld [tilespmem:s21+$0x290]  }
0x30e: {  	v19 =	vadd.f32 v11, v19;
	v11 =	vld [tilespmem:$0x1F770]  }
0x30f: {  	v22 =	vmul.f32 v15, v10;
	v15 =	vld [tilespmem:$0x1F780]  }
0x310: {  	v25 =	vmul.f32 v41, v42;
	v41 =	vld [tilespmem:s21+$0x2900]  }
0x311: {  	v42 =	vld [tilespmem:s21+$0x100]  }
0x312: {  	v39 =	vld [tilespmem:s21+$0x2920]  }
0x313: {  	v10 =	vadd.f32 v25, v24;
	v24 =	vld [tilespmem:$0x1F7A0]  }
0x314: {  	v58 =	vmul.f32 v57, v35;
	v11 =	vmul.f32 v15, v11;
	v15 =	vld [tilespmem:$0x1F790]  }
0x315: {  	v35 =	vmov v27;
	v27 =	vmul.f32 v30, v45;
	v45 =	vmul.f32 v51, v40;
	v51 =	vld [tilespmem:$0x1F800]  }
0x316: {  	v19 =	vadd.f32 v16, v19;
	v16 =	vld [tilespmem:$0x1F7E0]  }
0x317: {  	v25 =	vadd.f32 v28, v26;
	v28 =	vmul.f32 v34, v32;
	v34 =	vmovc v60;
	v60 =	vmov v13;
	v13 =	vld [tilespmem:$0x1F7D0]  }
0x318: {  	v46 =	vld [tilespmem:s21+$0x210]  }
0x319: {  	p0 =	sne.s32 s22, $0x4;
	v25 =	vadd.f32 v33, v25;
	v15 =	vmul.f32 v24, v15;
	v24 =	vld [tilespmem:$0x1F7C0]  }
.Ltmp0:
0x31a: {  	v26 =	vld [tilespmem:s21+$0x110];
	(pc) =	sbr.rel @p0 .LBB2_3-.Ltmp0, $4  }
0x31b: {  	v40 =	vadd.f32 v59, v25;
	v25 =	vld [tilespmem:s21+$0x190]  }
0x31c: {  	v16 =	vmul.f32 v16, v13;
	v13 =	vadd.f32 v63, v19;
	v63 =	vld [tilespmem:$0x1F7F0]  }
0x31d: {  	(xrf2) =	vadd.scan.msk.f32 $0xffff, v4;
	v46 =	vmul.f32 v52, v46;
	v52 =	vmov v48;
	v30 =	vadd.f32 v58, v28;
	v19 =	vld [tilespmem:s21+$0x2980]  }
0x31e: {  	s20 =	smov.u32 s22;
	s22 =	sadd.s32 $0x1, s22;
	v59 =	vmovc v44;
	v44 =	vmul.f32 v31, v29;
	v13 =	vadd.f32 v62, v13;
	v24 =	vmul.f32 v24, v17;
	v17 =	vld [tilespmem:s21+$0x180]  }
0x31f: {  	v28 =	vld [tilespmem:s21+$0x2990]  }
0x320: {  	v31 =	vld [tilespmem:s21+$0x1A0]  }
0x321: {  	v1 =	vadd.f32 v1, v40;
	v40 =	vld [tilespmem:s21+$0x29A0]  }
0x322: {  	v32 =	vmul.f32 v41, v42;
	v41 =	vld [tilespmem:s21+$0x1B0]  }
0x323: {  	v42 =	vmul.f32 v39, v43;
	v43 =	vld [tilespmem:s21+$0x29B0]  }
0x324: {  	v4 =	vadd.f32 v45, v30;
	v45 =	vld [tilespmem:s21+$0x1C0]  }
0x325: {  	v23 =	vmul.f32 v47, v23;
	v47 =	vld [tilespmem:s21+$0x29C0]  }
0x326: {  	v37 =	vmul.f32 v49, v37;
	v49 =	vld [tilespmem:s21+$0x1D0]  }
0x327: {  	v20 =	vmul.f32 v50, v20;
	v50 =	vld [tilespmem:$0x1FBC0]  }
0x328: {  	v0 =	vmul.f32 v0, v53;
	v53 =	vld [tilespmem:s21+$0x29D0]  }
0x329: {  	v55 =	vld [tilespmem:s21+$0x1E0]  }
0x32a: {  	v56 =	vld [tilespmem:$0x1FA80]  }
0x32b: {  	v57 =	vld [tilespmem:$0x1FAB0]  }
0x32c: {  	v58 =	vld [tilespmem:s21+$0x29E0]  }
0x32d: {  	v61 =	vld [tilespmem:$0x1F920]  }
0x32e: {  	v62 =	vld [tilespmem:$0x1F930]  }
0x32f: {  	v30 =	vld [tilespmem:$0x1F8E0]  }
0x330: {  	v26 =	vmul.f32 v38, v26;
	v38 =	vld [tilespmem:$0x1FDF0]  }
0x331: {  	v39 =	vld [tilespmem:s21+$0x4F0]  }
0x332: {  	(xrf2) =	vadd.scan.msk.f32 $0xffff, v21;
	v21 =	vld [tilespmem:$0x1FA70]  }
0x333: {  	v29 =	vadd.f32 v46, v44;
	v4 =	vadd.f32 v27, v4;
	v27 =	vld [tilespmem:s21+$0x370]  }
0x334: {  	v26 =	vadd.f32 v26, v32;
	v32 =	vld [tilespmem:s21+$0x2CE0]  }
0x335: {  	v20 =	vadd.f32 v20, v29;
	v29 =	vld [tilespmem:s21+$0x2B70]  }
0x336: {  	v4 =	vadd.f32 v24, v4;
	v24 =	vld [tilespmem:s21+$0x2B60]  }
0x337: {  	v46 =	vadd.f32 v42, v26;
	v26 =	vld [tilespmem:$0x1F910]  }
0x338: {  	v42 =	vld [tilespmem:$0x1FD60]  }
0x339: {  	v44 =	vmul.f32 v28, v25;
	v25 =	vld [tilespmem:$0x1F900]  }
0x33a: {  	v48 =	vmul.f32 v40, v31;
	v31 =	vld [tilespmem:$0x1F8F0]  }
0x33b: {  	v54 =	vmul.f32 v43, v41;
	v41 =	vld [tilespmem:$0x1F8D0]  }
0x33c: {  	v43 =	vld [tilespmem:s21+$0x2CF0]  }
0x33d: {  	v5 =	vmul.f32 v9, v5;
	v9 =	vmul.f32 v47, v45;
	v47 =	vld [tilespmem:$0x1F8C0];
	v4 =	vadd.f32 v22, v4  }
0x33e: {  	v6 =	vadd.f32 v6, v10;
	v23 =	vadd.f32 v37, v23;
	v28 =	vmul.f32 v58, v55;
	v55 =	vld [tilespmem:$0x1FB70]  }
0x33f: {  	v58 =	vld [tilespmem:$0x1F880];
	v5 =	vadd.f32 v5, v46;
	v22 =	vmul.f32 v50, v60;
	v4 =	vadd.f32 v8, v4  }
0x340: {  	v17 =	vmul.f32 v19, v17;
	v0 =	vadd.f32 v0, v20;
	v6 =	vadd.f32 v38, v6;
	v60 =	vld [tilespmem:s21+$0x1F0]  }
0x341: {  	v46 =	vld [tilespmem:$0x1F8B0];
	v5 =	vadd.f32 v22, v5;
	v3 =	vadd.f32 v3, v4;
	v4 =	vmul.f32 v57, v56  }
0x342: {  	v50 =	vld [tilespmem:$0x1FC10];
	v17 =	vadd.f32 v44, v17;
	v45 =	vadd.f32 v36, v6  }
0x343: {  	v36 =	vld [tilespmem:$0x1F840];
	v5 =	vadd.f32 v14, v5;
	v14 =	vmul.f32 v62, v61;
	v4 =	vadd.f32 v4, v23  }
0x344: {  	v0 =	vadd.f32 v16, v0;
	v8 =	vmul.f32 v53, v49;
	v53 =	vld [tilespmem:s21+$0x670];
	v17 =	vadd.f32 v48, v17  }
0x345: {  	v22 =	vld [tilespmem:s21+$0x7F0];
	v5 =	vadd.f32 v11, v5;
	v11 =	vmul.f32 v26, v25;
	v4 =	vadd.f32 v14, v4  }
0x346: {  	v49 =	vmul.f32 v29, v27;
	v29 =	vld [tilespmem:$0x1F850];
	v0 =	vadd.f32 v15, v0;
	v17 =	vadd.f32 v54, v17  }
0x347: {  	v48 =	vld [tilespmem:s21+$0x2E60];
	v5 =	vadd.f32 v7, v5;
	v7 =	vmul.f32 v31, v30;
	v4 =	vadd.f32 v11, v4  }
0x348: {  	v0 =	vadd.f32 v12, v0;
	v23 =	vld [tilespmem:s21+$0x29F0];
	v9 =	vadd.f32 v9, v17  }
0x349: {  	v56 =	vld [tilespmem:s21+$0x2E70];
	v40 =	vadd.f32 v7, v4;
	v4 =	vadd.f32 v34, v42  }
0x34a: {  	v54 =	vld [tilespmem:$0x1F8A0];
	v0 =	vadd.f32 v2, v0  }
0x34b: {  	(xrf2) =	vadd.scan.msk.f32 $0xffff, v18;
	v2 =	vmul.f32 v24, v41;
	v24 =	vld [tilespmem:$0x1F9A0];
	v8 =	vadd.f32 v8, v9;
	v4 =	vadd.f32 v50, v4  }
0x34c: {  	(xrf2) =	vadd.scan.msk.f32 $0xffff, v13;
	v30 =	vld [tilespmem:$0x1F860]  }
0x34d: {  	(xrf2) =	vadd.scan.msk.f32 $0xffff, v1;
	v33 =	vadd.f32 v28, v8;
	v37 =	vmul.f32 v23, v60;
	v57 =	vadd.f32 v59, v4;
	v59 =	vld [tilespmem:$0x1F890]  }
0x34e: {  	(xrf2) =	vadd.scan.msk.f32 $0xffff, v3;
	v60 =	vld [tilespmem:s21+$0x2FE0]  }
0x34f: {  	v10 =	vadd.f32 v35, v55;
	v6 =	vmul.f32 v47, v46;
	(xrf2) =	vadd.scan.msk.f32 $0xffff, v0;
	v23 =	vld [tilespmem:$0x1F870];
	v44 =	vadd.f32 v37, v33  }
0x350: {  	(xrf2) =	vadd.scan.msk.f32 $0xffff, v5;
	v34 =	vld [tilespmem:$0x1F830];
	v2 =	vadd.f32 v2, v40  }
0x351: {  	v1 =	vadd.f32 v6, v45;
	v9 =	vadd.f32 v21, v10;
	v6 =	vmul.f32 v32, v54;
	v11, _, _ =	vpop (xrf2);
	v33 =	vld [tilespmem:$0x1F820];
	(xrf2) =	vadd.scan.msk.f32 $0xffff, v44  }
0x352: {  	v37 =	vld [tilespmem:$0x1F950];
	v2 =	vadd.f32 v49, v2;
	v4, _, _ =	vpop (xrf2);
	v12 =	vmul.f32 v59, v58  }
0x353: {  	v61 =	vmul.f32 v43, v39;
	v41 =	vld [tilespmem:$0x1F810];
	v27 =	vadd.f32 v51, v9;
	v1 =	vadd.f32 v6, v1;
	v62, _, _ =	vpop (xrf2)  }
0x354: {  	v26 =	vld [tilespmem:s21+$0x2FF0];
	v15 =	vmul.f32 v30, v29;
	v8 =	vmul.f32 v48, v23;
	(xrf2) =	vadd.scan.msk.f32 $0xffff, v2;
	v25, _, _ =	vpop (xrf2);
	v3 =	vadd.f32 v12, v57  }
0x355: {  	v35 =	vld [tilespmem:s21+$0x30E0];
	v1 =	vadd.f32 v61, v1;
	v28, _, _ =	vpop (xrf2);
	v12 =	vadd.f32 v24, v52  }
0x356: {  	v31 =	vld [tilespmem:s21+$0x8E0];
	v0 =	vmul.f32 v56, v53;
	v6 =	vadd.f32 v15, v27;
	v32, _, _ =	vpop (xrf2);
	v3 =	vadd.f32 v8, v3  }
0x357: {  	v39 =	vld [tilespmem:s21+$0x8F0];
	v13 =	vmul.f32 v60, v36;
	(xrf2) =	vadd.scan.msk.f32 $0xffff, v1;
	v38, _, _ =	vpop (xrf2);
	v8 =	vmul.f32 v34, v33;
	v12 =	vadd.f32 v37, v12  }
0x358: {  	v18 =	vmul.f32 v41, v63;
	v42 =	vld [tilespmem:s21+$0x30F0];
	v40, _, _ =	vpop (xrf2);
	v0 =	vadd.f32 v0, v3  }
0x359: {  	v6 =	vadd.f32 v13, v6;
	v2 =	vmul.f32 v26, v22;
	v43, _, _ =	vpop (xrf2);
	v8 =	vadd.f32 v8, v12  }
0x35a: {  	v44, _, _ =	vpop (xrf2);
	(xrf2) =	vadd.scan.msk.f32 $0xffff, v0  }
0x35b: {  	v46 =	vmul.f32 v35, v31;
	v2 =	vadd.f32 v2, v6;
	v47, _, _ =	vpop (xrf2);
	v45 =	vadd.f32 v18, v8  }
0x35c: {  	v12 =	vbroadcast v47, $0xF;
	v0 =	vbroadcast v44, $0xF  }
0x35d: {  	v1 =	vmul.f32 v42, v39;
	v48 =	vbroadcast v43, $0xF;
	(xrf2) =	vadd.scan.msk.f32 $0xffff, v2;
	v6 =	vadd.f32 v46, v45  }
0x35e: {  	v3 =	vbroadcast v40, $0xF;
	v49, _, _ =	vpop (xrf2);
	v0 =	vsel vm0, v0, v12  }
0x35f: {  	v50 =	vbroadcast v49, $0xF;
	v0 =	vsel vm1, v0, v48;
	v1 =	vadd.f32 v1, v6  }
0x360: {  	v51 =	vbroadcast v38, $0xF;
	v0 =	vsel vm2, v0, v3  }
0x361: {  	v52 =	vbroadcast v32, $0xF;
	v53, _, _ =	vpop (xrf2);
	v0 =	vsel vm3, v0, v50;
	(xrf2) =	vadd.scan.msk.f32 $0xffff, v1  }
0x362: {  	v0 =	vsel vm4, v0, v51;
	v1 =	vbroadcast v53, $0xF  }
0x363: {  	v54 =	vbroadcast v28, $0xF;
	v0 =	vsel vm5, v0, v52  }
0x364: {  	v55 =	vbroadcast v25, $0xF;
	v0 =	vsel vm6, v0, v1;
	v56, _, _ =	vpop (xrf2)  }
0x365: {  	v0 =	vsel vm7, v0, v54;
	v57 =	vbroadcast v56, $0xF  }
0x366: {  	v58 =	vbroadcast v62, $0xF;
	v0 =	vsel vm8, v0, v55  }
0x367: {  	v59 =	vbroadcast v4, $0xF;
	v60, _, _ =	vpop (xrf2);
	v0 =	vsel vm9, v0, v57  }
0x368: {  	v61 =	vbroadcast v60, $0xF;
	v0 =	vsel vm10, v0, v58  }
0x369: {  	v62 =	vbroadcast v11, $0xF;
	v0 =	vsel vm11, v0, v59  }
0x36a: {  	v0 =	vsel vm12, v0, v61  }
0x36b: {  	s20 =	sshll.u32 s20, $0x4;
	s18 =	sadd.s32 $0x1, s18;
	v63, _, _ =	vpop (xrf2);
	v0 =	vsel vm13, v0, v62  }
0x36c: {  	s20 =	sand.u32 $0x3FFFFFF0, s20;
	p0 =	sne.s32 s18, $0x7D;
	v0 =	vsel vm14, v0, v63  }
.Ltmp1:
0x36d: {  	s19 =	sadd.s32 s6, s19;
	[tilespmem:s20+$0x5100] =	vst v0;
	(pc) =	sbr.rel @p0 .LBB2_2-.Ltmp1, $4  }
0x36e: {  	[hbm4b:s19+s1] =	stream.linear.scatter [tilespmem:s16], [sflag:$0x3], $0x50, $0x38;
	[tilespmem:$0x5180] =	vst v63  }
0x36f: {  	_ =	swait.ge [sflag:s9], $0x50  }
0x370: {  	[sflag:s9] =	ssyncset.done $0x0  }
0x371: {  	[sflag:s9] =	ssyncadd.s32 $0xFFFFFFB0  }
0x372: {  	s17 =	sadd.s32 $0x1, s17  }
0x373: {  	p0 =	sne.s32 s17, s8  }
.Ltmp2:
0x374: {  	_ = 	snop;
	(pc) =	sbr.rel @p0 .LBB2_1-.Ltmp2, $1  }
0x375: {  	_ =	sdelay $0x3  }
0x376: {  	_ =	sfence.sel $0x180000  }
0x377: {  	[bflag:$0x0] =	sbarrier.arrive $0xFFFF  }
0x378: {  	p0 =	sne.s32 s2, $0x0;
	_ =	strace $0x90000050  }
0x379: {  	s0 =	sadd.s32 @!p0 $0x100000, s0;
	[bflag:$0x2] =	sbarrier.arrive $0xFFFF  }
0x37a: {  	[sflag:s0] =	ssyncadd.tile.s32 @!p0 $0x1;
	_ =	shalt  }
.Lfunc_end2:
_tile_overlayer_lowered:
.L_overlay_start_2:
0x37b: {  	(tag) =	ssettag $0x2  }
0x37c: {  	s0 =	rddreg [dreg:$0x0];
	s2 =	stileid.u32  }
0x37d: {  	s1 =	rddreg [dreg:$0x1];
	p0 =	sne.s32 s2, $0x0  }
0x37e: {  	s3 =	rddreg [dreg:$0x2];
	[bflag:$0x3] =	sbarrier.arrive $0xFFFF;
	s2 =	simm.s32 @!p0 $0x1C03  }
0x37f: {  	[timem:s3], [sflag:s2] =	dma.local @!p0 [hbm:s0], s1  }
0x380: {  	s0 =	simm.s32 @!p0 $0x3  }
0x381: {  	_ =	swait.ge @!p0 [sflag:s0], s1  }
0x382: {  	s1 =	ssub.s32 @!p0 $0x0, s1;
	[sflag:s0] =	ssyncset.done @!p0 $0x0  }
0x383: {  	[sflag:s0] =	ssyncadd.s32 @!p0 s1  }
0x384: {  	[bflag:$0x3] =	sbarrier.arrive $0xFFFF  }
0x385: {  	_ =	shalt  }

// kernel: kernel.9.cloned.1.call-start
scs
__scs_entry_jumppad:
0x0: {  	(pc) =	sbr.rel $0x88, $3  }
0x1: {  	(tag) =	ssettag $0x0;
	lr =	simm.s32 $0x1  }
0x2: {  	[smem:$0x3F99] =	sst lr;
	_ =	strace $0xD0000000  }
0x3: {  	_ = 	snop  }
0x4: {  	_ = 	snop  }
0x5: {  	_ = 	snop  }
0x6: {  	_ = 	snop  }
0x7: {  	_ = 	snop  }
__scs_overlays_trampoline_lowered:
0x8: {  	[smem:$0x3FA8] =	sst s0  }
0x9: {  	[smem:$0x3FA9] =	sst s1  }
0xa: {  	[smem:$0x3FAA] =	sst s2  }
0xb: {  	[smem:$0x3FAB] =	sst s3  }
0xc: {  	[smem:$0x3FAC] =	sst s4  }
0xd: {  	[smem:$0x3FAD] =	sst s5  }
0xe: {  	[smem:$0x3FAE] =	sst s6  }
0xf: {  	[smem:$0x3FAF] =	sst s7  }
0x10: {  	[smem:$0x3FB0] =	sst s8  }
0x11: {  	[smem:$0x3FB1] =	sst s9;
	s0 =	simm.s32 @!p0 $0x0  }
0x12: {  	s1 =	sld [smem:$0x3F97];
	s0 =	simm.s32 @p0 $0x1  }
0x13: {  	[smem:$0x3FB2] =	sst s0;
	s0 =	simm.s32 @!p1 $0x0  }
0x14: {  	s2 =	sld [smem:$0x3F96];
	s0 =	simm.s32 @p1 $0x1  }
0x15: {  	[smem:$0x3FB3] =	sst s0;
	s0 =	simm.s32 @!p2 $0x0  }
0x16: {  	s3 =	sld [smem:$0x3FDB];
	s0 =	simm.s32 @p2 $0x1  }
0x17: {  	s4 =	simm.s32 $0x1BF5;
	[smem:$0x3FB5] =	sst s0  }
0x18: {  	s0 =	sld [smem:$0x3F98];
	_ =	swait.ge [sflag:s4], $0x0  }
0x19: {  	s7 =	sld [smem:$0x3F99]  }
0x1a: {  	s8 =	sadd.s32 $0xFFFFE003, lr  }
0x1b: {  	s9 =	sadd.s32 $0xFFFFFEF7, lr;
	s5 =	simm.s32 $0xFFFFFFFF;
	p2 =	slt.u32 s8, $0xFFFFF086  }
0x1c: {  	p1 =	slt.u32 s9, $0xF7A;
	s5 =	simm.s32 @!p2 $0x0  }
0x1d: {  	s5 =	simm.s32 @p1 $0x1;
	p0 =	seq.s32 s7, s2  }
0x1e: {  	s7 =	smul.u32 @!p0 $0xF7A, s2;
	p2 =	seq.s32 @!p0 s5, $0x0  }
0x1f: {  	s9 =	smul.u32 $0xF7A, s1;
	s8 =	simm.s32 @!p0 $0x1BF5;
	p2 =	por !p2, p0  }
0x20: {  	[sflag:s8] =	ssyncset.s32 @!p0 $0xFFFFF086;
	s6 =	sadd.s32 @!p0 s3, s7;
	s7 =	simm.s32 @!p0 $0x108  }
0x21: {  	s3 =	sadd.s32 s3, s9;
	s6 =	sadd.s32 @!p0 $0x88, s6;
	s7 =	simm.s32 @p2 $0x1082  }
0x22: {  	[simem:s7], [sflag:s8] =	dma.local @!p0 [hbm:s6], $0xF7A  }
0x23: {  	s9 =	sor.u32 $0xD0000000, s2;
	s6 =	simm.s32 $0x108;
	_ =	swait.ge @!p0 [sflag:s8], $0x0  }
0x24: {  	s3 =	sadd.s32 $0x88, s3;
	s6 =	simm.s32 @!p1 $0x1082;
	[sflag:s4] =	ssyncset.s32 $0xFFFFF086  }
0x25: {  	[simem:s6], [sflag:s4] =	dma.local [hbm:s3], $0xF7A  }
0x26: {  	[smem:$0x3F99] =	sst s1;
	(tag) =	ssettag s2;
	_ =	strace s9  }
0x27: {  	s1 =	sld [smem:$0x3FA9]  }
0x28: {  	s2 =	sld [smem:$0x3FAA]  }
0x29: {  	s4 =	sld [smem:$0x3FAC]  }
0x2a: {  	p0 =	seq.s32 s5, $0x0;
	s5 =	sld [smem:$0x3FAD]  }
0x2b: {  	s6 =	sld [smem:$0x3FAE]  }
0x2c: {  	s7 =	sld [smem:$0x3FAF]  }
0x2d: {  	s3 =	simm.s32 $0x108;
	s8 =	sld [smem:$0x3FB0]  }
0x2e: {  	s3 =	simm.s32 @!p0 $0x1082;
	s9 =	sld [smem:$0x3FB1]  }
0x2f: {  	lr =	sadd.s32 s0, s3;
	s0 =	sld [smem:$0x3FA8]  }
0x30: {  	s3 =	sld [smem:$0x3FAB]  }
0x31: {  	[smem:$0x3FB4] =	sst s10  }
0x32: {  	s10 =	sld [smem:$0x3FB2];
	_ =	sdelay $0x3  }
0x33: {  	p0 =	seq.s32 s10, $0x1;
	s10 =	sld [smem:$0x3FB4];
	_ =	sdelay $0x3  }
0x34: {  	[smem:$0x3FB4] =	sst s10  }
0x35: {  	s10 =	sld [smem:$0x3FB3];
	_ =	sdelay $0x3  }
0x36: {  	p1 =	seq.s32 s10, $0x1;
	s10 =	sld [smem:$0x3FB4];
	_ =	sdelay $0x3  }
0x37: {  	[smem:$0x3FB4] =	sst s10  }
0x38: {  	s10 =	sld [smem:$0x3FB5]  }
0x39: {  	_ = 	snop;
	(pc) =	sbr.ind lr, $3  }
0x3a: {  	_ = 	snop  }
0x3b: {  	_ = 	snop  }
0x3c: {  	p2 =	seq.s32 s10, $0x1;
	s10 =	sld [smem:$0x3FB4]  }
0x3d: {  	_ =	shalt  }
0x3e: {  	_ =	shalt  }
0x3f: {  	_ =	shalt  }
0x40: {  	_ =	shalt  }
0x41: {  	_ =	shalt  }
0x42: {  	_ =	shalt  }
0x43: {  	_ =	shalt  }
0x44: {  	_ =	shalt  }
0x45: {  	_ =	shalt  }
0x46: {  	_ =	shalt  }
0x47: {  	_ =	shalt  }
0x48: {  	_ =	shalt  }
0x49: {  	_ =	shalt  }
0x4a: {  	_ =	shalt  }
0x4b: {  	_ =	shalt  }
0x4c: {  	_ =	shalt  }
0x4d: {  	_ =	shalt  }
0x4e: {  	_ =	shalt  }
0x4f: {  	_ =	shalt  }
0x50: {  	_ =	shalt  }
0x51: {  	_ =	shalt  }
0x52: {  	_ =	shalt  }
0x53: {  	_ =	shalt  }
0x54: {  	_ =	shalt  }
0x55: {  	_ =	shalt  }
0x56: {  	_ =	shalt  }
0x57: {  	_ =	shalt  }
0x58: {  	_ =	shalt  }
0x59: {  	_ =	shalt  }
0x5a: {  	_ =	shalt  }
0x5b: {  	_ =	shalt  }
0x5c: {  	_ =	shalt  }
0x5d: {  	_ =	shalt  }
0x5e: {  	_ =	shalt  }
0x5f: {  	_ =	shalt  }
0x60: {  	_ =	shalt  }
0x61: {  	_ =	shalt  }
0x62: {  	_ =	shalt  }
0x63: {  	_ =	shalt  }
0x64: {  	_ =	shalt  }
0x65: {  	_ =	shalt  }
0x66: {  	_ =	shalt  }
0x67: {  	_ =	shalt  }
0x68: {  	_ =	shalt  }
0x69: {  	_ =	shalt  }
0x6a: {  	_ =	shalt  }
0x6b: {  	_ =	shalt  }
0x6c: {  	_ =	shalt  }
0x6d: {  	_ =	shalt  }
0x6e: {  	_ =	shalt  }
0x6f: {  	_ =	shalt  }
0x70: {  	_ =	shalt  }
0x71: {  	_ =	shalt  }
0x72: {  	_ =	shalt  }
0x73: {  	_ =	shalt  }
0x74: {  	_ =	shalt  }
0x75: {  	_ =	shalt  }
0x76: {  	_ =	shalt  }
0x77: {  	_ =	shalt  }
0x78: {  	_ =	shalt  }
0x79: {  	_ =	shalt  }
0x7a: {  	_ =	shalt  }
0x7b: {  	_ =	shalt  }
0x7c: {  	_ =	shalt  }
0x7d: {  	_ =	shalt  }
0x7e: {  	_ =	shalt  }
0x7f: {  	_ =	shalt  }
0x80: {  	_ =	shalt  }
0x81: {  	_ =	shalt  }
0x82: {  	_ =	shalt  }
0x83: {  	_ =	shalt  }
0x84: {  	_ =	shalt  }
0x85: {  	_ =	shalt  }
0x86: {  	_ =	shalt  }
0x87: {  	_ =	shalt  }
.Lfunc_end0:
.L_simem_size_0:
called_computation_lowered:
.L_overlay_start_0:
0x88: {  	s2 =	sld [smem:$0x3FD9]  }
0x89: {  	s3 =	sld [smem:$0x3FFE];
	_ =	sdelay $0x1  }
0x8a: {  	s1 =	srdreg.scid  }
0x8b: {  	s0 =	sand.u32 $0x1, s1  }
0x8c: {  	s17 =	sshll.u32 s0, $0xA;
	s2 =	sadd.s32 s3, s2  }
0x8d: {  	s2 =	sadd.s32 s2, s17  }
0x8e: {  	[smem:$0x3FC0] =	sst s2  }
0x8f: {  	_ = 	snop  }
0x90: {  	s2 =	sld [smem:$0x3FD0];
	(tm) =	ssettm $0x1  }
0x91: {  	s18 =	sld [smem:$0x3FFB];
	_ =	sdelay $0x3  }
0x92: {  	_ =	strace s18  }
0x93: {  	s3 =	sld [smem:$0x3FFC];
	_ =	sdelay $0x3  }
0x94: {  	_ =	strace s3  }
0x95: {  	s3 =	sld [smem:$0x3FFD];
	_ =	sdelay $0x3  }
0x96: {  	_ =	strace s3  }
0x97: {  	_ =	strace $0x8FFFFFFF  }
0x98: {  	s19 =	sld [smem:$0x3FDB];
	_ =	sdelay $0x1  }
0x99: {  	s4 =	simm.s32 $_scs_section_size  }
0x9a: {  	s5 =	simm.s32 $_size__tile_overlayer_lowered;
	s6 =	simm.s32 $_tile_overlayer_lowered  }
0x9b: {  	s22 =	simm.s32 $0x1BFF;
	s21 =	sshll.u32 s6, $0x1;
	s3 =	sadd.s32 s4, s19  }
0x9c: {  	s7 =	simm.s32 $0x0;
	s20 =	sshll.u32 s5, $0x1;
	s5 =	sadd.s32 s21, s3  }
0x9d: {  	[timem:s7], [sflag:s22] =	dma.local [hbm:s5], s20  }
0x9e: {  	_ =	swait.ge [sflag:s22], s20  }
0x9f: {  	s4 =	ssub.s32 $0x0, s20;
	[sflag:s22] =	ssyncset.done $0x0  }
0xa0: {  	[sflag:s22] =	ssyncadd.s32 s4;
	_ =	sdelay $0x1  }
0xa1: {  	s23 =	simm.s32 $0x1B8B  }
0xa2: {  	_ =	swait.ge [sflag:s23], $0x1  }
0xa3: {  	[sflag:s23] =	ssyncset.done $0x0  }
0xa4: {  	s25 =	simm.s32 $0x1B8E;
	s24 =	sld [smem:$0x3FFE];
	[sflag:s23] =	ssyncadd.s32 $0xFFFFFFFF  }
0xa5: {  	s26 =	simm.s32 $execute0_lowered;
	[smem:$0x3FD2] =	sst s25  }
0xa6: {  	s5 =	sshll.u32 s26, $0x1;
	_ =	strace $0x80000046;
	[dreg:$0x1] =	wrdreg $0xFFFFFFFF  }
0xa7: {  	s28 =	simm.s32 $_size_execute0_lowered;
	s3 =	sadd.s32 s3, s5;
	[dreg:$0x0] =	wrdreg $0x0  }
0xa8: {  	s5 =	sshll.u32 s28, $0x1;
	[dreg:$0x2] =	wrdreg s3  }
0xa9: {  	[dreg:$0x3] =	wrdreg s5  }
0xaa: {  	[dreg:$0x4] =	wrdreg $0xC0  }
0xab: {  	_ =	task [dreg:s7], $0x5FFFF  }
0xac: {  	[dreg:$0x1] =	wrdreg $0xFFFFFFFF  }
0xad: {  	[dreg:$0x0] =	wrdreg $0x60  }
0xae: {  	[dreg:$0x2] =	wrdreg s24  }
0xaf: {  	[dreg:$0x3] =	wrdreg s2  }
0xb0: {  	[dreg:$0x4] =	wrdreg $0x0  }
0xb1: {  	[dreg:$0x5] =	wrdreg $0x9  }
0xb2: {  	_ =	task.clear_ibuf [dreg:s7], $0x6FFFF;
	_ =	strace $0x90000046  }
0xb3: {  	s29 =	simm.s32 $0x9;
	_ =	strace $0x80000048  }
0xb4: {  	_ =	swait.ge [sflag:s29], $0x1  }
0xb5: {  	[sflag:s29] =	ssyncadd.s32 $0xFFFFFFFF  }
0xb6: {  	_ =	strace $0x90000048  }
0xb7: {  	_ =	sfence  }
0xb8: {  	s30 =	sld [smem:$0x0];
	_ =	sdelay $0x2  }
0xb9: {  	s31 =	sshll.u32 s1, $0xD;
	s1 =	sshrl.u32 s1, $0x2  }
0xba: {  	s3 =	sand.u32 $0x4000, s31;
	s1 =	sadd.s32 s1, s30  }
0xbb: {  	s0 =	sor.u32 s3, s0;
	s1 =	sshll.u32 s1, $0x11  }
0xbc: {  	s0 =	sor.u32 s1, s0  }
0xbd: {  	s0 =	sadd.s32 $0x8F2B, s0  }
0xbe: {  	[sflag:s0] =	ssyncadd.remote.s32 $0x1  }
0xbf: {  	_ =	sfence.sel $0xFFFF  }
0xc0: {  	[dreg:$0x0] =	wrdreg $0xFFFFFFFF;
	(pc) =	sbr.abs _section_cstart, $3  }
0xc1: {  	[dreg:$0x1] =	wrdreg $0xFFFFFFFF  }
0xc2: {  	_ =	task.clear_ibuf [dreg:s7], $0x2FFFF;
	_ =	strace $0x9FFFFFFF  }
0xc3: {  	(tm) =	ssettm $0x7FFFFFFF  }
tec
execute0_lowered:
.L_overlay_start_1:
0x0: {  	(tag) =	ssettag $0x1  }
0x1: {  	s4 =	rddreg [dreg:$0x0]  }
0x2: {  	s6 =	rddreg [dreg:$0x1]  }
0x3: {  	s0 =	srdreg.scid;
	s2 =	rddreg [dreg:$0x2]  }
0x4: {  	s1 =	rddreg [dreg:$0x3];
	s3 =	simm.s32 $0x0;
	s5 =	sand.u32 $0x1, s0  }
0x5: {  	s13 =	simm.s32 $0x2D0;
	s0 =	stileid.u32;
	s7 =	smul.u32 $0x27100, s5  }
0x6: {  	s14 =	simm.s32 $0x0;
	[smem:$0x7FF] =	sst s3;
	s8 =	smul.u32 $0x2710, s0  }
0x7: {  	s28 =	smul.u32 $0x280, s0;
	_ =	strace $0x80000047;
	s9 =	ssub.s32 $0x2, s5  }
0x8: {  	s5 =	smul.u32 $0x2800, s5;
	s31 =	sshll.u32 s0, $0x6;
	s11 =	sshrl.u32 s9, $0x1  }
0x9: {  	s7 =	sadd.s32 s8, s7;
	s10 =	sshrl.u32 s28, $0x3;
	s29 =	ssub.s32 s9, s11  }
0xa: {  	s30 =	sadd.s32 s28, s2;
	s8 =	sadd.s32 s28, s5;
	s5 =	sor.u32 $0x1C01, s31  }
0xb: {  	s11 =	simm.s32 $0x280;
	s7 =	sshrl.u32 s7, $0x3;
	s8 =	sshrl.u32 s8, $0x3  }
0xc: {  	s9 =	sshrl.u32 s30, $0x3;
	s12 =	sadd.s32 s7, s4;
	s4 =	sadd.s32 s10, s4  }
0xd: {  	s6 =	sadd.s32 s6, s8;
	s7 =	smax.u32 s29, $0x1;
	s10 =	simm.s32 $0x1  }
0xe: {  	v0 =	vimm.f32 $1.000000000e+00;
	s4 =	sadd.s32 $0x16800, s4;
	s8 =	sadd.s32 $0x2C00, s12;
	s12 =	simm.s32 $0x50  }
.LBB2_1:
0xf: {  	[spmem:s9], [sflag:s5] =	dma.local [hbm:s4], $0x50  }
0x10: {  	_ =	swait.ge [sflag:s10], $0x50  }
0x11: {  	[sflag:s10] =	ssyncset.done $0x0  }
0x12: {  	[sflag:s10] =	ssyncadd.s32 $0xFFFFFFB0  }
0x13: {  	[tilespmem:$0x2D0] =	vst v0  }
0x14: {  	[tilespmem:$0x2E0] =	vst v0  }
0x15: {  	[tilespmem:$0x2F0] =	vst v0  }
0x16: {  	[tilespmem:$0x300] =	vst v0  }
0x17: {  	[tilespmem:$0x310] =	vst v0  }
0x18: {  	s15 =	sadd.s32 $0x0, s8;
	[bflag:$0x0] =	sbarrier.arrive $0xFFFF  }
0x19: {  	[tilespmem:s11], [sflag:$0x1] =	stream.linear.gather [hbm4b:s15+s3], $0x50, $0x38;
	[tilespmem:$0x320] =	vst v63  }
0x1a: {  	_ =	swait.ge [sflag:s10], $0x50  }
0x1b: {  	[sflag:s10] =	ssyncset.done $0x0  }
0x1c: {  	[sflag:s10] =	ssyncadd.s32 $0xFFFFFFB0  }
0x1d: {  	[spmem:s2] =	stream.indirect.scatter.add.f32 [tilespmem:s13], [sflag:$0x1], $0x1, s11, s12, $0xb8;
	[tilespmem:$0x320] =	vst v63  }
0x1e: {  	_ =	swait.ge [sflag:s10], $0x50  }
0x1f: {  	s16 =	simm.s32 $0x14;
	s15 =	simm.s32 $0xA;
	[sflag:s10] =	ssyncset.done $0x0  }
.LBB2_2:
0x20: {  	s17 =	sadd.s32 s15, s8  }
0x21: {  	[sflag:s10] =	ssyncadd.s32 $0xFFFFFFB0;
	s15 =	smov.u32 s16;
	s18 =	sadd.s32 $0xA, s16  }
0x22: {  	[tilespmem:s11], [sflag:$0x1] =	stream.linear.gather [hbm4b:s17+s3], $0x50, $0x38;
	[tilespmem:$0x320] =	vst v63  }
0x23: {  	p0 =	sne.s32 s16, $0x4D8;
	_ =	swait.ge [sflag:s10], $0x50  }
.Ltmp0:
0x24: {  	[sflag:s10] =	ssyncset.done $0x0;
	(pc) =	sbr.rel @p0 .LBB2_2-.Ltmp0, $4  }
0x25: {  	[sflag:s10] =	ssyncadd.s32 $0xFFFFFFB0  }
0x26: {  	[spmem:s2] =	stream.indirect.scatter.add.f32 [tilespmem:s13], [sflag:$0x1], $0x1, s11, s12, $0xb8;
	[tilespmem:$0x320] =	vst v63  }
0x27: {  	_ =	swait.ge [sflag:s10], $0x50  }
0x28: {  	s16 =	smov.u32 s18;
	[sflag:s10] =	ssyncset.done $0x0  }
0x29: {  	s15 =	sadd.s32 s15, s8;
	[sflag:s10] =	ssyncadd.s32 $0xFFFFFFB0  }
0x2a: {  	[tilespmem:s11], [sflag:$0x1] =	stream.linear.gather [hbm4b:s15+s3], $0x50, $0x38;
	[tilespmem:$0x320] =	vst v63  }
0x2b: {  	_ =	swait.ge [sflag:s10], $0x50  }
0x2c: {  	[sflag:s10] =	ssyncset.done $0x0  }
0x2d: {  	[sflag:s10] =	ssyncadd.s32 $0xFFFFFFB0  }
0x2e: {  	[spmem:s2] =	stream.indirect.scatter.add.f32 [tilespmem:s13], [sflag:$0x1], $0x1, s11, s12, $0xb8;
	[tilespmem:$0x320] =	vst v63  }
0x2f: {  	_ =	swait.ge [sflag:s10], $0x50  }
0x30: {  	s14 =	sadd.s32 $0x1, s14;
	[sflag:s10] =	ssyncset.done $0x0  }
0x31: {  	p0 =	sne.s32 s14, s7;
	[sflag:s10] =	ssyncadd.s32 $0xFFFFFFB0  }
.Ltmp1:
0x32: {  	[bflag:$0x0] =	sbarrier.arrive $0xFFFF;
	(pc) =	sbr.rel @p0 .LBB2_1-.Ltmp1, $4  }
0x33: {  	[hbm:s6], [sflag:s5] =	dma.local [spmem:s9], $0x50  }
0x34: {  	_ =	swait.ge [sflag:s10], $0x50  }
0x35: {  	[sflag:s10] =	ssyncset.done $0x0  }
0x36: {  	[sflag:s10] =	ssyncadd.s32 $0xFFFFFFB0  }
0x37: {  	_ =	sfence.sel $0x180000  }
0x38: {  	[bflag:$0x0] =	sbarrier.arrive $0xFFFF  }
0x39: {  	p0 =	sne.s32 s0, $0x0;
	_ =	strace $0x90000047  }
0x3a: {  	s0 =	sadd.s32 @!p0 $0x100000, s1;
	[bflag:$0x2] =	sbarrier.arrive $0xFFFF  }
0x3b: {  	[sflag:s0] =	ssyncadd.tile.s32 @!p0 $0x1;
	_ =	shalt  }
.Lfunc_end2:
_tile_overlayer_lowered:
.L_overlay_start_2:
0x3c: {  	(tag) =	ssettag $0x2  }
0x3d: {  	s0 =	rddreg [dreg:$0x0];
	s2 =	stileid.u32  }
0x3e: {  	s1 =	rddreg [dreg:$0x1];
	p0 =	sne.s32 s2, $0x0  }
0x3f: {  	s3 =	rddreg [dreg:$0x2];
	[bflag:$0x3] =	sbarrier.arrive $0xFFFF;
	s2 =	simm.s32 @!p0 $0x1C01  }
0x40: {  	[timem:s3], [sflag:s2] =	dma.local @!p0 [hbm:s0], s1  }
0x41: {  	s0 =	simm.s32 @!p0 $0x1  }
0x42: {  	_ =	swait.ge @!p0 [sflag:s0], s1  }
0x43: {  	s1 =	ssub.s32 @!p0 $0x0, s1;
	[sflag:s0] =	ssyncset.done @!p0 $0x0  }
0x44: {  	[sflag:s0] =	ssyncadd.s32 @!p0 s1  }
0x45: {  	[bflag:$0x3] =	sbarrier.arrive $0xFFFF  }
0x46: {  	_ =	shalt  }

</sc_bundles>
